<compile_context>
chip_gen: v7x
topology: tpu7x:2x2x1
jax: 0.10.2.dev20260603
libtpu: 0.0.44.dev20260713+nightly
codegen_flags: <defaults>
</compile_context>

<pallas_src>
import functools

import numpy as np
import jax
import jax.numpy as jnp
from jax import lax
from jax.experimental import pallas as pl
from jax.experimental.pallas import tpu as pltpu
from jax.experimental.pallas import tpu_sc as plsc

_B = 16
_H = 224
_W = 224
_PATCH = 14
_PH = _H // _PATCH
_PW = _W // _PATCH
_P = _PH * _PW
_D = 1024
_L = 2
_NSETS = 4
_BP = _B * _P
_KSEL = 5
_BIG = 3.0e38

_EMB_ROWS = 512
_Q_ROWS = 2048
_K_ROWS = 1024


def _pool_matrix() -> np.ndarray:
    m = np.zeros((_P, _P), np.float32)
    for y in range(_PH):
        for x in range(_PW):
            ys = range(max(0, y - 1), min(_PH, y + 2))
            xs = range(max(0, x - 1), min(_PW, x + 2))
            w = 1.0 / (len(ys) * len(xs))
            for yy in ys:
                for xx in xs:
                    m[y * _PW + x, yy * _PW + xx] = w
    return m


def _resize_matrix(in_size: int, out_size: int) -> np.ndarray:
    o = np.arange(out_size, dtype=np.float64)
    sample = (o + 0.5) * (in_size / out_size) - 0.5
    i = np.arange(in_size, dtype=np.float64)
    w = np.maximum(0.0, 1.0 - np.abs(sample[None, :] - i[:, None]))
    w = w / w.sum(axis=0, keepdims=True)
    return np.ascontiguousarray(w.T).astype(np.float32)


_POOL2 = np.kron(np.eye(2, dtype=np.float32), _pool_matrix())
_RH = _resize_matrix(_PH, _H)
_RWT = _resize_matrix(_PW, _W).T.copy()



_PD = 3 * _PATCH * _PATCH
_PAIR_ELEMS = _PW * _PD
_PAIRS_PER_W = (_B * _PH) // 32


def _patchify_sc_body(pix_hbm, out_hbm, idx_v, slab_v, out_v, sem):
    wid = lax.axis_index("s") * 2 + lax.axis_index("c")
    lane = lax.iota(jnp.int32, 16)
    n_vec = _PAIR_ELEMS // 16

    def idx_body(v, carry):
        e = v * 16 + lane
        x = e // _PD
        r = e % _PD
        c = r // (_PATCH * _PATCH)
        rr = r % (_PATCH * _PATCH)
        dy = rr // _PATCH
        dx = rr % _PATCH
        idx_v[pl.ds(v * 16, 16)] = (c * (_PATCH * _H) + dy * _H
                                    + x * _PATCH + dx)
        return carry

    lax.fori_loop(0, n_vec, idx_body, 0)

    def pair_body(pp, carry):
        gp = wid * _PAIRS_PER_W + pp
        b = gp // _PH
        y = gp % _PH
        cps = [
            pltpu.async_copy(
                pix_hbm.at[pl.ds(((b * 3 + c) * _H + _PATCH * y) * _H,
                                 _PATCH * _H)],
                slab_v.at[pl.ds(c * (_PATCH * _H), _PATCH * _H)], sem)
            for c in range(3)
        ]
        for cp in cps:
            cp.wait()

        def mv_body(v, carry2):
            idx = idx_v[pl.ds(v * 16, 16)]
            out_v[pl.ds(v * 16, 16)] = plsc.load_gather(slab_v, [idx])
            return carry2

        lax.fori_loop(0, n_vec, mv_body, 0)
        pltpu.sync_copy(out_v, out_hbm.at[pl.ds(gp * _PAIR_ELEMS,
                                                _PAIR_ELEMS)])
        return carry

    lax.fori_loop(0, _PAIRS_PER_W, pair_body, 0)


@functools.cache
def _patchify_sc_build():
    return pl.kernel(
        _patchify_sc_body,
        out_type=jax.ShapeDtypeStruct((_BP * _PD,), jnp.float32),
        mesh=plsc.VectorSubcoreMesh(core_axis_name="c", subcore_axis_name="s"),
        compiler_params=pltpu.CompilerParams(needs_layout_passes=False),
        scratch_types=[
            pltpu.VMEM((_PAIR_ELEMS,), jnp.int32),
            pltpu.VMEM((_PAIR_ELEMS,), jnp.float32),
            pltpu.VMEM((_PAIR_ELEMS,), jnp.float32),
            pltpu.SemaphoreType.DMA,
        ],
    )


def _patchify_call(pixf):
    return _patchify_sc_build()(pixf)



def _embed_body(p_ref, wp_ref, bp_ref, wl_ref, bl_ref, pool_ref, f_ref, n_ref):
    t = jnp.dot(p_ref[...].astype(jnp.bfloat16),
                wp_ref[...].astype(jnp.bfloat16),
                preferred_element_type=jnp.float32)
    t = (t + bp_ref[...]).astype(jnp.bfloat16)
    pool = pool_ref[...].astype(jnp.bfloat16)
    for l in range(_L):
        f = jnp.dot(t, wl_ref[l].astype(jnp.bfloat16),
                    preferred_element_type=jnp.float32)
        f = jax.nn.gelu(f + bl_ref[l]).astype(jnp.bfloat16)
        pooled = jnp.dot(pool, f, preferred_element_type=jnp.float32)
        for idx, vb in ((2 * l, f), (2 * l + 1, pooled.astype(jnp.bfloat16))):
            f_ref[idx] = vb
            vr = vb.astype(jnp.float32)
            n_ref[idx] = jnp.sum(vr * vr, axis=1, keepdims=True)


def _embed_call(patches, wp, bp, wl, bl, pool):
    n_blk = _BP // _EMB_ROWS
    return pl.pallas_call(
        _embed_body,
        grid=(n_blk,),
        in_specs=[
            pl.BlockSpec((_EMB_ROWS, patches.shape[1]), lambda i: (i, 0)),
            pl.BlockSpec(wp.shape, lambda i: (0, 0)),
            pl.BlockSpec((1, _D), lambda i: (0, 0)),
            pl.BlockSpec((_L, _D, _D), lambda i: (0, 0, 0)),
            pl.BlockSpec((_L, 1, _D), lambda i: (0, 0, 0)),
            pl.BlockSpec((_EMB_ROWS, _EMB_ROWS), lambda i: (0, 0)),
        ],
        out_specs=[
            pl.BlockSpec((_NSETS, _EMB_ROWS, _D), lambda i: (0, i, 0)),
            pl.BlockSpec((_NSETS, _EMB_ROWS, 1), lambda i: (0, i, 0)),
        ],
        out_shape=[
            jax.ShapeDtypeStruct((_NSETS, _BP, _D), jnp.bfloat16),
            jax.ShapeDtypeStruct((_NSETS, _BP, 1), jnp.float32),
        ],
    )(patches, wp, bp, wl, bl, pool)



def _dist_body(q_ref, k_ref, qn_ref, kn_ref, m_ref):
    qi = pl.program_id(0)
    s = pl.program_id(1)
    jb = pl.program_id(2)
    q = q_ref[0]
    k = k_ref[0]
    g = lax.dot_general(q, k, (((1,), (1,)), ((), ())),
                        preferred_element_type=jnp.float32)
    t = kn_ref[0] - 2.0 * g
    qn = qn_ref[0]
    imgs_per_blk = _K_ROWS // _P
    row_img = (lax.broadcasted_iota(jnp.int32, (_Q_ROWS, 1), 0) // _P
               + qi * (_Q_ROWS // _P))
    for u in range(imgs_per_blk):
        seg = t[:, u * _P:(u + 1) * _P]
        dmin = jnp.min(seg, axis=1, keepdims=True) + qn
        val = jnp.sqrt(jnp.maximum(dmin, 1e-12))
        img = jb * imgs_per_blk + u
        m_ref[u] = jnp.where(row_img == img, _BIG, val)


def _dist_call(f, ncol, nrow):
    n_qblk = _BP // _Q_ROWS
    n_kblk = _BP // _K_ROWS
    imgs_per_blk = _K_ROWS // _P
    return pl.pallas_call(
        _dist_body,
        grid=(n_qblk, _NSETS, n_kblk),
        in_specs=[
            pl.BlockSpec((1, _Q_ROWS, _D), lambda i, s, j: (s, i, 0)),
            pl.BlockSpec((1, _K_ROWS, _D), lambda i, s, j: (s, j, 0)),
            pl.BlockSpec((1, _Q_ROWS, 1), lambda i, s, j: (s, i, 0)),
            pl.BlockSpec((1, 1, _K_ROWS), lambda i, s, j: (s * n_kblk + j, 0, 0)),
        ],
        out_specs=pl.BlockSpec((imgs_per_blk, _Q_ROWS, 1),
                               lambda i, s, j: (s * n_kblk + j, i, 0)),
        out_shape=jax.ShapeDtypeStruct((_NSETS * _B, _BP, 1), jnp.float32),
    )(f, f, ncol, nrow)



_SC_WORKERS = 32
_Q_PER_W = _BP // _SC_WORKERS
_Q_GROUP = 16


def _topmin_sc_body(m_hbm, out_hbm, m_v, s_v):
    wid = lax.axis_index("s") * 2 + lax.axis_index("c")
    base = wid * _Q_PER_W
    pltpu.sync_copy(m_hbm.at[:, pl.ds(base, _Q_PER_W)], m_v)
    lane = lax.iota(jnp.int32, 16)
    sel = lane < _KSEL

    def grp_body(g, carry):
        acc = jnp.zeros((16,), jnp.float32)
        for i in range(_Q_GROUP):
            q = g * _Q_GROUP + i
            col = jnp.full((16,), q, jnp.int32)
            tot = jnp.float32(0.0)
            for s in range(_NSETS):
                v = plsc.load_gather(m_v, [s * _B + lane, col])
                sv = jnp.sort(v)
                tot = tot + jnp.sum(jnp.where(sel, sv, 0.0))
            acc = jnp.where(lane == i, tot * (1.0 / (_NSETS * _KSEL)), acc)
        s_v[pl.ds(g * _Q_GROUP, _Q_GROUP)] = acc
        return carry

    lax.fori_loop(0, _Q_PER_W // _Q_GROUP, grp_body, 0)
    pltpu.sync_copy(s_v, out_hbm.at[pl.ds(base, _Q_PER_W)])


@functools.cache
def _topmin_sc_build():
    return pl.kernel(
        _topmin_sc_body,
        out_type=jax.ShapeDtypeStruct((_BP,), jnp.float32),
        mesh=plsc.VectorSubcoreMesh(core_axis_name="c", subcore_axis_name="s"),
        compiler_params=pltpu.CompilerParams(needs_layout_passes=False),
        scratch_types=[
            pltpu.VMEM((_NSETS * _B, _Q_PER_W), jnp.float32),
            pltpu.VMEM((_Q_PER_W,), jnp.float32),
        ],
    )


def _topmin_call(mt):
    return _topmin_sc_build()(mt)



def _resize_body(s_ref, rh_ref, rwt_ref, px_ref, fin_ref):
    sg = s_ref[0]
    t = jnp.dot(rh_ref[...], sg, preferred_element_type=jnp.float32)
    px_ref[0] = jnp.dot(t, rwt_ref[...], preferred_element_type=jnp.float32)
    fin_ref[...] = jnp.max(sg).reshape(1, 1, 1)


def _resize_call(sg, rh, rwt):
    return pl.pallas_call(
        _resize_body,
        grid=(_B,),
        in_specs=[
            pl.BlockSpec((1, _PH, _PW), lambda b: (b, 0, 0)),
            pl.BlockSpec((_H, _PH), lambda b: (0, 0)),
            pl.BlockSpec((_PW, _W), lambda b: (0, 0)),
        ],
        out_specs=[
            pl.BlockSpec((1, _H, _W), lambda b: (b, 0, 0)),
            pl.BlockSpec((1, 1, 1), lambda b: (b, 0, 0)),
        ],
        out_shape=[
            jax.ShapeDtypeStruct((_B, _H, _W), jnp.float32),
            jax.ShapeDtypeStruct((_B, 1, 1), jnp.float32),
        ],
    )(sg, rh, rwt)



def kernel(pixel_values, W_patch, b_patch, W_layers, b_layers):
    pd = 3 * _PATCH * _PATCH
    pixf = pixel_values.reshape(_B * 3 * _H * _W)
    patches = _patchify_call(pixf).reshape(_BP, pd)

    f, ncol = _embed_call(
        patches, W_patch,
        b_patch.reshape(1, _D),
        W_layers,
        b_layers.reshape(_L, 1, _D),
        jnp.asarray(_POOL2),
    )
    nrow = ncol.reshape(_NSETS * (_BP // _K_ROWS), 1, _K_ROWS)
    m = _dist_call(f, ncol, nrow)
    mt = m.reshape(_NSETS * _B, _BP)
    scores = _topmin_call(mt)
    sg = scores.reshape(_B, _PH, _PW)
    px, fin = _resize_call(sg, jnp.asarray(_RH), jnp.asarray(_RWT))
    return fin.reshape(_B), px

# --- scband reference (transcript-rebuilt; emitter-appended) ---
"""Pipeline reference for scband-mu-sc-10462540333176 (READ-ONLY COPY).

The authoritative reference and input builder live on the scoring server;
editing this copy changes nothing except your own understanding.
"""

import jax, jax.numpy as jnp
import numpy as np

B = 16
H = 224
W = 224
PATCH = 14
PH = H // PATCH
PW = W // PATCH
P = PH * PW
D = 1024
L = 2
R_LIST = (1, 3)
TOPMIN_MIN = 0.0
TOPMIN_MAX = 0.3


def setup_inputs(seed: int = 0) -> dict:
    key = jax.random.key(seed)
    k1, k2, k3, k4 = jax.random.split(key, 4)
    pixel_values = jax.random.normal(k1, (B, 3, H, W), dtype=jnp.float32)
    W_patch = jax.random.normal(k2, (3 * PATCH * PATCH, D), dtype=jnp.float32) * 0.02
    b_patch = jnp.zeros((D,), dtype=jnp.float32)
    W_layers = jax.random.normal(k3, (L, D, D), dtype=jnp.float32) * 0.02
    b_layers = jnp.zeros((L, D), dtype=jnp.float32)
    return {
        'pixel_values': pixel_values,
        'W_patch': W_patch,
        'b_patch': b_patch,
        'W_layers': W_layers,
        'b_layers': b_layers,
    }


def _avg_pool_r(feat, r):
    # feat: [L, B, PH, PW, D]; r x r neighborhood average on the patch grid (stride 1, SAME pad)
    if r == 1:
        return feat
    window = (1, 1, r, r, 1)
    strides = (1, 1, 1, 1, 1)
    summed = jax.lax.reduce_window(feat, 0.0, jax.lax.add, window, strides, 'SAME')
    ones = jnp.ones(feat.shape[:4] + (1,), dtype=feat.dtype)
    counts = jax.lax.reduce_window(ones, 0.0, jax.lax.add, window, strides, 'SAME')
    return summed / counts


def _msm(feat):
    # feat: [L, B, P, D] -> mutual scoring scores [B, P]
    n_ref = B - 1
    k_min = int(TOPMIN_MIN * n_ref)
    k_max = max(k_min + 1, int(np.ceil(TOPMIN_MAX * n_ref)))

    def per_layer(f):
        a = f.reshape(B * P, D)
        sq = jnp.sum(a * a, axis=-1)
        d2 = sq[:, None] + sq[None, :] - 2.0 * (a @ a.T)
        d2 = d2.reshape(B, P, B, P)
        eye = jnp.eye(B, dtype=bool)[:, None, :, None]
        d2 = jnp.where(eye, jnp.inf, d2)
        m = jnp.min(d2, axis=-1)  # [B, P, B] min over ref patches (kNN with k=1)
        m = jnp.sqrt(jnp.maximum(m, 1e-12))
        s = jnp.sort(m, axis=-1)  # ascending; self-distance inf lands at the end
        return jnp.mean(s[..., k_min:k_max], axis=-1)  # topmin-interval average

    scores = jnp.stack([per_layer(feat[l]) for l in range(L)], axis=0)  # [L, B, P]
    return jnp.mean(scores, axis=0)


def reference(pixel_values, W_patch, b_patch, W_layers, b_layers):
    # patchify + linear patch embedding (stand-in for the frozen ViT-L/14 encoder)
    patches = pixel_values.reshape(B, 3, PH, PATCH, PW, PATCH)
    patches = patches.transpose(0, 2, 4, 1, 3, 5).reshape(B, P, 3 * PATCH * PATCH)
    tokens = patches @ W_patch + b_patch  # [B, P, D]
    feats = jax.nn.gelu(jnp.einsum('bpd,lde->lbpe', tokens, W_layers) + b_layers[:, None, None, :])  # [L, B, P, D]
    feats_grid = feats.reshape(L, B, PH, PW, D)
    score_list = []
    for r in R_LIST:
        rf = _avg_pool_r(feats_grid, r).reshape(L, B, P, D)
        score_list.append(_msm(rf))
    scores = jnp.mean(jnp.stack(score_list, axis=0), axis=0)  # [B, P]
    final_scores = jnp.max(scores, axis=1)  # [B]
    scores_pixel = jax.image.resize(scores.reshape(B, PH, PW), (B, H, W), method='bilinear')
    return final_scores, scores_pixel

if __name__ == "__main__":
    import jax
    _d = setup_inputs()
    print(jax.jit(kernel)(*tuple(_d.values())))

</pallas_src>

<mosaic_0001>
#map = affine_map<(d0, d1) -> (0)>
module attributes {stable_mosaic.version = 14 : i64} {
  func.func @_patchify_sc_body(%arg0: i32, %arg1: i32, %arg2: memref<2408448xf32, #tpu.memory_space<hbm>>, %arg3: memref<2408448xf32, #tpu.memory_space<hbm>>, %arg4: memref<9408xi32, #tpu.memory_space<vmem>>, %arg5: memref<9408xf32, #tpu.memory_space<vmem>>, %arg6: memref<9408xf32, #tpu.memory_space<vmem>>, %arg7: memref<!tpu.dma_semaphore, #tpu.memory_space<semaphore_mem>>) attributes {dimension_semantics = [#tpu.dimension_semantics<core_parallel>, #tpu.dimension_semantics<subcore_parallel>], iteration_bounds = array<i64: 2, 16>, scalar_prefetch = 0 : i64, scratch_operands = 4 : i64, tpu.core_type = #tpu.core_type<sc_vector_subcore>, window_params = [{transform_indices = #map}, {transform_indices = #map}]} {
    %mul3A = arith.constant 2 : i32
    %mul3A_0 = arith.muli %arg1, %mul3A : i32
    %add3A = arith.addi %mul3A_0, %arg0 : i32
    %iota3A = tpu.iota {dimensions = array<i32: 0>} : vector<16xi32>
    %scan3A = arith.constant 0 : i32
    %scan3A_1 = arith.constant 0 : i32
    %scan3A_2 = arith.constant 588 : i32
    %scan3A_3 = arith.addi %scan3A_1, %scan3A_2 : i32
    %scan3A_4 = arith.constant 1 : i32
    scf.for %scan3A_12 = %scan3A_1 to %scan3A_3 step %scan3A_4  : i32 {
      %mul3A_13 = arith.constant 16 : i32
      %mul3A_14 = arith.muli %scan3A_12, %mul3A_13 : i32
      %add3A_15 = vector.broadcast %mul3A_14 : i32 to vector<16xi32>
      %add3A_16 = arith.addi %add3A_15, %iota3A : vector<16xi32>
      %jit3A = arith.constant 588 : i32
      %div3A = vector.broadcast %jit3A : i32 to vector<16xi32>
      %div3A_17 = arith.divsi %add3A_16, %div3A : vector<16xi32>
      %sign3A = arith.constant 0 : i32
      %sign3A_18 = vector.broadcast %sign3A : i32 to vector<16xi32>
      %sign3A_19 = arith.cmpi sgt, %add3A_16, %sign3A_18 : vector<16xi32>
      %sign3A_20 = arith.extui %sign3A_19 : vector<16xi1> to vector<16xi32>
      %sign3A_21 = arith.constant 0 : i32
      %sign3A_22 = vector.broadcast %sign3A_21 : i32 to vector<16xi32>
      %sign3A_23 = arith.cmpi slt, %add3A_16, %sign3A_22 : vector<16xi32>
      %sign3A_24 = arith.extui %sign3A_23 : vector<16xi1> to vector<16xi32>
      %sign3A_25 = arith.subi %sign3A_20, %sign3A_24 : vector<16xi32>
      %sign3A_26 = arith.constant 0 : i32
      %sign3A_27 = arith.cmpi sgt, %jit3A, %sign3A_26 : i32
      %sign3A_28 = arith.extui %sign3A_27 : i1 to i32
      %sign3A_29 = arith.constant 0 : i32
      %sign3A_30 = arith.cmpi slt, %jit3A, %sign3A_29 : i32
      %sign3A_31 = arith.extui %sign3A_30 : i1 to i32
      %sign3A_32 = arith.subi %sign3A_28, %sign3A_31 : i32
      %ne3A = vector.broadcast %sign3A_32 : i32 to vector<16xi32>
      %ne3A_33 = arith.cmpi ne, %sign3A_25, %ne3A : vector<16xi32>
      %rem3A = vector.broadcast %jit3A : i32 to vector<16xi32>
      %rem3A_34 = arith.remsi %add3A_16, %rem3A : vector<16xi32>
      %ne3A_35 = arith.constant 0 : i32
      %ne3A_36 = vector.broadcast %ne3A_35 : i32 to vector<16xi32>
      %ne3A_37 = arith.cmpi ne, %rem3A_34, %ne3A_36 : vector<16xi32>
      %and3A = arith.andi %ne3A_33, %ne3A_37 : vector<16xi1>
      %sub3A = arith.constant 1 : i32
      %sub3A_38 = vector.broadcast %sub3A : i32 to vector<16xi32>
      %sub3A_39 = arith.subi %div3A_17, %sub3A_38 : vector<16xi32>
      %select_n3A = arith.select %and3A, %sub3A_39, %div3A_17 : vector<16xi1>, vector<16xi32>
      %jit3A_40 = arith.constant 588 : i32
      %eq3A = arith.constant 0 : i32
      %eq3A_41 = arith.cmpi eq, %jit3A_40, %eq3A : i32
      %jit3A_42 = arith.constant 1 : i32
      %select_n3A_43 = arith.select %eq3A_41, %jit3A_42, %jit3A_40 : i32
      %rem3A_44 = vector.broadcast %select_n3A_43 : i32 to vector<16xi32>
      %rem3A_45 = arith.remsi %add3A_16, %rem3A_44 : vector<16xi32>
      %ne3A_46 = arith.constant 0 : i32
      %ne3A_47 = vector.broadcast %ne3A_46 : i32 to vector<16xi32>
      %ne3A_48 = arith.cmpi ne, %rem3A_45, %ne3A_47 : vector<16xi32>
      %lt3A = arith.constant 0 : i32
      %lt3A_49 = vector.broadcast %lt3A : i32 to vector<16xi32>
      %lt3A_50 = arith.cmpi slt, %rem3A_45, %lt3A_49 : vector<16xi32>
      %lt3A_51 = arith.constant 0 : i32
      %lt3A_52 = arith.cmpi slt, %select_n3A_43, %lt3A_51 : i32
      %ne3A_53 = vector.broadcast %lt3A_52 : i1 to vector<16xi1>
      %ne3A_54 = vector.broadcast %ne3A_53 : vector<16xi1> to vector<16xi1>
      %ne3A_55 = arith.xori %lt3A_50, %ne3A_54 : vector<16xi1>
      %and3A_56 = arith.andi %ne3A_55, %ne3A_48 : vector<16xi1>
      %add3A_57 = vector.broadcast %select_n3A_43 : i32 to vector<16xi32>
      %add3A_58 = arith.addi %rem3A_45, %add3A_57 : vector<16xi32>
      %select_n3A_59 = arith.select %and3A_56, %add3A_58, %rem3A_45 : vector<16xi1>, vector<16xi32>
      %jit3A_60 = arith.constant 196 : i32
      %div3A_61 = vector.broadcast %jit3A_60 : i32 to vector<16xi32>
      %div3A_62 = arith.divsi %select_n3A_59, %div3A_61 : vector<16xi32>
      %sign3A_63 = arith.constant 0 : i32
      %sign3A_64 = vector.broadcast %sign3A_63 : i32 to vector<16xi32>
      %sign3A_65 = arith.cmpi sgt, %select_n3A_59, %sign3A_64 : vector<16xi32>
      %sign3A_66 = arith.extui %sign3A_65 : vector<16xi1> to vector<16xi32>
      %sign3A_67 = arith.constant 0 : i32
      %sign3A_68 = vector.broadcast %sign3A_67 : i32 to vector<16xi32>
      %sign3A_69 = arith.cmpi slt, %select_n3A_59, %sign3A_68 : vector<16xi32>
      %sign3A_70 = arith.extui %sign3A_69 : vector<16xi1> to vector<16xi32>
      %sign3A_71 = arith.subi %sign3A_66, %sign3A_70 : vector<16xi32>
      %sign3A_72 = arith.constant 0 : i32
      %sign3A_73 = arith.cmpi sgt, %jit3A_60, %sign3A_72 : i32
      %sign3A_74 = arith.extui %sign3A_73 : i1 to i32
      %sign3A_75 = arith.constant 0 : i32
      %sign3A_76 = arith.cmpi slt, %jit3A_60, %sign3A_75 : i32
      %sign3A_77 = arith.extui %sign3A_76 : i1 to i32
      %sign3A_78 = arith.subi %sign3A_74, %sign3A_77 : i32
      %ne3A_79 = vector.broadcast %sign3A_78 : i32 to vector<16xi32>
      %ne3A_80 = arith.cmpi ne, %sign3A_71, %ne3A_79 : vector<16xi32>
      %rem3A_81 = vector.broadcast %jit3A_60 : i32 to vector<16xi32>
      %rem3A_82 = arith.remsi %select_n3A_59, %rem3A_81 : vector<16xi32>
      %ne3A_83 = arith.constant 0 : i32
      %ne3A_84 = vector.broadcast %ne3A_83 : i32 to vector<16xi32>
      %ne3A_85 = arith.cmpi ne, %rem3A_82, %ne3A_84 : vector<16xi32>
      %and3A_86 = arith.andi %ne3A_80, %ne3A_85 : vector<16xi1>
      %sub3A_87 = arith.constant 1 : i32
      %sub3A_88 = vector.broadcast %sub3A_87 : i32 to vector<16xi32>
      %sub3A_89 = arith.subi %div3A_62, %sub3A_88 : vector<16xi32>
      %select_n3A_90 = arith.select %and3A_86, %sub3A_89, %div3A_62 : vector<16xi1>, vector<16xi32>
      %jit3A_91 = arith.constant 196 : i32
      %eq3A_92 = arith.constant 0 : i32
      %eq3A_93 = arith.cmpi eq, %jit3A_91, %eq3A_92 : i32
      %jit3A_94 = arith.constant 1 : i32
      %select_n3A_95 = arith.select %eq3A_93, %jit3A_94, %jit3A_91 : i32
      %rem3A_96 = vector.broadcast %select_n3A_95 : i32 to vector<16xi32>
      %rem3A_97 = arith.remsi %select_n3A_59, %rem3A_96 : vector<16xi32>
      %ne3A_98 = arith.constant 0 : i32
      %ne3A_99 = vector.broadcast %ne3A_98 : i32 to vector<16xi32>
      %ne3A_100 = arith.cmpi ne, %rem3A_97, %ne3A_99 : vector<16xi32>
      %lt3A_101 = arith.constant 0 : i32
      %lt3A_102 = vector.broadcast %lt3A_101 : i32 to vector<16xi32>
      %lt3A_103 = arith.cmpi slt, %rem3A_97, %lt3A_102 : vector<16xi32>
      %lt3A_104 = arith.constant 0 : i32
      %lt3A_105 = arith.cmpi slt, %select_n3A_95, %lt3A_104 : i32
      %ne3A_106 = vector.broadcast %lt3A_105 : i1 to vector<16xi1>
      %ne3A_107 = vector.broadcast %ne3A_106 : vector<16xi1> to vector<16xi1>
      %ne3A_108 = arith.xori %lt3A_103, %ne3A_107 : vector<16xi1>
      %and3A_109 = arith.andi %ne3A_108, %ne3A_100 : vector<16xi1>
      %add3A_110 = vector.broadcast %select_n3A_95 : i32 to vector<16xi32>
      %add3A_111 = arith.addi %rem3A_97, %add3A_110 : vector<16xi32>
      %select_n3A_112 = arith.select %and3A_109, %add3A_111, %rem3A_97 : vector<16xi1>, vector<16xi32>
      %jit3A_113 = arith.constant 14 : i32
      %div3A_114 = vector.broadcast %jit3A_113 : i32 to vector<16xi32>
      %div3A_115 = arith.divsi %select_n3A_112, %div3A_114 : vector<16xi32>
      %sign3A_116 = arith.constant 0 : i32
      %sign3A_117 = vector.broadcast %sign3A_116 : i32 to vector<16xi32>
      %sign3A_118 = arith.cmpi sgt, %select_n3A_112, %sign3A_117 : vector<16xi32>
      %sign3A_119 = arith.extui %sign3A_118 : vector<16xi1> to vector<16xi32>
      %sign3A_120 = arith.constant 0 : i32
      %sign3A_121 = vector.broadcast %sign3A_120 : i32 to vector<16xi32>
      %sign3A_122 = arith.cmpi slt, %select_n3A_112, %sign3A_121 : vector<16xi32>
      %sign3A_123 = arith.extui %sign3A_122 : vector<16xi1> to vector<16xi32>
      %sign3A_124 = arith.subi %sign3A_119, %sign3A_123 : vector<16xi32>
      %sign3A_125 = arith.constant 0 : i32
      %sign3A_126 = arith.cmpi sgt, %jit3A_113, %sign3A_125 : i32
      %sign3A_127 = arith.extui %sign3A_126 : i1 to i32
      %sign3A_128 = arith.constant 0 : i32
      %sign3A_129 = arith.cmpi slt, %jit3A_113, %sign3A_128 : i32
      %sign3A_130 = arith.extui %sign3A_129 : i1 to i32
      %sign3A_131 = arith.subi %sign3A_127, %sign3A_130 : i32
      %ne3A_132 = vector.broadcast %sign3A_131 : i32 to vector<16xi32>
      %ne3A_133 = arith.cmpi ne, %sign3A_124, %ne3A_132 : vector<16xi32>
      %rem3A_134 = vector.broadcast %jit3A_113 : i32 to vector<16xi32>
      %rem3A_135 = arith.remsi %select_n3A_112, %rem3A_134 : vector<16xi32>
      %ne3A_136 = arith.constant 0 : i32
      %ne3A_137 = vector.broadcast %ne3A_136 : i32 to vector<16xi32>
      %ne3A_138 = arith.cmpi ne, %rem3A_135, %ne3A_137 : vector<16xi32>
      %and3A_139 = arith.andi %ne3A_133, %ne3A_138 : vector<16xi1>
      %sub3A_140 = arith.constant 1 : i32
      %sub3A_141 = vector.broadcast %sub3A_140 : i32 to vector<16xi32>
      %sub3A_142 = arith.subi %div3A_115, %sub3A_141 : vector<16xi32>
      %select_n3A_143 = arith.select %and3A_139, %sub3A_142, %div3A_115 : vector<16xi1>, vector<16xi32>
      %jit3A_144 = arith.constant 14 : i32
      %eq3A_145 = arith.constant 0 : i32
      %eq3A_146 = arith.cmpi eq, %jit3A_144, %eq3A_145 : i32
      %jit3A_147 = arith.constant 1 : i32
      %select_n3A_148 = arith.select %eq3A_146, %jit3A_147, %jit3A_144 : i32
      %rem3A_149 = vector.broadcast %select_n3A_148 : i32 to vector<16xi32>
      %rem3A_150 = arith.remsi %select_n3A_112, %rem3A_149 : vector<16xi32>
      %ne3A_151 = arith.constant 0 : i32
      %ne3A_152 = vector.broadcast %ne3A_151 : i32 to vector<16xi32>
      %ne3A_153 = arith.cmpi ne, %rem3A_150, %ne3A_152 : vector<16xi32>
      %lt3A_154 = arith.constant 0 : i32
      %lt3A_155 = vector.broadcast %lt3A_154 : i32 to vector<16xi32>
      %lt3A_156 = arith.cmpi slt, %rem3A_150, %lt3A_155 : vector<16xi32>
      %lt3A_157 = arith.constant 0 : i32
      %lt3A_158 = arith.cmpi slt, %select_n3A_148, %lt3A_157 : i32
      %ne3A_159 = vector.broadcast %lt3A_158 : i1 to vector<16xi1>
      %ne3A_160 = vector.broadcast %ne3A_159 : vector<16xi1> to vector<16xi1>
      %ne3A_161 = arith.xori %lt3A_156, %ne3A_160 : vector<16xi1>
      %and3A_162 = arith.andi %ne3A_161, %ne3A_153 : vector<16xi1>
      %add3A_163 = vector.broadcast %select_n3A_148 : i32 to vector<16xi32>
      %add3A_164 = arith.addi %rem3A_150, %add3A_163 : vector<16xi32>
      %select_n3A_165 = arith.select %and3A_162, %add3A_164, %rem3A_150 : vector<16xi1>, vector<16xi32>
      %mul3A_166 = arith.constant 3136 : i32
      %mul3A_167 = vector.broadcast %mul3A_166 : i32 to vector<16xi32>
      %mul3A_168 = arith.muli %select_n3A_90, %mul3A_167 : vector<16xi32>
      %mul3A_169 = arith.constant 224 : i32
      %mul3A_170 = vector.broadcast %mul3A_169 : i32 to vector<16xi32>
      %mul3A_171 = arith.muli %select_n3A_143, %mul3A_170 : vector<16xi32>
      %add3A_172 = arith.addi %mul3A_168, %mul3A_171 : vector<16xi32>
      %mul3A_173 = arith.constant 14 : i32
      %mul3A_174 = vector.broadcast %mul3A_173 : i32 to vector<16xi32>
      %mul3A_175 = arith.muli %select_n3A, %mul3A_174 : vector<16xi32>
      %add3A_176 = arith.addi %add3A_172, %mul3A_175 : vector<16xi32>
      %add3A_177 = arith.addi %add3A_176, %select_n3A_165 : vector<16xi32>
      %mul3A_178 = arith.constant 16 : i32
      %mul3A_179 = arith.muli %scan3A_12, %mul3A_178 : i32
      %swap3A = arith.index_cast %mul3A_179 : i32 to index
      %swap3A_180 = tpu.vector_load %arg4[%swap3A] {strides = array<i32>} : memref<9408xi32, #tpu.memory_space<vmem>>, vector<16xi32>,
      tpu.vector_store %arg4[%swap3A], %add3A_177 {strides = array<i32>} : memref<9408xi32, #tpu.memory_space<vmem>>, vector<16xi32>,
    }
    %scan3A_5 = arith.constant 588 : i32
    %scan3A_6 = arith.constant 0 : i32
    %scan3A_7 = arith.constant 0 : i32
    %scan3A_8 = arith.constant 8 : i32
    %scan3A_9 = arith.addi %scan3A_7, %scan3A_8 : i32
    %scan3A_10 = arith.constant 1 : i32
    scf.for %scan3A_12 = %scan3A_7 to %scan3A_9 step %scan3A_10  : i32 {
      %mul3A_13 = arith.constant 8 : i32
      %mul3A_14 = arith.muli %add3A, %mul3A_13 : i32
      %add3A_15 = arith.addi %mul3A_14, %scan3A_12 : i32
      %jit3A = arith.constant 16 : i32
      %div3A = arith.divsi %add3A_15, %jit3A : i32
      %sign3A = arith.constant 0 : i32
      %sign3A_16 = arith.cmpi sgt, %add3A_15, %sign3A : i32
      %sign3A_17 = arith.extui %sign3A_16 : i1 to i32
      %sign3A_18 = arith.constant 0 : i32
      %sign3A_19 = arith.cmpi slt, %add3A_15, %sign3A_18 : i32
      %sign3A_20 = arith.extui %sign3A_19 : i1 to i32
      %sign3A_21 = arith.subi %sign3A_17, %sign3A_20 : i32
      %sign3A_22 = arith.constant 0 : i32
      %sign3A_23 = arith.cmpi sgt, %jit3A, %sign3A_22 : i32
      %sign3A_24 = arith.extui %sign3A_23 : i1 to i32
      %sign3A_25 = arith.constant 0 : i32
      %sign3A_26 = arith.cmpi slt, %jit3A, %sign3A_25 : i32
      %sign3A_27 = arith.extui %sign3A_26 : i1 to i32
      %sign3A_28 = arith.subi %sign3A_24, %sign3A_27 : i32
      %ne3A = arith.cmpi ne, %sign3A_21, %sign3A_28 : i32
      %rem3A = arith.remsi %add3A_15, %jit3A : i32
      %ne3A_29 = arith.constant 0 : i32
      %ne3A_30 = arith.cmpi ne, %rem3A, %ne3A_29 : i32
      %and3A = arith.andi %ne3A, %ne3A_30 : i1
      %sub3A = arith.constant 1 : i32
      %sub3A_31 = arith.subi %div3A, %sub3A : i32
      %select_n3A = arith.select %and3A, %sub3A_31, %div3A : i32
      %jit3A_32 = arith.constant 16 : i32
      %eq3A = arith.constant 0 : i32
      %eq3A_33 = arith.cmpi eq, %jit3A_32, %eq3A : i32
      %jit3A_34 = arith.constant 1 : i32
      %select_n3A_35 = arith.select %eq3A_33, %jit3A_34, %jit3A_32 : i32
      %rem3A_36 = arith.remsi %add3A_15, %select_n3A_35 : i32
      %ne3A_37 = arith.constant 0 : i32
      %ne3A_38 = arith.cmpi ne, %rem3A_36, %ne3A_37 : i32
      %lt3A = arith.constant 0 : i32
      %lt3A_39 = arith.cmpi slt, %rem3A_36, %lt3A : i32
      %lt3A_40 = arith.constant 0 : i32
      %lt3A_41 = arith.cmpi slt, %select_n3A_35, %lt3A_40 : i32
      %ne3A_42 = arith.xori %lt3A_39, %lt3A_41 : i1
      %and3A_43 = arith.andi %ne3A_42, %ne3A_38 : i1
      %add3A_44 = arith.addi %rem3A_36, %select_n3A_35 : i32
      %select_n3A_45 = arith.select %and3A_43, %add3A_44, %rem3A_36 : i32
      %mul3A_46 = arith.constant 3 : i32
      %mul3A_47 = arith.muli %select_n3A, %mul3A_46 : i32
      %add3A_48 = arith.constant 0 : i32
      %add3A_49 = arith.addi %mul3A_47, %add3A_48 : i32
      %mul3A_50 = arith.constant 224 : i32
      %mul3A_51 = arith.muli %add3A_49, %mul3A_50 : i32
      %mul3A_52 = arith.constant 14 : i32
      %mul3A_53 = arith.muli %mul3A_52, %select_n3A_45 : i32
      %add3A_54 = arith.addi %mul3A_51, %mul3A_53 : i32
      %mul3A_55 = arith.constant 224 : i32
      %mul3A_56 = arith.muli %add3A_54, %mul3A_55 : i32
      %dma_start3A = arith.constant 0 : i32
      %dma_start3A_57 = tpu.memref_slice %arg5[%dma_start3A] : memref<9408xf32, #tpu.memory_space<vmem>> -> memref<3136xf32, #tpu.memory_space<vmem>>
      %dma_start3A_58 = tpu.memref_slice %arg2[%mul3A_56] : memref<2408448xf32, #tpu.memory_space<hbm>> -> memref<3136xf32, #tpu.memory_space<hbm>>
      %dma_start3A_59 = arith.constant 0 : i32
      %dma_start3A_60 = tpu.memref_slice %arg5[%dma_start3A_59] : memref<9408xf32, #tpu.memory_space<vmem>> -> memref<3136xf32, #tpu.memory_space<vmem>>
      %dma_start3A_61 = tpu.memref_slice %arg2[%mul3A_56] : memref<2408448xf32, #tpu.memory_space<hbm>> -> memref<3136xf32, #tpu.memory_space<hbm>>
      tpu.enqueue_dma source(%dma_start3A_61 : memref<3136xf32, #tpu.memory_space<hbm>>) target(%dma_start3A_60 : memref<3136xf32, #tpu.memory_space<vmem>>) target_semaphore(%arg7 : memref<!tpu.dma_semaphore, #tpu.memory_space<semaphore_mem>>)
      %mul3A_62 = arith.constant 3 : i32
      %mul3A_63 = arith.muli %select_n3A, %mul3A_62 : i32
      %add3A_64 = arith.constant 1 : i32
      %add3A_65 = arith.addi %mul3A_63, %add3A_64 : i32
      %mul3A_66 = arith.constant 224 : i32
      %mul3A_67 = arith.muli %add3A_65, %mul3A_66 : i32
      %mul3A_68 = arith.constant 14 : i32
      %mul3A_69 = arith.muli %mul3A_68, %select_n3A_45 : i32
      %add3A_70 = arith.addi %mul3A_67, %mul3A_69 : i32
      %mul3A_71 = arith.constant 224 : i32
      %mul3A_72 = arith.muli %add3A_70, %mul3A_71 : i32
      %dma_start3A_73 = arith.constant 3136 : i32
      %dma_start3A_74 = tpu.memref_slice %arg5[%dma_start3A_73] : memref<9408xf32, #tpu.memory_space<vmem>> -> memref<3136xf32, #tpu.memory_space<vmem>>
      %dma_start3A_75 = tpu.memref_slice %arg2[%mul3A_72] : memref<2408448xf32, #tpu.memory_space<hbm>> -> memref<3136xf32, #tpu.memory_space<hbm>>
      %dma_start3A_76 = arith.constant 3136 : i32
      %dma_start3A_77 = tpu.memref_slice %arg5[%dma_start3A_76] : memref<9408xf32, #tpu.memory_space<vmem>> -> memref<3136xf32, #tpu.memory_space<vmem>>
      %dma_start3A_78 = tpu.memref_slice %arg2[%mul3A_72] : memref<2408448xf32, #tpu.memory_space<hbm>> -> memref<3136xf32, #tpu.memory_space<hbm>>
      tpu.enqueue_dma source(%dma_start3A_78 : memref<3136xf32, #tpu.memory_space<hbm>>) target(%dma_start3A_77 : memref<3136xf32, #tpu.memory_space<vmem>>) target_semaphore(%arg7 : memref<!tpu.dma_semaphore, #tpu.memory_space<semaphore_mem>>)
      %mul3A_79 = arith.constant 3 : i32
      %mul3A_80 = arith.muli %select_n3A, %mul3A_79 : i32
      %add3A_81 = arith.constant 2 : i32
      %add3A_82 = arith.addi %mul3A_80, %add3A_81 : i32
      %mul3A_83 = arith.constant 224 : i32
      %mul3A_84 = arith.muli %add3A_82, %mul3A_83 : i32
      %mul3A_85 = arith.constant 14 : i32
      %mul3A_86 = arith.muli %mul3A_85, %select_n3A_45 : i32
      %add3A_87 = arith.addi %mul3A_84, %mul3A_86 : i32
      %mul3A_88 = arith.constant 224 : i32
      %mul3A_89 = arith.muli %add3A_87, %mul3A_88 : i32
      %dma_start3A_90 = arith.constant 6272 : i32
      %dma_start3A_91 = tpu.memref_slice %arg5[%dma_start3A_90] : memref<9408xf32, #tpu.memory_space<vmem>> -> memref<3136xf32, #tpu.memory_space<vmem>>
      %dma_start3A_92 = tpu.memref_slice %arg2[%mul3A_89] : memref<2408448xf32, #tpu.memory_space<hbm>> -> memref<3136xf32, #tpu.memory_space<hbm>>
      %dma_start3A_93 = arith.constant 6272 : i32
      %dma_start3A_94 = tpu.memref_slice %arg5[%dma_start3A_93] : memref<9408xf32, #tpu.memory_space<vmem>> -> memref<3136xf32, #tpu.memory_space<vmem>>
      %dma_start3A_95 = tpu.memref_slice %arg2[%mul3A_89] : memref<2408448xf32, #tpu.memory_space<hbm>> -> memref<3136xf32, #tpu.memory_space<hbm>>
      tpu.enqueue_dma source(%dma_start3A_95 : memref<3136xf32, #tpu.memory_space<hbm>>) target(%dma_start3A_94 : memref<3136xf32, #tpu.memory_space<vmem>>) target_semaphore(%arg7 : memref<!tpu.dma_semaphore, #tpu.memory_space<semaphore_mem>>)
      %dma_wait3A = arith.constant 0 : i32
      %dma_wait3A_96 = tpu.memref_slice %arg5[%dma_wait3A] : memref<9408xf32, #tpu.memory_space<vmem>> -> memref<3136xf32, #tpu.memory_space<vmem>>
      %dma_wait3A_97 = tpu.memref_slice %arg2[%mul3A_56] : memref<2408448xf32, #tpu.memory_space<hbm>> -> memref<3136xf32, #tpu.memory_space<hbm>>
      %dma_wait3A_98 = arith.constant 0 : i32
      %dma_wait3A_99 = tpu.memref_slice %arg5[%dma_wait3A_98] : memref<9408xf32, #tpu.memory_space<vmem>> -> memref<3136xf32, #tpu.memory_space<vmem>>
      %dma_wait3A_100 = tpu.memref_slice %arg2[%mul3A_56] : memref<2408448xf32, #tpu.memory_space<hbm>> -> memref<3136xf32, #tpu.memory_space<hbm>>
      tpu.wait_dma2 semaphore(%arg7 : memref<!tpu.dma_semaphore, #tpu.memory_space<semaphore_mem>>) src(%dma_wait3A_100 : memref<3136xf32, #tpu.memory_space<hbm>>) dst(%dma_wait3A_99 : memref<3136xf32, #tpu.memory_space<vmem>>)
      %dma_wait3A_101 = arith.constant 3136 : i32
      %dma_wait3A_102 = tpu.memref_slice %arg5[%dma_wait3A_101] : memref<9408xf32, #tpu.memory_space<vmem>> -> memref<3136xf32, #tpu.memory_space<vmem>>
      %dma_wait3A_103 = tpu.memref_slice %arg2[%mul3A_72] : memref<2408448xf32, #tpu.memory_space<hbm>> -> memref<3136xf32, #tpu.memory_space<hbm>>
      %dma_wait3A_104 = arith.constant 3136 : i32
      %dma_wait3A_105 = tpu.memref_slice %arg5[%dma_wait3A_104] : memref<9408xf32, #tpu.memory_space<vmem>> -> memref<3136xf32, #tpu.memory_space<vmem>>
      %dma_wait3A_106 = tpu.memref_slice %arg2[%mul3A_72] : memref<2408448xf32, #tpu.memory_space<hbm>> -> memref<3136xf32, #tpu.memory_space<hbm>>
      tpu.wait_dma2 semaphore(%arg7 : memref<!tpu.dma_semaphore, #tpu.memory_space<semaphore_mem>>) src(%dma_wait3A_106 : memref<3136xf32, #tpu.memory_space<hbm>>) dst(%dma_wait3A_105 : memref<3136xf32, #tpu.memory_space<vmem>>)
      %dma_wait3A_107 = arith.constant 6272 : i32
      %dma_wait3A_108 = tpu.memref_slice %arg5[%dma_wait3A_107] : memref<9408xf32, #tpu.memory_space<vmem>> -> memref<3136xf32, #tpu.memory_space<vmem>>
      %dma_wait3A_109 = tpu.memref_slice %arg2[%mul3A_89] : memref<2408448xf32, #tpu.memory_space<hbm>> -> memref<3136xf32, #tpu.memory_space<hbm>>
      %dma_wait3A_110 = arith.constant 6272 : i32
      %dma_wait3A_111 = tpu.memref_slice %arg5[%dma_wait3A_110] : memref<9408xf32, #tpu.memory_space<vmem>> -> memref<3136xf32, #tpu.memory_space<vmem>>
      %dma_wait3A_112 = tpu.memref_slice %arg2[%mul3A_89] : memref<2408448xf32, #tpu.memory_space<hbm>> -> memref<3136xf32, #tpu.memory_space<hbm>>
      tpu.wait_dma2 semaphore(%arg7 : memref<!tpu.dma_semaphore, #tpu.memory_space<semaphore_mem>>) src(%dma_wait3A_112 : memref<3136xf32, #tpu.memory_space<hbm>>) dst(%dma_wait3A_111 : memref<3136xf32, #tpu.memory_space<vmem>>)
      %scan3A_113 = arith.constant 0 : i32
      %scan3A_114 = arith.constant 0 : i32
      %scan3A_115 = arith.constant 588 : i32
      %scan3A_116 = arith.addi %scan3A_114, %scan3A_115 : i32
      %scan3A_117 = arith.constant 1 : i32
      scf.for %scan3A_121 = %scan3A_114 to %scan3A_116 step %scan3A_117  : i32 {
        %mul3A_122 = arith.constant 16 : i32
        %mul3A_123 = arith.muli %scan3A_121, %mul3A_122 : i32
        %get3A = arith.index_cast %mul3A_123 : i32 to index
        %get3A_124 = tpu.vector_load %arg4[%get3A] {strides = array<i32>} : memref<9408xi32, #tpu.memory_space<vmem>>, vector<16xi32>,
        %gather3A = tpu.vector_load_idx %arg5[%get3A_124] : memref<9408xf32, #tpu.memory_space<vmem>>[vector<16xi32>], vector<16xf32>,
        %mul3A_125 = arith.constant 16 : i32
        %mul3A_126 = arith.muli %scan3A_121, %mul3A_125 : i32
        %swap3A = arith.index_cast %mul3A_126 : i32 to index
        %swap3A_127 = tpu.vector_load %arg6[%swap3A] {strides = array<i32>} : memref<9408xf32, #tpu.memory_space<vmem>>, vector<16xf32>,
        tpu.vector_store %arg6[%swap3A], %gather3A {strides = array<i32>} : memref<9408xf32, #tpu.memory_space<vmem>>, vector<16xf32>,
      }
      %scan3A_118 = arith.constant 588 : i32
      %mul3A_119 = arith.constant 9408 : i32
      %mul3A_120 = arith.muli %add3A_15, %mul3A_119 : i32
      "tpu.region"() ({
        %run_scoped3A = tpu.sem_alloc : memref<!tpu.dma_semaphore, #tpu.memory_space<semaphore_mem>>
        %dma_start3A_121 = tpu.memref_slice %arg3[%mul3A_120] : memref<2408448xf32, #tpu.memory_space<hbm>> -> memref<9408xf32, #tpu.memory_space<hbm>>
        %dma_start3A_122 = tpu.memref_slice %arg3[%mul3A_120] : memref<2408448xf32, #tpu.memory_space<hbm>> -> memref<9408xf32, #tpu.memory_space<hbm>>
        tpu.enqueue_dma source(%arg6 : memref<9408xf32, #tpu.memory_space<vmem>>) target(%dma_start3A_122 : memref<9408xf32, #tpu.memory_space<hbm>>) target_semaphore(%run_scoped3A : memref<!tpu.dma_semaphore, #tpu.memory_space<semaphore_mem>>)
        %dma_wait3A_123 = tpu.memref_slice %arg3[%mul3A_120] : memref<2408448xf32, #tpu.memory_space<hbm>> -> memref<9408xf32, #tpu.memory_space<hbm>>
        %dma_wait3A_124 = tpu.memref_slice %arg3[%mul3A_120] : memref<2408448xf32, #tpu.memory_space<hbm>> -> memref<9408xf32, #tpu.memory_space<hbm>>
        tpu.wait_dma2 semaphore(%run_scoped3A : memref<!tpu.dma_semaphore, #tpu.memory_space<semaphore_mem>>) src(%arg6 : memref<9408xf32, #tpu.memory_space<vmem>>) dst(%dma_wait3A_124 : memref<9408xf32, #tpu.memory_space<hbm>>)
        tpu.yield
      }) : () -> ()
    }
    %scan3A_11 = arith.constant 8 : i32
    return
  }
}

#map = affine_map<(d0, d1) -> (0, 0)>
#map1 = affine_map<(d0, d1) -> (0)>
module attributes {stable_mosaic.version = 14 : i64} {
  func.func @_topmin_sc_body(%arg0: i32, %arg1: i32, %arg2: memref<64x4096xf32, #tpu.memory_space<hbm>>, %arg3: memref<4096xf32, #tpu.memory_space<hbm>>, %arg4: memref<64x128xf32, #tpu.memory_space<vmem>>, %arg5: memref<128xf32, #tpu.memory_space<vmem>>) attributes {dimension_semantics = [#tpu.dimension_semantics<core_parallel>, #tpu.dimension_semantics<subcore_parallel>], iteration_bounds = array<i64: 2, 16>, scalar_prefetch = 0 : i64, scratch_operands = 2 : i64, tpu.core_type = #tpu.core_type<sc_vector_subcore>, window_params = [{transform_indices = #map}, {transform_indices = #map1}]} {
    %mul3A = arith.constant 2 : i32
    %mul3A_0 = arith.muli %arg1, %mul3A : i32
    %add3A = arith.addi %mul3A_0, %arg0 : i32
    %mul3A_1 = arith.constant 128 : i32
    %mul3A_2 = arith.muli %add3A, %mul3A_1 : i32
    "tpu.region"() ({
      %run_scoped3A = tpu.sem_alloc : memref<!tpu.dma_semaphore, #tpu.memory_space<semaphore_mem>>
      %dma_start3A = arith.constant 0 : i32
      %dma_start3A_10 = tpu.memref_slice %arg2[%dma_start3A, %mul3A_2] : memref<64x4096xf32, #tpu.memory_space<hbm>> -> memref<64x128xf32, #tpu.memory_space<hbm>>
      %dma_start3A_11 = arith.constant 0 : i32
      %dma_start3A_12 = tpu.memref_slice %arg2[%dma_start3A_11, %mul3A_2] : memref<64x4096xf32, #tpu.memory_space<hbm>> -> memref<64x128xf32, #tpu.memory_space<hbm>>
      tpu.enqueue_dma source(%dma_start3A_12 : memref<64x128xf32, #tpu.memory_space<hbm>>) target(%arg4 : memref<64x128xf32, #tpu.memory_space<vmem>>) target_semaphore(%run_scoped3A : memref<!tpu.dma_semaphore, #tpu.memory_space<semaphore_mem>>)
      %dma_wait3A = arith.constant 0 : i32
      %dma_wait3A_13 = tpu.memref_slice %arg2[%dma_wait3A, %mul3A_2] : memref<64x4096xf32, #tpu.memory_space<hbm>> -> memref<64x128xf32, #tpu.memory_space<hbm>>
      %dma_wait3A_14 = arith.constant 0 : i32
      %dma_wait3A_15 = tpu.memref_slice %arg2[%dma_wait3A_14, %mul3A_2] : memref<64x4096xf32, #tpu.memory_space<hbm>> -> memref<64x128xf32, #tpu.memory_space<hbm>>
      tpu.wait_dma2 semaphore(%run_scoped3A : memref<!tpu.dma_semaphore, #tpu.memory_space<semaphore_mem>>) src(%dma_wait3A_15 : memref<64x128xf32, #tpu.memory_space<hbm>>) dst(%arg4 : memref<64x128xf32, #tpu.memory_space<vmem>>)
      tpu.yield
    }) : () -> ()
    %iota3A = tpu.iota {dimensions = array<i32: 0>} : vector<16xi32>
    %lt3A = arith.constant 5 : i32
    %lt3A_3 = vector.broadcast %lt3A : i32 to vector<16xi32>
    %lt3A_4 = arith.cmpi slt, %iota3A, %lt3A_3 : vector<16xi32>
    %scan3A = arith.constant 0 : i32
    %scan3A_5 = arith.constant 0 : i32
    %scan3A_6 = arith.constant 8 : i32
    %scan3A_7 = arith.addi %scan3A_5, %scan3A_6 : i32
    %scan3A_8 = arith.constant 1 : i32
    scf.for %scan3A_10 = %scan3A_5 to %scan3A_7 step %scan3A_8  : i32 {
      %broadcast_in_dim3A = arith.constant 0.000000e+00 : f32
      %broadcast_in_dim3A_11 = vector.broadcast %broadcast_in_dim3A : f32 to vector<16xf32>
      %mul3A_12 = arith.constant 16 : i32
      %mul3A_13 = arith.muli %scan3A_10, %mul3A_12 : i32
      %add3A_14 = arith.constant 0 : i32
      %add3A_15 = arith.addi %mul3A_13, %add3A_14 : i32
      %broadcast_in_dim3A_16 = vector.broadcast %add3A_15 : i32 to vector<16xi32>
      %add3A_17 = arith.constant 0 : i32
      %add3A_18 = vector.broadcast %add3A_17 : i32 to vector<16xi32>
      %add3A_19 = arith.addi %add3A_18, %iota3A : vector<16xi32>
      %gather3A = tpu.vector_load_idx %arg4[%add3A_19, %broadcast_in_dim3A_16] : memref<64x128xf32, #tpu.memory_space<vmem>>[vector<16xi32>, vector<16xi32>], vector<16xf32>,
      %sort3A = arith.constant dense<true> : vector<16xi1>
      %sort3A_20, %sort3A_21, %sort3A_22 = tpu.sort %gather3A, %gather3A masked %sort3A : (vector<16xf32>, vector<16xf32>, vector<16xi1>) -> (vector<16xi1>, vector<16xf32>, vector<16xf32>)
      %jit3A = arith.constant 0.000000e+00 : f32
      %broadcast_in_dim3A_23 = vector.broadcast %jit3A : f32 to vector<16xf32>
      %select_n3A = arith.select %lt3A_4, %sort3A_21, %broadcast_in_dim3A_23 : vector<16xi1>, vector<16xf32>
      %reduce_sum3A = arith.constant true
      %reduce_sum3A_24 = vector.broadcast %reduce_sum3A : i1 to vector<16xi1>
      %reduce_sum3A_25 = tpu.scan <sum>, %select_n3A masked %reduce_sum3A_24 : vector<16xf32>, vector<16xi1> -> vector<16xf32>
      %reduce_sum3A_26 = vector.extract %reduce_sum3A_25[15] : f32 from vector<16xf32>
      %add3A_27 = arith.constant 0.000000e+00 : f32
      %add3A_28 = arith.addf %add3A_27, %reduce_sum3A_26 : f32
      %add3A_29 = arith.constant 16 : i32
      %add3A_30 = vector.broadcast %add3A_29 : i32 to vector<16xi32>
      %add3A_31 = arith.addi %add3A_30, %iota3A : vector<16xi32>
      %gather3A_32 = tpu.vector_load_idx %arg4[%add3A_31, %broadcast_in_dim3A_16] : memref<64x128xf32, #tpu.memory_space<vmem>>[vector<16xi32>, vector<16xi32>], vector<16xf32>,
      %sort3A_33 = arith.constant dense<true> : vector<16xi1>
      %sort3A_34, %sort3A_35, %sort3A_36 = tpu.sort %gather3A_32, %gather3A_32 masked %sort3A_33 : (vector<16xf32>, vector<16xf32>, vector<16xi1>) -> (vector<16xi1>, vector<16xf32>, vector<16xf32>)
      %jit3A_37 = arith.constant 0.000000e+00 : f32
      %broadcast_in_dim3A_38 = vector.broadcast %jit3A_37 : f32 to vector<16xf32>
      %select_n3A_39 = arith.select %lt3A_4, %sort3A_35, %broadcast_in_dim3A_38 : vector<16xi1>, vector<16xf32>
      %reduce_sum3A_40 = arith.constant true
      %reduce_sum3A_41 = vector.broadcast %reduce_sum3A_40 : i1 to vector<16xi1>
      %reduce_sum3A_42 = tpu.scan <sum>, %select_n3A_39 masked %reduce_sum3A_41 : vector<16xf32>, vector<16xi1> -> vector<16xf32>
      %reduce_sum3A_43 = vector.extract %reduce_sum3A_42[15] : f32 from vector<16xf32>
      %add3A_44 = arith.addf %add3A_28, %reduce_sum3A_43 : f32
      %add3A_45 = arith.constant 32 : i32
      %add3A_46 = vector.broadcast %add3A_45 : i32 to vector<16xi32>
      %add3A_47 = arith.addi %add3A_46, %iota3A : vector<16xi32>
      %gather3A_48 = tpu.vector_load_idx %arg4[%add3A_47, %broadcast_in_dim3A_16] : memref<64x128xf32, #tpu.memory_space<vmem>>[vector<16xi32>, vector<16xi32>], vector<16xf32>,
      %sort3A_49 = arith.constant dense<true> : vector<16xi1>
      %sort3A_50, %sort3A_51, %sort3A_52 = tpu.sort %gather3A_48, %gather3A_48 masked %sort3A_49 : (vector<16xf32>, vector<16xf32>, vector<16xi1>) -> (vector<16xi1>, vector<16xf32>, vector<16xf32>)
      %jit3A_53 = arith.constant 0.000000e+00 : f32
      %broadcast_in_dim3A_54 = vector.broadcast %jit3A_53 : f32 to vector<16xf32>
      %select_n3A_55 = arith.select %lt3A_4, %sort3A_51, %broadcast_in_dim3A_54 : vector<16xi1>, vector<16xf32>
      %reduce_sum3A_56 = arith.constant true
      %reduce_sum3A_57 = vector.broadcast %reduce_sum3A_56 : i1 to vector<16xi1>
      %reduce_sum3A_58 = tpu.scan <sum>, %select_n3A_55 masked %reduce_sum3A_57 : vector<16xf32>, vector<16xi1> -> vector<16xf32>
      %reduce_sum3A_59 = vector.extract %reduce_sum3A_58[15] : f32 from vector<16xf32>
      %add3A_60 = arith.addf %add3A_44, %reduce_sum3A_59 : f32
      %add3A_61 = arith.constant 48 : i32
      %add3A_62 = vector.broadcast %add3A_61 : i32 to vector<16xi32>
      %add3A_63 = arith.addi %add3A_62, %iota3A : vector<16xi32>
      %gather3A_64 = tpu.vector_load_idx %arg4[%add3A_63, %broadcast_in_dim3A_16] : memref<64x128xf32, #tpu.memory_space<vmem>>[vector<16xi32>, vector<16xi32>], vector<16xf32>,
      %sort3A_65 = arith.constant dense<true> : vector<16xi1>
      %sort3A_66, %sort3A_67, %sort3A_68 = tpu.sort %gather3A_64, %gather3A_64 masked %sort3A_65 : (vector<16xf32>, vector<16xf32>, vector<16xi1>) -> (vector<16xi1>, vector<16xf32>, vector<16xf32>)
      %jit3A_69 = arith.constant 0.000000e+00 : f32
      %broadcast_in_dim3A_70 = vector.broadcast %jit3A_69 : f32 to vector<16xf32>
      %select_n3A_71 = arith.select %lt3A_4, %sort3A_67, %broadcast_in_dim3A_70 : vector<16xi1>, vector<16xf32>
      %reduce_sum3A_72 = arith.constant true
      %reduce_sum3A_73 = vector.broadcast %reduce_sum3A_72 : i1 to vector<16xi1>
      %reduce_sum3A_74 = tpu.scan <sum>, %select_n3A_71 masked %reduce_sum3A_73 : vector<16xf32>, vector<16xi1> -> vector<16xf32>
      %reduce_sum3A_75 = vector.extract %reduce_sum3A_74[15] : f32 from vector<16xf32>
      %add3A_76 = arith.addf %add3A_60, %reduce_sum3A_75 : f32
      %eq3A = arith.constant 0 : i32
      %eq3A_77 = vector.broadcast %eq3A : i32 to vector<16xi32>
      %eq3A_78 = arith.cmpi eq, %iota3A, %eq3A_77 : vector<16xi32>
      %mul3A_79 = arith.constant 5.000000e-02 : f32
      %mul3A_80 = arith.mulf %add3A_76, %mul3A_79 : f32
      %broadcast_in_dim3A_81 = vector.broadcast %mul3A_80 : f32 to vector<16xf32>
      %select_n3A_82 = arith.select %eq3A_78, %broadcast_in_dim3A_81, %broadcast_in_dim3A_11 : vector<16xi1>, vector<16xf32>
      %mul3A_83 = arith.constant 16 : i32
      %mul3A_84 = arith.muli %scan3A_10, %mul3A_83 : i32
      %add3A_85 = arith.constant 1 : i32
      %add3A_86 = arith.addi %mul3A_84, %add3A_85 : i32
      %broadcast_in_dim3A_87 = vector.broadcast %add3A_86 : i32 to vector<16xi32>
      %add3A_88 = arith.constant 0 : i32
      %add3A_89 = vector.broadcast %add3A_88 : i32 to vector<16xi32>
      %add3A_90 = arith.addi %add3A_89, %iota3A : vector<16xi32>
      %gather3A_91 = tpu.vector_load_idx %arg4[%add3A_90, %broadcast_in_dim3A_87] : memref<64x128xf32, #tpu.memory_space<vmem>>[vector<16xi32>, vector<16xi32>], vector<16xf32>,
      %sort3A_92 = arith.constant dense<true> : vector<16xi1>
      %sort3A_93, %sort3A_94, %sort3A_95 = tpu.sort %gather3A_91, %gather3A_91 masked %sort3A_92 : (vector<16xf32>, vector<16xf32>, vector<16xi1>) -> (vector<16xi1>, vector<16xf32>, vector<16xf32>)
      %jit3A_96 = arith.constant 0.000000e+00 : f32
      %broadcast_in_dim3A_97 = vector.broadcast %jit3A_96 : f32 to vector<16xf32>
      %select_n3A_98 = arith.select %lt3A_4, %sort3A_94, %broadcast_in_dim3A_97 : vector<16xi1>, vector<16xf32>
      %reduce_sum3A_99 = arith.constant true
      %reduce_sum3A_100 = vector.broadcast %reduce_sum3A_99 : i1 to vector<16xi1>
      %reduce_sum3A_101 = tpu.scan <sum>, %select_n3A_98 masked %reduce_sum3A_100 : vector<16xf32>, vector<16xi1> -> vector<16xf32>
      %reduce_sum3A_102 = vector.extract %reduce_sum3A_101[15] : f32 from vector<16xf32>
      %add3A_103 = arith.constant 0.000000e+00 : f32
      %add3A_104 = arith.addf %add3A_103, %reduce_sum3A_102 : f32
      %add3A_105 = arith.constant 16 : i32
      %add3A_106 = vector.broadcast %add3A_105 : i32 to vector<16xi32>
      %add3A_107 = arith.addi %add3A_106, %iota3A : vector<16xi32>
      %gather3A_108 = tpu.vector_load_idx %arg4[%add3A_107, %broadcast_in_dim3A_87] : memref<64x128xf32, #tpu.memory_space<vmem>>[vector<16xi32>, vector<16xi32>], vector<16xf32>,
      %sort3A_109 = arith.constant dense<true> : vector<16xi1>
      %sort3A_110, %sort3A_111, %sort3A_112 = tpu.sort %gather3A_108, %gather3A_108 masked %sort3A_109 : (vector<16xf32>, vector<16xf32>, vector<16xi1>) -> (vector<16xi1>, vector<16xf32>, vector<16xf32>)
      %jit3A_113 = arith.constant 0.000000e+00 : f32
      %broadcast_in_dim3A_114 = vector.broadcast %jit3A_113 : f32 to vector<16xf32>
      %select_n3A_115 = arith.select %lt3A_4, %sort3A_111, %broadcast_in_dim3A_114 : vector<16xi1>, vector<16xf32>
      %reduce_sum3A_116 = arith.constant true
      %reduce_sum3A_117 = vector.broadcast %reduce_sum3A_116 : i1 to vector<16xi1>
      %reduce_sum3A_118 = tpu.scan <sum>, %select_n3A_115 masked %reduce_sum3A_117 : vector<16xf32>, vector<16xi1> -> vector<16xf32>
      %reduce_sum3A_119 = vector.extract %reduce_sum3A_118[15] : f32 from vector<16xf32>
      %add3A_120 = arith.addf %add3A_104, %reduce_sum3A_119 : f32
      %add3A_121 = arith.constant 32 : i32
      %add3A_122 = vector.broadcast %add3A_121 : i32 to vector<16xi32>
      %add3A_123 = arith.addi %add3A_122, %iota3A : vector<16xi32>
      %gather3A_124 = tpu.vector_load_idx %arg4[%add3A_123, %broadcast_in_dim3A_87] : memref<64x128xf32, #tpu.memory_space<vmem>>[vector<16xi32>, vector<16xi32>], vector<16xf32>,
      %sort3A_125 = arith.constant dense<true> : vector<16xi1>
      %sort3A_126, %sort3A_127, %sort3A_128 = tpu.sort %gather3A_124, %gather3A_124 masked %sort3A_125 : (vector<16xf32>, vector<16xf32>, vector<16xi1>) -> (vector<16xi1>, vector<16xf32>, vector<16xf32>)
      %jit3A_129 = arith.constant 0.000000e+00 : f32
      %broadcast_in_dim3A_130 = vector.broadcast %jit3A_129 : f32 to vector<16xf32>
      %select_n3A_131 = arith.select %lt3A_4, %sort3A_127, %broadcast_in_dim3A_130 : vector<16xi1>, vector<16xf32>
      %reduce_sum3A_132 = arith.constant true
      %reduce_sum3A_133 = vector.broadcast %reduce_sum3A_132 : i1 to vector<16xi1>
      %reduce_sum3A_134 = tpu.scan <sum>, %select_n3A_131 masked %reduce_sum3A_133 : vector<16xf32>, vector<16xi1> -> vector<16xf32>
      %reduce_sum3A_135 = vector.extract %reduce_sum3A_134[15] : f32 from vector<16xf32>
      %add3A_136 = arith.addf %add3A_120, %reduce_sum3A_135 : f32
      %add3A_137 = arith.constant 48 : i32
      %add3A_138 = vector.broadcast %add3A_137 : i32 to vector<16xi32>
      %add3A_139 = arith.addi %add3A_138, %iota3A : vector<16xi32>
      %gather3A_140 = tpu.vector_load_idx %arg4[%add3A_139, %broadcast_in_dim3A_87] : memref<64x128xf32, #tpu.memory_space<vmem>>[vector<16xi32>, vector<16xi32>], vector<16xf32>,
      %sort3A_141 = arith.constant dense<true> : vector<16xi1>
      %sort3A_142, %sort3A_143, %sort3A_144 = tpu.sort %gather3A_140, %gather3A_140 masked %sort3A_141 : (vector<16xf32>, vector<16xf32>, vector<16xi1>) -> (vector<16xi1>, vector<16xf32>, vector<16xf32>)
      %jit3A_145 = arith.constant 0.000000e+00 : f32
      %broadcast_in_dim3A_146 = vector.broadcast %jit3A_145 : f32 to vector<16xf32>
      %select_n3A_147 = arith.select %lt3A_4, %sort3A_143, %broadcast_in_dim3A_146 : vector<16xi1>, vector<16xf32>
      %reduce_sum3A_148 = arith.constant true
      %reduce_sum3A_149 = vector.broadcast %reduce_sum3A_148 : i1 to vector<16xi1>
      %reduce_sum3A_150 = tpu.scan <sum>, %select_n3A_147 masked %reduce_sum3A_149 : vector<16xf32>, vector<16xi1> -> vector<16xf32>
      %reduce_sum3A_151 = vector.extract %reduce_sum3A_150[15] : f32 from vector<16xf32>
      %add3A_152 = arith.addf %add3A_136, %reduce_sum3A_151 : f32
      %eq3A_153 = arith.constant 1 : i32
      %eq3A_154 = vector.broadcast %eq3A_153 : i32 to vector<16xi32>
      %eq3A_155 = arith.cmpi eq, %iota3A, %eq3A_154 : vector<16xi32>
      %mul3A_156 = arith.constant 5.000000e-02 : f32
      %mul3A_157 = arith.mulf %add3A_152, %mul3A_156 : f32
      %broadcast_in_dim3A_158 = vector.broadcast %mul3A_157 : f32 to vector<16xf32>
      %select_n3A_159 = arith.select %eq3A_155, %broadcast_in_dim3A_158, %select_n3A_82 : vector<16xi1>, vector<16xf32>
      %mul3A_160 = arith.constant 16 : i32
      %mul3A_161 = arith.muli %scan3A_10, %mul3A_160 : i32
      %add3A_162 = arith.constant 2 : i32
      %add3A_163 = arith.addi %mul3A_161, %add3A_162 : i32
      %broadcast_in_dim3A_164 = vector.broadcast %add3A_163 : i32 to vector<16xi32>
      %add3A_165 = arith.constant 0 : i32
      %add3A_166 = vector.broadcast %add3A_165 : i32 to vector<16xi32>
      %add3A_167 = arith.addi %add3A_166, %iota3A : vector<16xi32>
      %gather3A_168 = tpu.vector_load_idx %arg4[%add3A_167, %broadcast_in_dim3A_164] : memref<64x128xf32, #tpu.memory_space<vmem>>[vector<16xi32>, vector<16xi32>], vector<16xf32>,
      %sort3A_169 = arith.constant dense<true> : vector<16xi1>
      %sort3A_170, %sort3A_171, %sort3A_172 = tpu.sort %gather3A_168, %gather3A_168 masked %sort3A_169 : (vector<16xf32>, vector<16xf32>, vector<16xi1>) -> (vector<16xi1>, vector<16xf32>, vector<16xf32>)
      %jit3A_173 = arith.constant 0.000000e+00 : f32
      %broadcast_in_dim3A_174 = vector.broadcast %jit3A_173 : f32 to vector<16xf32>
      %select_n3A_175 = arith.select %lt3A_4, %sort3A_171, %broadcast_in_dim3A_174 : vector<16xi1>, vector<16xf32>
      %reduce_sum3A_176 = arith.constant true
      %reduce_sum3A_177 = vector.broadcast %reduce_sum3A_176 : i1 to vector<16xi1>
      %reduce_sum3A_178 = tpu.scan <sum>, %select_n3A_175 masked %reduce_sum3A_177 : vector<16xf32>, vector<16xi1> -> vector<16xf32>
      %reduce_sum3A_179 = vector.extract %reduce_sum3A_178[15] : f32 from vector<16xf32>
      %add3A_180 = arith.constant 0.000000e+00 : f32
      %add3A_181 = arith.addf %add3A_180, %reduce_sum3A_179 : f32
      %add3A_182 = arith.constant 16 : i32
      %add3A_183 = vector.broadcast %add3A_182 : i32 to vector<16xi32>
      %add3A_184 = arith.addi %add3A_183, %iota3A : vector<16xi32>
      %gather3A_185 = tpu.vector_load_idx %arg4[%add3A_184, %broadcast_in_dim3A_164] : memref<64x128xf32, #tpu.memory_space<vmem>>[vector<16xi32>, vector<16xi32>], vector<16xf32>,
      %sort3A_186 = arith.constant dense<true> : vector<16xi1>
      %sort3A_187, %sort3A_188, %sort3A_189 = tpu.sort %gather3A_185, %gather3A_185 masked %sort3A_186 : (vector<16xf32>, vector<16xf32>, vector<16xi1>) -> (vector<16xi1>, vector<16xf32>, vector<16xf32>)
      %jit3A_190 = arith.constant 0.000000e+00 : f32
      %broadcast_in_dim3A_191 = vector.broadcast %jit3A_190 : f32 to vector<16xf32>
      %select_n3A_192 = arith.select %lt3A_4, %sort3A_188, %broadcast_in_dim3A_191 : vector<16xi1>, vector<16xf32>
      %reduce_sum3A_193 = arith.constant true
      %reduce_sum3A_194 = vector.broadcast %reduce_sum3A_193 : i1 to vector<16xi1>
      %reduce_sum3A_195 = tpu.scan <sum>, %select_n3A_192 masked %reduce_sum3A_194 : vector<16xf32>, vector<16xi1> -> vector<16xf32>
      %reduce_sum3A_196 = vector.extract %reduce_sum3A_195[15] : f32 from vector<16xf32>
      %add3A_197 = arith.addf %add3A_181, %reduce_sum3A_196 : f32
      %add3A_198 = arith.constant 32 : i32
      %add3A_199 = vector.broadcast %add3A_198 : i32 to vector<16xi32>
      %add3A_200 = arith.addi %add3A_199, %iota3A : vector<16xi32>
      %gather3A_201 = tpu.vector_load_idx %arg4[%add3A_200, %broadcast_in_dim3A_164] : memref<64x128xf32, #tpu.memory_space<vmem>>[vector<16xi32>, vector<16xi32>], vector<16xf32>,
      %sort3A_202 = arith.constant dense<true> : vector<16xi1>
      %sort3A_203, %sort3A_204, %sort3A_205 = tpu.sort %gather3A_201, %gather3A_201 masked %sort3A_202 : (vector<16xf32>, vector<16xf32>, vector<16xi1>) -> (vector<16xi1>, vector<16xf32>, vector<16xf32>)
      %jit3A_206 = arith.constant 0.000000e+00 : f32
      %broadcast_in_dim3A_207 = vector.broadcast %jit3A_206 : f32 to vector<16xf32>
      %select_n3A_208 = arith.select %lt3A_4, %sort3A_204, %broadcast_in_dim3A_207 : vector<16xi1>, vector<16xf32>
      %reduce_sum3A_209 = arith.constant true
      %reduce_sum3A_210 = vector.broadcast %reduce_sum3A_209 : i1 to vector<16xi1>
      %reduce_sum3A_211 = tpu.scan <sum>, %select_n3A_208 masked %reduce_sum3A_210 : vector<16xf32>, vector<16xi1> -> vector<16xf32>
      %reduce_sum3A_212 = vector.extract %reduce_sum3A_211[15] : f32 from vector<16xf32>
      %add3A_213 = arith.addf %add3A_197, %reduce_sum3A_212 : f32
      %add3A_214 = arith.constant 48 : i32
      %add3A_215 = vector.broadcast %add3A_214 : i32 to vector<16xi32>
      %add3A_216 = arith.addi %add3A_215, %iota3A : vector<16xi32>
      %gather3A_217 = tpu.vector_load_idx %arg4[%add3A_216, %broadcast_in_dim3A_164] : memref<64x128xf32, #tpu.memory_space<vmem>>[vector<16xi32>, vector<16xi32>], vector<16xf32>,
      %sort3A_218 = arith.constant dense<true> : vector<16xi1>
      %sort3A_219, %sort3A_220, %sort3A_221 = tpu.sort %gather3A_217, %gather3A_217 masked %sort3A_218 : (vector<16xf32>, vector<16xf32>, vector<16xi1>) -> (vector<16xi1>, vector<16xf32>, vector<16xf32>)
      %jit3A_222 = arith.constant 0.000000e+00 : f32
      %broadcast_in_dim3A_223 = vector.broadcast %jit3A_222 : f32 to vector<16xf32>
      %select_n3A_224 = arith.select %lt3A_4, %sort3A_220, %broadcast_in_dim3A_223 : vector<16xi1>, vector<16xf32>
      %reduce_sum3A_225 = arith.constant true
      %reduce_sum3A_226 = vector.broadcast %reduce_sum3A_225 : i1 to vector<16xi1>
      %reduce_sum3A_227 = tpu.scan <sum>, %select_n3A_224 masked %reduce_sum3A_226 : vector<16xf32>, vector<16xi1> -> vector<16xf32>
      %reduce_sum3A_228 = vector.extract %reduce_sum3A_227[15] : f32 from vector<16xf32>
      %add3A_229 = arith.addf %add3A_213, %reduce_sum3A_228 : f32
      %eq3A_230 = arith.constant 2 : i32
      %eq3A_231 = vector.broadcast %eq3A_230 : i32 to vector<16xi32>
      %eq3A_232 = arith.cmpi eq, %iota3A, %eq3A_231 : vector<16xi32>
      %mul3A_233 = arith.constant 5.000000e-02 : f32
      %mul3A_234 = arith.mulf %add3A_229, %mul3A_233 : f32
      %broadcast_in_dim3A_235 = vector.broadcast %mul3A_234 : f32 to vector<16xf32>
      %select_n3A_236 = arith.select %eq3A_232, %broadcast_in_dim3A_235, %select_n3A_159 : vector<16xi1>, vector<16xf32>
      %mul3A_237 = arith.constant 16 : i32
      %mul3A_238 = arith.muli %scan3A_10, %mul3A_237 : i32
      %add3A_239 = arith.constant 3 : i32
      %add3A_240 = arith.addi %mul3A_238, %add3A_239 : i32
      %broadcast_in_dim3A_241 = vector.broadcast %add3A_240 : i32 to vector<16xi32>
      %add3A_242 = arith.constant 0 : i32
      %add3A_243 = vector.broadcast %add3A_242 : i32 to vector<16xi32>
      %add3A_244 = arith.addi %add3A_243, %iota3A : vector<16xi32>
      %gather3A_245 = tpu.vector_load_idx %arg4[%add3A_244, %broadcast_in_dim3A_241] : memref<64x128xf32, #tpu.memory_space<vmem>>[vector<16xi32>, vector<16xi32>], vector<16xf32>,
      %sort3A_246 = arith.constant dense<true> : vector<16xi1>
      %sort3A_247, %sort3A_248, %sort3A_249 = tpu.sort %gather3A_245, %gather3A_245 masked %sort3A_246 : (vector<16xf32>, vector<16xf32>, vector<16xi1>) -> (vector<16xi1>, vector<16xf32>, vector<16xf32>)
      %jit3A_250 = arith.constant 0.000000e+00 : f32
      %broadcast_in_dim3A_251 = vector.broadcast %jit3A_250 : f32 to vector<16xf32>
      %select_n3A_252 = arith.select %lt3A_4, %sort3A_248, %broadcast_in_dim3A_251 : vector<16xi1>, vector<16xf32>
      %reduce_sum3A_253 = arith.constant true
      %reduce_sum3A_254 = vector.broadcast %reduce_sum3A_253 : i1 to vector<16xi1>
      %reduce_sum3A_255 = tpu.scan <sum>, %select_n3A_252 masked %reduce_sum3A_254 : vector<16xf32>, vector<16xi1> -> vector<16xf32>
      %reduce_sum3A_256 = vector.extract %reduce_sum3A_255[15] : f32 from vector<16xf32>
      %add3A_257 = arith.constant 0.000000e+00 : f32
      %add3A_258 = arith.addf %add3A_257, %reduce_sum3A_256 : f32
      %add3A_259 = arith.constant 16 : i32
      %add3A_260 = vector.broadcast %add3A_259 : i32 to vector<16xi32>
      %add3A_261 = arith.addi %add3A_260, %iota3A : vector<16xi32>
      %gather3A_262 = tpu.vector_load_idx %arg4[%add3A_261, %broadcast_in_dim3A_241] : memref<64x128xf32, #tpu.memory_space<vmem>>[vector<16xi32>, vector<16xi32>], vector<16xf32>,
      %sort3A_263 = arith.constant dense<true> : vector<16xi1>
      %sort3A_264, %sort3A_265, %sort3A_266 = tpu.sort %gather3A_262, %gather3A_262 masked %sort3A_263 : (vector<16xf32>, vector<16xf32>, vector<16xi1>) -> (vector<16xi1>, vector<16xf32>, vector<16xf32>)
      %jit3A_267 = arith.constant 0.000000e+00 : f32
      %broadcast_in_dim3A_268 = vector.broadcast %jit3A_267 : f32 to vector<16xf32>
      %select_n3A_269 = arith.select %lt3A_4, %sort3A_265, %broadcast_in_dim3A_268 : vector<16xi1>, vector<16xf32>
      %reduce_sum3A_270 = arith.constant true
      %reduce_sum3A_271 = vector.broadcast %reduce_sum3A_270 : i1 to vector<16xi1>
      %reduce_sum3A_272 = tpu.scan <sum>, %select_n3A_269 masked %reduce_sum3A_271 : vector<16xf32>, vector<16xi1> -> vector<16xf32>
      %reduce_sum3A_273 = vector.extract %reduce_sum3A_272[15] : f32 from vector<16xf32>
      %add3A_274 = arith.addf %add3A_258, %reduce_sum3A_273 : f32
      %add3A_275 = arith.constant 32 : i32
      %add3A_276 = vector.broadcast %add3A_275 : i32 to vector<16xi32>
      %add3A_277 = arith.addi %add3A_276, %iota3A : vector<16xi32>
      %gather3A_278 = tpu.vector_load_idx %arg4[%add3A_277, %broadcast_in_dim3A_241] : memref<64x128xf32, #tpu.memory_space<vmem>>[vector<16xi32>, vector<16xi32>], vector<16xf32>,
      %sort3A_279 = arith.constant dense<true> : vector<16xi1>
      %sort3A_280, %sort3A_281, %sort3A_282 = tpu.sort %gather3A_278, %gather3A_278 masked %sort3A_279 : (vector<16xf32>, vector<16xf32>, vector<16xi1>) -> (vector<16xi1>, vector<16xf32>, vector<16xf32>)
      %jit3A_283 = arith.constant 0.000000e+00 : f32
      %broadcast_in_dim3A_284 = vector.broadcast %jit3A_283 : f32 to vector<16xf32>
      %select_n3A_285 = arith.select %lt3A_4, %sort3A_281, %broadcast_in_dim3A_284 : vector<16xi1>, vector<16xf32>
      %reduce_sum3A_286 = arith.constant true
      %reduce_sum3A_287 = vector.broadcast %reduce_sum3A_286 : i1 to vector<16xi1>
      %reduce_sum3A_288 = tpu.scan <sum>, %select_n3A_285 masked %reduce_sum3A_287 : vector<16xf32>, vector<16xi1> -> vector<16xf32>
      %reduce_sum3A_289 = vector.extract %reduce_sum3A_288[15] : f32 from vector<16xf32>
      %add3A_290 = arith.addf %add3A_274, %reduce_sum3A_289 : f32
      %add3A_291 = arith.constant 48 : i32
      %add3A_292 = vector.broadcast %add3A_291 : i32 to vector<16xi32>
      %add3A_293 = arith.addi %add3A_292, %iota3A : vector<16xi32>
      %gather3A_294 = tpu.vector_load_idx %arg4[%add3A_293, %broadcast_in_dim3A_241] : memref<64x128xf32, #tpu.memory_space<vmem>>[vector<16xi32>, vector<16xi32>], vector<16xf32>,
      %sort3A_295 = arith.constant dense<true> : vector<16xi1>
      %sort3A_296, %sort3A_297, %sort3A_298 = tpu.sort %gather3A_294, %gather3A_294 masked %sort3A_295 : (vector<16xf32>, vector<16xf32>, vector<16xi1>) -> (vector<16xi1>, vector<16xf32>, vector<16xf32>)
      %jit3A_299 = arith.constant 0.000000e+00 : f32
      %broadcast_in_dim3A_300 = vector.broadcast %jit3A_299 : f32 to vector<16xf32>
      %select_n3A_301 = arith.select %lt3A_4, %sort3A_297, %broadcast_in_dim3A_300 : vector<16xi1>, vector<16xf32>
      %reduce_sum3A_302 = arith.constant true
      %reduce_sum3A_303 = vector.broadcast %reduce_sum3A_302 : i1 to vector<16xi1>
      %reduce_sum3A_304 = tpu.scan <sum>, %select_n3A_301 masked %reduce_sum3A_303 : vector<16xf32>, vector<16xi1> -> vector<16xf32>
      %reduce_sum3A_305 = vector.extract %reduce_sum3A_304[15] : f32 from vector<16xf32>
      %add3A_306 = arith.addf %add3A_290, %reduce_sum3A_305 : f32
      %eq3A_307 = arith.constant 3 : i32
      %eq3A_308 = vector.broadcast %eq3A_307 : i32 to vector<16xi32>
      %eq3A_309 = arith.cmpi eq, %iota3A, %eq3A_308 : vector<16xi32>
      %mul3A_310 = arith.constant 5.000000e-02 : f32
      %mul3A_311 = arith.mulf %add3A_306, %mul3A_310 : f32
      %broadcast_in_dim3A_312 = vector.broadcast %mul3A_311 : f32 to vector<16xf32>
      %select_n3A_313 = arith.select %eq3A_309, %broadcast_in_dim3A_312, %select_n3A_236 : vector<16xi1>, vector<16xf32>
      %mul3A_314 = arith.constant 16 : i32
      %mul3A_315 = arith.muli %scan3A_10, %mul3A_314 : i32
      %add3A_316 = arith.constant 4 : i32
      %add3A_317 = arith.addi %mul3A_315, %add3A_316 : i32
      %broadcast_in_dim3A_318 = vector.broadcast %add3A_317 : i32 to vector<16xi32>
      %add3A_319 = arith.constant 0 : i32
      %add3A_320 = vector.broadcast %add3A_319 : i32 to vector<16xi32>
      %add3A_321 = arith.addi %add3A_320, %iota3A : vector<16xi32>
      %gather3A_322 = tpu.vector_load_idx %arg4[%add3A_321, %broadcast_in_dim3A_318] : memref<64x128xf32, #tpu.memory_space<vmem>>[vector<16xi32>, vector<16xi32>], vector<16xf32>,
      %sort3A_323 = arith.constant dense<true> : vector<16xi1>
      %sort3A_324, %sort3A_325, %sort3A_326 = tpu.sort %gather3A_322, %gather3A_322 masked %sort3A_323 : (vector<16xf32>, vector<16xf32>, vector<16xi1>) -> (vector<16xi1>, vector<16xf32>, vector<16xf32>)
      %jit3A_327 = arith.constant 0.000000e+00 : f32
      %broadcast_in_dim3A_328 = vector.broadcast %jit3A_327 : f32 to vector<16xf32>
      %select_n3A_329 = arith.select %lt3A_4, %sort3A_325, %broadcast_in_dim3A_328 : vector<16xi1>, vector<16xf32>
      %reduce_sum3A_330 = arith.constant true
      %reduce_sum3A_331 = vector.broadcast %reduce_sum3A_330 : i1 to vector<16xi1>
      %reduce_sum3A_332 = tpu.scan <sum>, %select_n3A_329 masked %reduce_sum3A_331 : vector<16xf32>, vector<16xi1> -> vector<16xf32>
      %reduce_sum3A_333 = vector.extract %reduce_sum3A_332[15] : f32 from vector<16xf32>
      %add3A_334 = arith.constant 0.000000e+00 : f32
      %add3A_335 = arith.addf %add3A_334, %reduce_sum3A_333 : f32
      %add3A_336 = arith.constant 16 : i32
      %add3A_337 = vector.broadcast %add3A_336 : i32 to vector<16xi32>
      %add3A_338 = arith.addi %add3A_337, %iota3A : vector<16xi32>
      %gather3A_339 = tpu.vector_load_idx %arg4[%add3A_338, %broadcast_in_dim3A_318] : memref<64x128xf32, #tpu.memory_space<vmem>>[vector<16xi32>, vector<16xi32>], vector<16xf32>,
      %sort3A_340 = arith.constant dense<true> : vector<16xi1>
      %sort3A_341, %sort3A_342, %sort3A_343 = tpu.sort %gather3A_339, %gather3A_339 masked %sort3A_340 : (vector<16xf32>, vector<16xf32>, vector<16xi1>) -> (vector<16xi1>, vector<16xf32>, vector<16xf32>)
      %jit3A_344 = arith.constant 0.000000e+00 : f32
      %broadcast_in_dim3A_345 = vector.broadcast %jit3A_344 : f32 to vector<16xf32>
      %select_n3A_346 = arith.select %lt3A_4, %sort3A_342, %broadcast_in_dim3A_345 : vector<16xi1>, vector<16xf32>
      %reduce_sum3A_347 = arith.constant true
      %reduce_sum3A_348 = vector.broadcast %reduce_sum3A_347 : i1 to vector<16xi1>
      %reduce_sum3A_349 = tpu.scan <sum>, %select_n3A_346 masked %reduce_sum3A_348 : vector<16xf32>, vector<16xi1> -> vector<16xf32>
      %reduce_sum3A_350 = vector.extract %reduce_sum3A_349[15] : f32 from vector<16xf32>
      %add3A_351 = arith.addf %add3A_335, %reduce_sum3A_350 : f32
      %add3A_352 = arith.constant 32 : i32
      %add3A_353 = vector.broadcast %add3A_352 : i32 to vector<16xi32>
      %add3A_354 = arith.addi %add3A_353, %iota3A : vector<16xi32>
      %gather3A_355 = tpu.vector_load_idx %arg4[%add3A_354, %broadcast_in_dim3A_318] : memref<64x128xf32, #tpu.memory_space<vmem>>[vector<16xi32>, vector<16xi32>], vector<16xf32>,
      %sort3A_356 = arith.constant dense<true> : vector<16xi1>
      %sort3A_357, %sort3A_358, %sort3A_359 = tpu.sort %gather3A_355, %gather3A_355 masked %sort3A_356 : (vector<16xf32>, vector<16xf32>, vector<16xi1>) -> (vector<16xi1>, vector<16xf32>, vector<16xf32>)
      %jit3A_360 = arith.constant 0.000000e+00 : f32
      %broadcast_in_dim3A_361 = vector.broadcast %jit3A_360 : f32 to vector<16xf32>
      %select_n3A_362 = arith.select %lt3A_4, %sort3A_358, %broadcast_in_dim3A_361 : vector<16xi1>, vector<16xf32>
      %reduce_sum3A_363 = arith.constant true
      %reduce_sum3A_364 = vector.broadcast %reduce_sum3A_363 : i1 to vector<16xi1>
      %reduce_sum3A_365 = tpu.scan <sum>, %select_n3A_362 masked %reduce_sum3A_364 : vector<16xf32>, vector<16xi1> -> vector<16xf32>
      %reduce_sum3A_366 = vector.extract %reduce_sum3A_365[15] : f32 from vector<16xf32>
      %add3A_367 = arith.addf %add3A_351, %reduce_sum3A_366 : f32
      %add3A_368 = arith.constant 48 : i32
      %add3A_369 = vector.broadcast %add3A_368 : i32 to vector<16xi32>
      %add3A_370 = arith.addi %add3A_369, %iota3A : vector<16xi32>
      %gather3A_371 = tpu.vector_load_idx %arg4[%add3A_370, %broadcast_in_dim3A_318] : memref<64x128xf32, #tpu.memory_space<vmem>>[vector<16xi32>, vector<16xi32>], vector<16xf32>,
      %sort3A_372 = arith.constant dense<true> : vector<16xi1>
      %sort3A_373, %sort3A_374, %sort3A_375 = tpu.sort %gather3A_371, %gather3A_371 masked %sort3A_372 : (vector<16xf32>, vector<16xf32>, vector<16xi1>) -> (vector<16xi1>, vector<16xf32>, vector<16xf32>)
      %jit3A_376 = arith.constant 0.000000e+00 : f32
      %broadcast_in_dim3A_377 = vector.broadcast %jit3A_376 : f32 to vector<16xf32>
      %select_n3A_378 = arith.select %lt3A_4, %sort3A_374, %broadcast_in_dim3A_377 : vector<16xi1>, vector<16xf32>
      %reduce_sum3A_379 = arith.constant true
      %reduce_sum3A_380 = vector.broadcast %reduce_sum3A_379 : i1 to vector<16xi1>
      %reduce_sum3A_381 = tpu.scan <sum>, %select_n3A_378 masked %reduce_sum3A_380 : vector<16xf32>, vector<16xi1> -> vector<16xf32>
      %reduce_sum3A_382 = vector.extract %reduce_sum3A_381[15] : f32 from vector<16xf32>
      %add3A_383 = arith.addf %add3A_367, %reduce_sum3A_382 : f32
      %eq3A_384 = arith.constant 4 : i32
      %eq3A_385 = vector.broadcast %eq3A_384 : i32 to vector<16xi32>
      %eq3A_386 = arith.cmpi eq, %iota3A, %eq3A_385 : vector<16xi32>
      %mul3A_387 = arith.constant 5.000000e-02 : f32
      %mul3A_388 = arith.mulf %add3A_383, %mul3A_387 : f32
      %broadcast_in_dim3A_389 = vector.broadcast %mul3A_388 : f32 to vector<16xf32>
      %select_n3A_390 = arith.select %eq3A_386, %broadcast_in_dim3A_389, %select_n3A_313 : vector<16xi1>, vector<16xf32>
      %mul3A_391 = arith.constant 16 : i32
      %mul3A_392 = arith.muli %scan3A_10, %mul3A_391 : i32
      %add3A_393 = arith.constant 5 : i32
      %add3A_394 = arith.addi %mul3A_392, %add3A_393 : i32
      %broadcast_in_dim3A_395 = vector.broadcast %add3A_394 : i32 to vector<16xi32>
      %add3A_396 = arith.constant 0 : i32
      %add3A_397 = vector.broadcast %add3A_396 : i32 to vector<16xi32>
      %add3A_398 = arith.addi %add3A_397, %iota3A : vector<16xi32>
      %gather3A_399 = tpu.vector_load_idx %arg4[%add3A_398, %broadcast_in_dim3A_395] : memref<64x128xf32, #tpu.memory_space<vmem>>[vector<16xi32>, vector<16xi32>], vector<16xf32>,
      %sort3A_400 = arith.constant dense<true> : vector<16xi1>
      %sort3A_401, %sort3A_402, %sort3A_403 = tpu.sort %gather3A_399, %gather3A_399 masked %sort3A_400 : (vector<16xf32>, vector<16xf32>, vector<16xi1>) -> (vector<16xi1>, vector<16xf32>, vector<16xf32>)
      %jit3A_404 = arith.constant 0.000000e+00 : f32
      %broadcast_in_dim3A_405 = vector.broadcast %jit3A_404 : f32 to vector<16xf32>
      %select_n3A_406 = arith.select %lt3A_4, %sort3A_402, %broadcast_in_dim3A_405 : vector<16xi1>, vector<16xf32>
      %reduce_sum3A_407 = arith.constant true
      %reduce_sum3A_408 = vector.broadcast %reduce_sum3A_407 : i1 to vector<16xi1>
      %reduce_sum3A_409 = tpu.scan <sum>, %select_n3A_406 masked %reduce_sum3A_408 : vector<16xf32>, vector<16xi1> -> vector<16xf32>
      %reduce_sum3A_410 = vector.extract %reduce_sum3A_409[15] : f32 from vector<16xf32>
      %add3A_411 = arith.constant 0.000000e+00 : f32
      %add3A_412 = arith.addf %add3A_411, %reduce_sum3A_410 : f32
      %add3A_413 = arith.constant 16 : i32
      %add3A_414 = vector.broadcast %add3A_413 : i32 to vector<16xi32>
      %add3A_415 = arith.addi %add3A_414, %iota3A : vector<16xi32>
      %gather3A_416 = tpu.vector_load_idx %arg4[%add3A_415, %broadcast_in_dim3A_395] : memref<64x128xf32, #tpu.memory_space<vmem>>[vector<16xi32>, vector<16xi32>], vector<16xf32>,
      %sort3A_417 = arith.constant dense<true> : vector<16xi1>
      %sort3A_418, %sort3A_419, %sort3A_420 = tpu.sort %gather3A_416, %gather3A_416 masked %sort3A_417 : (vector<16xf32>, vector<16xf32>, vector<16xi1>) -> (vector<16xi1>, vector<16xf32>, vector<16xf32>)
      %jit3A_421 = arith.constant 0.000000e+00 : f32
      %broadcast_in_dim3A_422 = vector.broadcast %jit3A_421 : f32 to vector<16xf32>
      %select_n3A_423 = arith.select %lt3A_4, %sort3A_419, %broadcast_in_dim3A_422 : vector<16xi1>, vector<16xf32>
      %reduce_sum3A_424 = arith.constant true
      %reduce_sum3A_425 = vector.broadcast %reduce_sum3A_424 : i1 to vector<16xi1>
      %reduce_sum3A_426 = tpu.scan <sum>, %select_n3A_423 masked %reduce_sum3A_425 : vector<16xf32>, vector<16xi1> -> vector<16xf32>
      %reduce_sum3A_427 = vector.extract %reduce_sum3A_426[15] : f32 from vector<16xf32>
      %add3A_428 = arith.addf %add3A_412, %reduce_sum3A_427 : f32
      %add3A_429 = arith.constant 32 : i32
      %add3A_430 = vector.broadcast %add3A_429 : i32 to vector<16xi32>
      %add3A_431 = arith.addi %add3A_430, %iota3A : vector<16xi32>
      %gather3A_432 = tpu.vector_load_idx %arg4[%add3A_431, %broadcast_in_dim3A_395] : memref<64x128xf32, #tpu.memory_space<vmem>>[vector<16xi32>, vector<16xi32>], vector<16xf32>,
      %sort3A_433 = arith.constant dense<true> : vector<16xi1>
      %sort3A_434, %sort3A_435, %sort3A_436 = tpu.sort %gather3A_432, %gather3A_432 masked %sort3A_433 : (vector<16xf32>, vector<16xf32>, vector<16xi1>) -> (vector<16xi1>, vector<16xf32>, vector<16xf32>)
      %jit3A_437 = arith.constant 0.000000e+00 : f32
      %broadcast_in_dim3A_438 = vector.broadcast %jit3A_437 : f32 to vector<16xf32>
      %select_n3A_439 = arith.select %lt3A_4, %sort3A_435, %broadcast_in_dim3A_438 : vector<16xi1>, vector<16xf32>
      %reduce_sum3A_440 = arith.constant true
      %reduce_sum3A_441 = vector.broadcast %reduce_sum3A_440 : i1 to vector<16xi1>
      %reduce_sum3A_442 = tpu.scan <sum>, %select_n3A_439 masked %reduce_sum3A_441 : vector<16xf32>, vector<16xi1> -> vector<16xf32>
      %reduce_sum3A_443 = vector.extract %reduce_sum3A_442[15] : f32 from vector<16xf32>
      %add3A_444 = arith.addf %add3A_428, %reduce_sum3A_443 : f32
      %add3A_445 = arith.constant 48 : i32
      %add3A_446 = vector.broadcast %add3A_445 : i32 to vector<16xi32>
      %add3A_447 = arith.addi %add3A_446, %iota3A : vector<16xi32>
      %gather3A_448 = tpu.vector_load_idx %arg4[%add3A_447, %broadcast_in_dim3A_395] : memref<64x128xf32, #tpu.memory_space<vmem>>[vector<16xi32>, vector<16xi32>], vector<16xf32>,
      %sort3A_449 = arith.constant dense<true> : vector<16xi1>
      %sort3A_450, %sort3A_451, %sort3A_452 = tpu.sort %gather3A_448, %gather3A_448 masked %sort3A_449 : (vector<16xf32>, vector<16xf32>, vector<16xi1>) -> (vector<16xi1>, vector<16xf32>, vector<16xf32>)
      %jit3A_453 = arith.constant 0.000000e+00 : f32
      %broadcast_in_dim3A_454 = vector.broadcast %jit3A_453 : f32 to vector<16xf32>
      %select_n3A_455 = arith.select %lt3A_4, %sort3A_451, %broadcast_in_dim3A_454 : vector<16xi1>, vector<16xf32>
      %reduce_sum3A_456 = arith.constant true
      %reduce_sum3A_457 = vector.broadcast %reduce_sum3A_456 : i1 to vector<16xi1>
      %reduce_sum3A_458 = tpu.scan <sum>, %select_n3A_455 masked %reduce_sum3A_457 : vector<16xf32>, vector<16xi1> -> vector<16xf32>
      %reduce_sum3A_459 = vector.extract %reduce_sum3A_458[15] : f32 from vector<16xf32>
      %add3A_460 = arith.addf %add3A_444, %reduce_sum3A_459 : f32
      %eq3A_461 = arith.constant 5 : i32
      %eq3A_462 = vector.broadcast %eq3A_461 : i32 to vector<16xi32>
      %eq3A_463 = arith.cmpi eq, %iota3A, %eq3A_462 : vector<16xi32>
      %mul3A_464 = arith.constant 5.000000e-02 : f32
      %mul3A_465 = arith.mulf %add3A_460, %mul3A_464 : f32
      %broadcast_in_dim3A_466 = vector.broadcast %mul3A_465 : f32 to vector<16xf32>
      %select_n3A_467 = arith.select %eq3A_463, %broadcast_in_dim3A_466, %select_n3A_390 : vector<16xi1>, vector<16xf32>
      %mul3A_468 = arith.constant 16 : i32
      %mul3A_469 = arith.muli %scan3A_10, %mul3A_468 : i32
      %add3A_470 = arith.constant 6 : i32
      %add3A_471 = arith.addi %mul3A_469, %add3A_470 : i32
      %broadcast_in_dim3A_472 = vector.broadcast %add3A_471 : i32 to vector<16xi32>
      %add3A_473 = arith.constant 0 : i32
      %add3A_474 = vector.broadcast %add3A_473 : i32 to vector<16xi32>
      %add3A_475 = arith.addi %add3A_474, %iota3A : vector<16xi32>
      %gather3A_476 = tpu.vector_load_idx %arg4[%add3A_475, %broadcast_in_dim3A_472] : memref<64x128xf32, #tpu.memory_space<vmem>>[vector<16xi32>, vector<16xi32>], vector<16xf32>,
      %sort3A_477 = arith.constant dense<true> : vector<16xi1>
      %sort3A_478, %sort3A_479, %sort3A_480 = tpu.sort %gather3A_476, %gather3A_476 masked %sort3A_477 : (vector<16xf32>, vector<16xf32>, vector<16xi1>) -> (vector<16xi1>, vector<16xf32>, vector<16xf32>)
      %jit3A_481 = arith.constant 0.000000e+00 : f32
      %broadcast_in_dim3A_482 = vector.broadcast %jit3A_481 : f32 to vector<16xf32>
      %select_n3A_483 = arith.select %lt3A_4, %sort3A_479, %broadcast_in_dim3A_482 : vector<16xi1>, vector<16xf32>
      %reduce_sum3A_484 = arith.constant true
      %reduce_sum3A_485 = vector.broadcast %reduce_sum3A_484 : i1 to vector<16xi1>
      %reduce_sum3A_486 = tpu.scan <sum>, %select_n3A_483 masked %reduce_sum3A_485 : vector<16xf32>, vector<16xi1> -> vector<16xf32>
      %reduce_sum3A_487 = vector.extract %reduce_sum3A_486[15] : f32 from vector<16xf32>
      %add3A_488 = arith.constant 0.000000e+00 : f32
      %add3A_489 = arith.addf %add3A_488, %reduce_sum3A_487 : f32
      %add3A_490 = arith.constant 16 : i32
      %add3A_491 = vector.broadcast %add3A_490 : i32 to vector<16xi32>
      %add3A_492 = arith.addi %add3A_491, %iota3A : vector<16xi32>
      %gather3A_493 = tpu.vector_load_idx %arg4[%add3A_492, %broadcast_in_dim3A_472] : memref<64x128xf32, #tpu.memory_space<vmem>>[vector<16xi32>, vector<16xi32>], vector<16xf32>,
      %sort3A_494 = arith.constant dense<true> : vector<16xi1>
      %sort3A_495, %sort3A_496, %sort3A_497 = tpu.sort %gather3A_493, %gather3A_493 masked %sort3A_494 : (vector<16xf32>, vector<16xf32>, vector<16xi1>) -> (vector<16xi1>, vector<16xf32>, vector<16xf32>)
      %jit3A_498 = arith.constant 0.000000e+00 : f32
      %broadcast_in_dim3A_499 = vector.broadcast %jit3A_498 : f32 to vector<16xf32>
      %select_n3A_500 = arith.select %lt3A_4, %sort3A_496, %broadcast_in_dim3A_499 : vector<16xi1>, vector<16xf32>
      %reduce_sum3A_501 = arith.constant true
      %reduce_sum3A_502 = vector.broadcast %reduce_sum3A_501 : i1 to vector<16xi1>
      %reduce_sum3A_503 = tpu.scan <sum>, %select_n3A_500 masked %reduce_sum3A_502 : vector<16xf32>, vector<16xi1> -> vector<16xf32>
      %reduce_sum3A_504 = vector.extract %reduce_sum3A_503[15] : f32 from vector<16xf32>
      %add3A_505 = arith.addf %add3A_489, %reduce_sum3A_504 : f32
      %add3A_506 = arith.constant 32 : i32
      %add3A_507 = vector.broadcast %add3A_506 : i32 to vector<16xi32>
      %add3A_508 = arith.addi %add3A_507, %iota3A : vector<16xi32>
      %gather3A_509 = tpu.vector_load_idx %arg4[%add3A_508, %broadcast_in_dim3A_472] : memref<64x128xf32, #tpu.memory_space<vmem>>[vector<16xi32>, vector<16xi32>], vector<16xf32>,
      %sort3A_510 = arith.constant dense<true> : vector<16xi1>
      %sort3A_511, %sort3A_512, %sort3A_513 = tpu.sort %gather3A_509, %gather3A_509 masked %sort3A_510 : (vector<16xf32>, vector<16xf32>, vector<16xi1>) -> (vector<16xi1>, vector<16xf32>, vector<16xf32>)
      %jit3A_514 = arith.constant 0.000000e+00 : f32
      %broadcast_in_dim3A_515 = vector.broadcast %jit3A_514 : f32 to vector<16xf32>
      %select_n3A_516 = arith.select %lt3A_4, %sort3A_512, %broadcast_in_dim3A_515 : vector<16xi1>, vector<16xf32>
      %reduce_sum3A_517 = arith.constant true
      %reduce_sum3A_518 = vector.broadcast %reduce_sum3A_517 : i1 to vector<16xi1>
      %reduce_sum3A_519 = tpu.scan <sum>, %select_n3A_516 masked %reduce_sum3A_518 : vector<16xf32>, vector<16xi1> -> vector<16xf32>
      %reduce_sum3A_520 = vector.extract %reduce_sum3A_519[15] : f32 from vector<16xf32>
      %add3A_521 = arith.addf %add3A_505, %reduce_sum3A_520 : f32
      %add3A_522 = arith.constant 48 : i32
      %add3A_523 = vector.broadcast %add3A_522 : i32 to vector<16xi32>
      %add3A_524 = arith.addi %add3A_523, %iota3A : vector<16xi32>
      %gather3A_525 = tpu.vector_load_idx %arg4[%add3A_524, %broadcast_in_dim3A_472] : memref<64x128xf32, #tpu.memory_space<vmem>>[vector<16xi32>, vector<16xi32>], vector<16xf32>,
      %sort3A_526 = arith.constant dense<true> : vector<16xi1>
      %sort3A_527, %sort3A_528, %sort3A_529 = tpu.sort %gather3A_525, %gather3A_525 masked %sort3A_526 : (vector<16xf32>, vector<16xf32>, vector<16xi1>) -> (vector<16xi1>, vector<16xf32>, vector<16xf32>)
      %jit3A_530 = arith.constant 0.000000e+00 : f32
      %broadcast_in_dim3A_531 = vector.broadcast %jit3A_530 : f32 to vector<16xf32>
      %select_n3A_532 = arith.select %lt3A_4, %sort3A_528, %broadcast_in_dim3A_531 : vector<16xi1>, vector<16xf32>
      %reduce_sum3A_533 = arith.constant true
      %reduce_sum3A_534 = vector.broadcast %reduce_sum3A_533 : i1 to vector<16xi1>
      %reduce_sum3A_535 = tpu.scan <sum>, %select_n3A_532 masked %reduce_sum3A_534 : vector<16xf32>, vector<16xi1> -> vector<16xf32>
      %reduce_sum3A_536 = vector.extract %reduce_sum3A_535[15] : f32 from vector<16xf32>
      %add3A_537 = arith.addf %add3A_521, %reduce_sum3A_536 : f32
      %eq3A_538 = arith.constant 6 : i32
      %eq3A_539 = vector.broadcast %eq3A_538 : i32 to vector<16xi32>
      %eq3A_540 = arith.cmpi eq, %iota3A, %eq3A_539 : vector<16xi32>
      %mul3A_541 = arith.constant 5.000000e-02 : f32
      %mul3A_542 = arith.mulf %add3A_537, %mul3A_541 : f32
      %broadcast_in_dim3A_543 = vector.broadcast %mul3A_542 : f32 to vector<16xf32>
      %select_n3A_544 = arith.select %eq3A_540, %broadcast_in_dim3A_543, %select_n3A_467 : vector<16xi1>, vector<16xf32>
      %mul3A_545 = arith.constant 16 : i32
      %mul3A_546 = arith.muli %scan3A_10, %mul3A_545 : i32
      %add3A_547 = arith.constant 7 : i32
      %add3A_548 = arith.addi %mul3A_546, %add3A_547 : i32
      %broadcast_in_dim3A_549 = vector.broadcast %add3A_548 : i32 to vector<16xi32>
      %add3A_550 = arith.constant 0 : i32
      %add3A_551 = vector.broadcast %add3A_550 : i32 to vector<16xi32>
      %add3A_552 = arith.addi %add3A_551, %iota3A : vector<16xi32>
      %gather3A_553 = tpu.vector_load_idx %arg4[%add3A_552, %broadcast_in_dim3A_549] : memref<64x128xf32, #tpu.memory_space<vmem>>[vector<16xi32>, vector<16xi32>], vector<16xf32>,
      %sort3A_554 = arith.constant dense<true> : vector<16xi1>
      %sort3A_555, %sort3A_556, %sort3A_557 = tpu.sort %gather3A_553, %gather3A_553 masked %sort3A_554 : (vector<16xf32>, vector<16xf32>, vector<16xi1>) -> (vector<16xi1>, vector<16xf32>, vector<16xf32>)
      %jit3A_558 = arith.constant 0.000000e+00 : f32
      %broadcast_in_dim3A_559 = vector.broadcast %jit3A_558 : f32 to vector<16xf32>
      %select_n3A_560 = arith.select %lt3A_4, %sort3A_556, %broadcast_in_dim3A_559 : vector<16xi1>, vector<16xf32>
      %reduce_sum3A_561 = arith.constant true
      %reduce_sum3A_562 = vector.broadcast %reduce_sum3A_561 : i1 to vector<16xi1>
      %reduce_sum3A_563 = tpu.scan <sum>, %select_n3A_560 masked %reduce_sum3A_562 : vector<16xf32>, vector<16xi1> -> vector<16xf32>
      %reduce_sum3A_564 = vector.extract %reduce_sum3A_563[15] : f32 from vector<16xf32>
      %add3A_565 = arith.constant 0.000000e+00 : f32
      %add3A_566 = arith.addf %add3A_565, %reduce_sum3A_564 : f32
      %add3A_567 = arith.constant 16 : i32
      %add3A_568 = vector.broadcast %add3A_567 : i32 to vector<16xi32>
      %add3A_569 = arith.addi %add3A_568, %iota3A : vector<16xi32>
      %gather3A_570 = tpu.vector_load_idx %arg4[%add3A_569, %broadcast_in_dim3A_549] : memref<64x128xf32, #tpu.memory_space<vmem>>[vector<16xi32>, vector<16xi32>], vector<16xf32>,
      %sort3A_571 = arith.constant dense<true> : vector<16xi1>
      %sort3A_572, %sort3A_573, %sort3A_574 = tpu.sort %gather3A_570, %gather3A_570 masked %sort3A_571 : (vector<16xf32>, vector<16xf32>, vector<16xi1>) -> (vector<16xi1>, vector<16xf32>, vector<16xf32>)
      %jit3A_575 = arith.constant 0.000000e+00 : f32
      %broadcast_in_dim3A_576 = vector.broadcast %jit3A_575 : f32 to vector<16xf32>
      %select_n3A_577 = arith.select %lt3A_4, %sort3A_573, %broadcast_in_dim3A_576 : vector<16xi1>, vector<16xf32>
      %reduce_sum3A_578 = arith.constant true
      %reduce_sum3A_579 = vector.broadcast %reduce_sum3A_578 : i1 to vector<16xi1>
      %reduce_sum3A_580 = tpu.scan <sum>, %select_n3A_577 masked %reduce_sum3A_579 : vector<16xf32>, vector<16xi1> -> vector<16xf32>
      %reduce_sum3A_581 = vector.extract %reduce_sum3A_580[15] : f32 from vector<16xf32>
      %add3A_582 = arith.addf %add3A_566, %reduce_sum3A_581 : f32
      %add3A_583 = arith.constant 32 : i32
      %add3A_584 = vector.broadcast %add3A_583 : i32 to vector<16xi32>
      %add3A_585 = arith.addi %add3A_584, %iota3A : vector<16xi32>
      %gather3A_586 = tpu.vector_load_idx %arg4[%add3A_585, %broadcast_in_dim3A_549] : memref<64x128xf32, #tpu.memory_space<vmem>>[vector<16xi32>, vector<16xi32>], vector<16xf32>,
      %sort3A_587 = arith.constant dense<true> : vector<16xi1>
      %sort3A_588, %sort3A_589, %sort3A_590 = tpu.sort %gather3A_586, %gather3A_586 masked %sort3A_587 : (vector<16xf32>, vector<16xf32>, vector<16xi1>) -> (vector<16xi1>, vector<16xf32>, vector<16xf32>)
      %jit3A_591 = arith.constant 0.000000e+00 : f32
      %broadcast_in_dim3A_592 = vector.broadcast %jit3A_591 : f32 to vector<16xf32>
      %select_n3A_593 = arith.select %lt3A_4, %sort3A_589, %broadcast_in_dim3A_592 : vector<16xi1>, vector<16xf32>
      %reduce_sum3A_594 = arith.constant true
      %reduce_sum3A_595 = vector.broadcast %reduce_sum3A_594 : i1 to vector<16xi1>
      %reduce_sum3A_596 = tpu.scan <sum>, %select_n3A_593 masked %reduce_sum3A_595 : vector<16xf32>, vector<16xi1> -> vector<16xf32>
      %reduce_sum3A_597 = vector.extract %reduce_sum3A_596[15] : f32 from vector<16xf32>
      %add3A_598 = arith.addf %add3A_582, %reduce_sum3A_597 : f32
      %add3A_599 = arith.constant 48 : i32
      %add3A_600 = vector.broadcast %add3A_599 : i32 to vector<16xi32>
      %add3A_601 = arith.addi %add3A_600, %iota3A : vector<16xi32>
      %gather3A_602 = tpu.vector_load_idx %arg4[%add3A_601, %broadcast_in_dim3A_549] : memref<64x128xf32, #tpu.memory_space<vmem>>[vector<16xi32>, vector<16xi32>], vector<16xf32>,
      %sort3A_603 = arith.constant dense<true> : vector<16xi1>
      %sort3A_604, %sort3A_605, %sort3A_606 = tpu.sort %gather3A_602, %gather3A_602 masked %sort3A_603 : (vector<16xf32>, vector<16xf32>, vector<16xi1>) -> (vector<16xi1>, vector<16xf32>, vector<16xf32>)
      %jit3A_607 = arith.constant 0.000000e+00 : f32
      %broadcast_in_dim3A_608 = vector.broadcast %jit3A_607 : f32 to vector<16xf32>
      %select_n3A_609 = arith.select %lt3A_4, %sort3A_605, %broadcast_in_dim3A_608 : vector<16xi1>, vector<16xf32>
      %reduce_sum3A_610 = arith.constant true
      %reduce_sum3A_611 = vector.broadcast %reduce_sum3A_610 : i1 to vector<16xi1>
      %reduce_sum3A_612 = tpu.scan <sum>, %select_n3A_609 masked %reduce_sum3A_611 : vector<16xf32>, vector<16xi1> -> vector<16xf32>
      %reduce_sum3A_613 = vector.extract %reduce_sum3A_612[15] : f32 from vector<16xf32>
      %add3A_614 = arith.addf %add3A_598, %reduce_sum3A_613 : f32
      %eq3A_615 = arith.constant 7 : i32
      %eq3A_616 = vector.broadcast %eq3A_615 : i32 to vector<16xi32>
      %eq3A_617 = arith.cmpi eq, %iota3A, %eq3A_616 : vector<16xi32>
      %mul3A_618 = arith.constant 5.000000e-02 : f32
      %mul3A_619 = arith.mulf %add3A_614, %mul3A_618 : f32
      %broadcast_in_dim3A_620 = vector.broadcast %mul3A_619 : f32 to vector<16xf32>
      %select_n3A_621 = arith.select %eq3A_617, %broadcast_in_dim3A_620, %select_n3A_544 : vector<16xi1>, vector<16xf32>
      %mul3A_622 = arith.constant 16 : i32
      %mul3A_623 = arith.muli %scan3A_10, %mul3A_622 : i32
      %add3A_624 = arith.constant 8 : i32
      %add3A_625 = arith.addi %mul3A_623, %add3A_624 : i32
      %broadcast_in_dim3A_626 = vector.broadcast %add3A_625 : i32 to vector<16xi32>
      %add3A_627 = arith.constant 0 : i32
      %add3A_628 = vector.broadcast %add3A_627 : i32 to vector<16xi32>
      %add3A_629 = arith.addi %add3A_628, %iota3A : vector<16xi32>
      %gather3A_630 = tpu.vector_load_idx %arg4[%add3A_629, %broadcast_in_dim3A_626] : memref<64x128xf32, #tpu.memory_space<vmem>>[vector<16xi32>, vector<16xi32>], vector<16xf32>,
      %sort3A_631 = arith.constant dense<true> : vector<16xi1>
      %sort3A_632, %sort3A_633, %sort3A_634 = tpu.sort %gather3A_630, %gather3A_630 masked %sort3A_631 : (vector<16xf32>, vector<16xf32>, vector<16xi1>) -> (vector<16xi1>, vector<16xf32>, vector<16xf32>)
      %jit3A_635 = arith.constant 0.000000e+00 : f32
      %broadcast_in_dim3A_636 = vector.broadcast %jit3A_635 : f32 to vector<16xf32>
      %select_n3A_637 = arith.select %lt3A_4, %sort3A_633, %broadcast_in_dim3A_636 : vector<16xi1>, vector<16xf32>
      %reduce_sum3A_638 = arith.constant true
      %reduce_sum3A_639 = vector.broadcast %reduce_sum3A_638 : i1 to vector<16xi1>
      %reduce_sum3A_640 = tpu.scan <sum>, %select_n3A_637 masked %reduce_sum3A_639 : vector<16xf32>, vector<16xi1> -> vector<16xf32>
      %reduce_sum3A_641 = vector.extract %reduce_sum3A_640[15] : f32 from vector<16xf32>
      %add3A_642 = arith.constant 0.000000e+00 : f32
      %add3A_643 = arith.addf %add3A_642, %reduce_sum3A_641 : f32
      %add3A_644 = arith.constant 16 : i32
      %add3A_645 = vector.broadcast %add3A_644 : i32 to vector<16xi32>
      %add3A_646 = arith.addi %add3A_645, %iota3A : vector<16xi32>
      %gather3A_647 = tpu.vector_load_idx %arg4[%add3A_646, %broadcast_in_dim3A_626] : memref<64x128xf32, #tpu.memory_space<vmem>>[vector<16xi32>, vector<16xi32>], vector<16xf32>,
      %sort3A_648 = arith.constant dense<true> : vector<16xi1>
      %sort3A_649, %sort3A_650, %sort3A_651 = tpu.sort %gather3A_647, %gather3A_647 masked %sort3A_648 : (vector<16xf32>, vector<16xf32>, vector<16xi1>) -> (vector<16xi1>, vector<16xf32>, vector<16xf32>)
      %jit3A_652 = arith.constant 0.000000e+00 : f32
      %broadcast_in_dim3A_653 = vector.broadcast %jit3A_652 : f32 to vector<16xf32>
      %select_n3A_654 = arith.select %lt3A_4, %sort3A_650, %broadcast_in_dim3A_653 : vector<16xi1>, vector<16xf32>
      %reduce_sum3A_655 = arith.constant true
      %reduce_sum3A_656 = vector.broadcast %reduce_sum3A_655 : i1 to vector<16xi1>
      %reduce_sum3A_657 = tpu.scan <sum>, %select_n3A_654 masked %reduce_sum3A_656 : vector<16xf32>, vector<16xi1> -> vector<16xf32>
      %reduce_sum3A_658 = vector.extract %reduce_sum3A_657[15] : f32 from vector<16xf32>
      %add3A_659 = arith.addf %add3A_643, %reduce_sum3A_658 : f32
      %add3A_660 = arith.constant 32 : i32
      %add3A_661 = vector.broadcast %add3A_660 : i32 to vector<16xi32>
      %add3A_662 = arith.addi %add3A_661, %iota3A : vector<16xi32>
      %gather3A_663 = tpu.vector_load_idx %arg4[%add3A_662, %broadcast_in_dim3A_626] : memref<64x128xf32, #tpu.memory_space<vmem>>[vector<16xi32>, vector<16xi32>], vector<16xf32>,
      %sort3A_664 = arith.constant dense<true> : vector<16xi1>
      %sort3A_665, %sort3A_666, %sort3A_667 = tpu.sort %gather3A_663, %gather3A_663 masked %sort3A_664 : (vector<16xf32>, vector<16xf32>, vector<16xi1>) -> (vector<16xi1>, vector<16xf32>, vector<16xf32>)
      %jit3A_668 = arith.constant 0.000000e+00 : f32
      %broadcast_in_dim3A_669 = vector.broadcast %jit3A_668 : f32 to vector<16xf32>
      %select_n3A_670 = arith.select %lt3A_4, %sort3A_666, %broadcast_in_dim3A_669 : vector<16xi1>, vector<16xf32>
      %reduce_sum3A_671 = arith.constant true
      %reduce_sum3A_672 = vector.broadcast %reduce_sum3A_671 : i1 to vector<16xi1>
      %reduce_sum3A_673 = tpu.scan <sum>, %select_n3A_670 masked %reduce_sum3A_672 : vector<16xf32>, vector<16xi1> -> vector<16xf32>
      %reduce_sum3A_674 = vector.extract %reduce_sum3A_673[15] : f32 from vector<16xf32>
      %add3A_675 = arith.addf %add3A_659, %reduce_sum3A_674 : f32
      %add3A_676 = arith.constant 48 : i32
      %add3A_677 = vector.broadcast %add3A_676 : i32 to vector<16xi32>
      %add3A_678 = arith.addi %add3A_677, %iota3A : vector<16xi32>
      %gather3A_679 = tpu.vector_load_idx %arg4[%add3A_678, %broadcast_in_dim3A_626] : memref<64x128xf32, #tpu.memory_space<vmem>>[vector<16xi32>, vector<16xi32>], vector<16xf32>,
      %sort3A_680 = arith.constant dense<true> : vector<16xi1>
      %sort3A_681, %sort3A_682, %sort3A_683 = tpu.sort %gather3A_679, %gather3A_679 masked %sort3A_680 : (vector<16xf32>, vector<16xf32>, vector<16xi1>) -> (vector<16xi1>, vector<16xf32>, vector<16xf32>)
      %jit3A_684 = arith.constant 0.000000e+00 : f32
      %broadcast_in_dim3A_685 = vector.broadcast %jit3A_684 : f32 to vector<16xf32>
      %select_n3A_686 = arith.select %lt3A_4, %sort3A_682, %broadcast_in_dim3A_685 : vector<16xi1>, vector<16xf32>
      %reduce_sum3A_687 = arith.constant true
      %reduce_sum3A_688 = vector.broadcast %reduce_sum3A_687 : i1 to vector<16xi1>
      %reduce_sum3A_689 = tpu.scan <sum>, %select_n3A_686 masked %reduce_sum3A_688 : vector<16xf32>, vector<16xi1> -> vector<16xf32>
      %reduce_sum3A_690 = vector.extract %reduce_sum3A_689[15] : f32 from vector<16xf32>
      %add3A_691 = arith.addf %add3A_675, %reduce_sum3A_690 : f32
      %eq3A_692 = arith.constant 8 : i32
      %eq3A_693 = vector.broadcast %eq3A_692 : i32 to vector<16xi32>
      %eq3A_694 = arith.cmpi eq, %iota3A, %eq3A_693 : vector<16xi32>
      %mul3A_695 = arith.constant 5.000000e-02 : f32
      %mul3A_696 = arith.mulf %add3A_691, %mul3A_695 : f32
      %broadcast_in_dim3A_697 = vector.broadcast %mul3A_696 : f32 to vector<16xf32>
      %select_n3A_698 = arith.select %eq3A_694, %broadcast_in_dim3A_697, %select_n3A_621 : vector<16xi1>, vector<16xf32>
      %mul3A_699 = arith.constant 16 : i32
      %mul3A_700 = arith.muli %scan3A_10, %mul3A_699 : i32
      %add3A_701 = arith.constant 9 : i32
      %add3A_702 = arith.addi %mul3A_700, %add3A_701 : i32
      %broadcast_in_dim3A_703 = vector.broadcast %add3A_702 : i32 to vector<16xi32>
      %add3A_704 = arith.constant 0 : i32
      %add3A_705 = vector.broadcast %add3A_704 : i32 to vector<16xi32>
      %add3A_706 = arith.addi %add3A_705, %iota3A : vector<16xi32>
      %gather3A_707 = tpu.vector_load_idx %arg4[%add3A_706, %broadcast_in_dim3A_703] : memref<64x128xf32, #tpu.memory_space<vmem>>[vector<16xi32>, vector<16xi32>], vector<16xf32>,
      %sort3A_708 = arith.constant dense<true> : vector<16xi1>
      %sort3A_709, %sort3A_710, %sort3A_711 = tpu.sort %gather3A_707, %gather3A_707 masked %sort3A_708 : (vector<16xf32>, vector<16xf32>, vector<16xi1>) -> (vector<16xi1>, vector<16xf32>, vector<16xf32>)
      %jit3A_712 = arith.constant 0.000000e+00 : f32
      %broadcast_in_dim3A_713 = vector.broadcast %jit3A_712 : f32 to vector<16xf32>
      %select_n3A_714 = arith.select %lt3A_4, %sort3A_710, %broadcast_in_dim3A_713 : vector<16xi1>, vector<16xf32>
      %reduce_sum3A_715 = arith.constant true
      %reduce_sum3A_716 = vector.broadcast %reduce_sum3A_715 : i1 to vector<16xi1>
      %reduce_sum3A_717 = tpu.scan <sum>, %select_n3A_714 masked %reduce_sum3A_716 : vector<16xf32>, vector<16xi1> -> vector<16xf32>
      %reduce_sum3A_718 = vector.extract %reduce_sum3A_717[15] : f32 from vector<16xf32>
      %add3A_719 = arith.constant 0.000000e+00 : f32
      %add3A_720 = arith.addf %add3A_719, %reduce_sum3A_718 : f32
      %add3A_721 = arith.constant 16 : i32
      %add3A_722 = vector.broadcast %add3A_721 : i32 to vector<16xi32>
      %add3A_723 = arith.addi %add3A_722, %iota3A : vector<16xi32>
      %gather3A_724 = tpu.vector_load_idx %arg4[%add3A_723, %broadcast_in_dim3A_703] : memref<64x128xf32, #tpu.memory_space<vmem>>[vector<16xi32>, vector<16xi32>], vector<16xf32>,
      %sort3A_725 = arith.constant dense<true> : vector<16xi1>
      %sort3A_726, %sort3A_727, %sort3A_728 = tpu.sort %gather3A_724, %gather3A_724 masked %sort3A_725 : (vector<16xf32>, vector<16xf32>, vector<16xi1>) -> (vector<16xi1>, vector<16xf32>, vector<16xf32>)
      %jit3A_729 = arith.constant 0.000000e+00 : f32
      %broadcast_in_dim3A_730 = vector.broadcast %jit3A_729 : f32 to vector<16xf32>
      %select_n3A_731 = arith.select %lt3A_4, %sort3A_727, %broadcast_in_dim3A_730 : vector<16xi1>, vector<16xf32>
      %reduce_sum3A_732 = arith.constant true
      %reduce_sum3A_733 = vector.broadcast %reduce_sum3A_732 : i1 to vector<16xi1>
      %reduce_sum3A_734 = tpu.scan <sum>, %select_n3A_731 masked %reduce_sum3A_733 : vector<16xf32>, vector<16xi1> -> vector<16xf32>
      %reduce_sum3A_735 = vector.extract %reduce_sum3A_734[15] : f32 from vector<16xf32>
      %add3A_736 = arith.addf %add3A_720, %reduce_sum3A_735 : f32
      %add3A_737 = arith.constant 32 : i32
      %add3A_738 = vector.broadcast %add3A_737 : i32 to vector<16xi32>
      %add3A_739 = arith.addi %add3A_738, %iota3A : vector<16xi32>
      %gather3A_740 = tpu.vector_load_idx %arg4[%add3A_739, %broadcast_in_dim3A_703] : memref<64x128xf32, #tpu.memory_space<vmem>>[vector<16xi32>, vector<16xi32>], vector<16xf32>,
      %sort3A_741 = arith.constant dense<true> : vector<16xi1>
      %sort3A_742, %sort3A_743, %sort3A_744 = tpu.sort %gather3A_740, %gather3A_740 masked %sort3A_741 : (vector<16xf32>, vector<16xf32>, vector<16xi1>) -> (vector<16xi1>, vector<16xf32>, vector<16xf32>)
      %jit3A_745 = arith.constant 0.000000e+00 : f32
      %broadcast_in_dim3A_746 = vector.broadcast %jit3A_745 : f32 to vector<16xf32>
      %select_n3A_747 = arith.select %lt3A_4, %sort3A_743, %broadcast_in_dim3A_746 : vector<16xi1>, vector<16xf32>
      %reduce_sum3A_748 = arith.constant true
      %reduce_sum3A_749 = vector.broadcast %reduce_sum3A_748 : i1 to vector<16xi1>
      %reduce_sum3A_750 = tpu.scan <sum>, %select_n3A_747 masked %reduce_sum3A_749 : vector<16xf32>, vector<16xi1> -> vector<16xf32>
      %reduce_sum3A_751 = vector.extract %reduce_sum3A_750[15] : f32 from vector<16xf32>
      %add3A_752 = arith.addf %add3A_736, %reduce_sum3A_751 : f32
      %add3A_753 = arith.constant 48 : i32
      %add3A_754 = vector.broadcast %add3A_753 : i32 to vector<16xi32>
      %add3A_755 = arith.addi %add3A_754, %iota3A : vector<16xi32>
      %gather3A_756 = tpu.vector_load_idx %arg4[%add3A_755, %broadcast_in_dim3A_703] : memref<64x128xf32, #tpu.memory_space<vmem>>[vector<16xi32>, vector<16xi32>], vector<16xf32>,
      %sort3A_757 = arith.constant dense<true> : vector<16xi1>
      %sort3A_758, %sort3A_759, %sort3A_760 = tpu.sort %gather3A_756, %gather3A_756 masked %sort3A_757 : (vector<16xf32>, vector<16xf32>, vector<16xi1>) -> (vector<16xi1>, vector<16xf32>, vector<16xf32>)
      %jit3A_761 = arith.constant 0.000000e+00 : f32
      %broadcast_in_dim3A_762 = vector.broadcast %jit3A_761 : f32 to vector<16xf32>
      %select_n3A_763 = arith.select %lt3A_4, %sort3A_759, %broadcast_in_dim3A_762 : vector<16xi1>, vector<16xf32>
      %reduce_sum3A_764 = arith.constant true
      %reduce_sum3A_765 = vector.broadcast %reduce_sum3A_764 : i1 to vector<16xi1>
      %reduce_sum3A_766 = tpu.scan <sum>, %select_n3A_763 masked %reduce_sum3A_765 : vector<16xf32>, vector<16xi1> -> vector<16xf32>
      %reduce_sum3A_767 = vector.extract %reduce_sum3A_766[15] : f32 from vector<16xf32>
      %add3A_768 = arith.addf %add3A_752, %reduce_sum3A_767 : f32
      %eq3A_769 = arith.constant 9 : i32
      %eq3A_770 = vector.broadcast %eq3A_769 : i32 to vector<16xi32>
      %eq3A_771 = arith.cmpi eq, %iota3A, %eq3A_770 : vector<16xi32>
      %mul3A_772 = arith.constant 5.000000e-02 : f32
      %mul3A_773 = arith.mulf %add3A_768, %mul3A_772 : f32
      %broadcast_in_dim3A_774 = vector.broadcast %mul3A_773 : f32 to vector<16xf32>
      %select_n3A_775 = arith.select %eq3A_771, %broadcast_in_dim3A_774, %select_n3A_698 : vector<16xi1>, vector<16xf32>
      %mul3A_776 = arith.constant 16 : i32
      %mul3A_777 = arith.muli %scan3A_10, %mul3A_776 : i32
      %add3A_778 = arith.constant 10 : i32
      %add3A_779 = arith.addi %mul3A_777, %add3A_778 : i32
      %broadcast_in_dim3A_780 = vector.broadcast %add3A_779 : i32 to vector<16xi32>
      %add3A_781 = arith.constant 0 : i32
      %add3A_782 = vector.broadcast %add3A_781 : i32 to vector<16xi32>
      %add3A_783 = arith.addi %add3A_782, %iota3A : vector<16xi32>
      %gather3A_784 = tpu.vector_load_idx %arg4[%add3A_783, %broadcast_in_dim3A_780] : memref<64x128xf32, #tpu.memory_space<vmem>>[vector<16xi32>, vector<16xi32>], vector<16xf32>,
      %sort3A_785 = arith.constant dense<true> : vector<16xi1>
      %sort3A_786, %sort3A_787, %sort3A_788 = tpu.sort %gather3A_784, %gather3A_784 masked %sort3A_785 : (vector<16xf32>, vector<16xf32>, vector<16xi1>) -> (vector<16xi1>, vector<16xf32>, vector<16xf32>)
      %jit3A_789 = arith.constant 0.000000e+00 : f32
      %broadcast_in_dim3A_790 = vector.broadcast %jit3A_789 : f32 to vector<16xf32>
      %select_n3A_791 = arith.select %lt3A_4, %sort3A_787, %broadcast_in_dim3A_790 : vector<16xi1>, vector<16xf32>
      %reduce_sum3A_792 = arith.constant true
      %reduce_sum3A_793 = vector.broadcast %reduce_sum3A_792 : i1 to vector<16xi1>
      %reduce_sum3A_794 = tpu.scan <sum>, %select_n3A_791 masked %reduce_sum3A_793 : vector<16xf32>, vector<16xi1> -> vector<16xf32>
      %reduce_sum3A_795 = vector.extract %reduce_sum3A_794[15] : f32 from vector<16xf32>
      %add3A_796 = arith.constant 0.000000e+00 : f32
      %add3A_797 = arith.addf %add3A_796, %reduce_sum3A_795 : f32
      %add3A_798 = arith.constant 16 : i32
      %add3A_799 = vector.broadcast %add3A_798 : i32 to vector<16xi32>
      %add3A_800 = arith.addi %add3A_799, %iota3A : vector<16xi32>
      %gather3A_801 = tpu.vector_load_idx %arg4[%add3A_800, %broadcast_in_dim3A_780] : memref<64x128xf32, #tpu.memory_space<vmem>>[vector<16xi32>, vector<16xi32>], vector<16xf32>,
      %sort3A_802 = arith.constant dense<true> : vector<16xi1>
      %sort3A_803, %sort3A_804, %sort3A_805 = tpu.sort %gather3A_801, %gather3A_801 masked %sort3A_802 : (vector<16xf32>, vector<16xf32>, vector<16xi1>) -> (vector<16xi1>, vector<16xf32>, vector<16xf32>)
      %jit3A_806 = arith.constant 0.000000e+00 : f32
      %broadcast_in_dim3A_807 = vector.broadcast %jit3A_806 : f32 to vector<16xf32>
      %select_n3A_808 = arith.select %lt3A_4, %sort3A_804, %broadcast_in_dim3A_807 : vector<16xi1>, vector<16xf32>
      %reduce_sum3A_809 = arith.constant true
      %reduce_sum3A_810 = vector.broadcast %reduce_sum3A_809 : i1 to vector<16xi1>
      %reduce_sum3A_811 = tpu.scan <sum>, %select_n3A_808 masked %reduce_sum3A_810 : vector<16xf32>, vector<16xi1> -> vector<16xf32>
      %reduce_sum3A_812 = vector.extract %reduce_sum3A_811[15] : f32 from vector<16xf32>
      %add3A_813 = arith.addf %add3A_797, %reduce_sum3A_812 : f32
      %add3A_814 = arith.constant 32 : i32
      %add3A_815 = vector.broadcast %add3A_814 : i32 to vector<16xi32>
      %add3A_816 = arith.addi %add3A_815, %iota3A : vector<16xi32>
      %gather3A_817 = tpu.vector_load_idx %arg4[%add3A_816, %broadcast_in_dim3A_780] : memref<64x128xf32, #tpu.memory_space<vmem>>[vector<16xi32>, vector<16xi32>], vector<16xf32>,
      %sort3A_818 = arith.constant dense<true> : vector<16xi1>
      %sort3A_819, %sort3A_820, %sort3A_821 = tpu.sort %gather3A_817, %gather3A_817 masked %sort3A_818 : (vector<16xf32>, vector<16xf32>, vector<16xi1>) -> (vector<16xi1>, vector<16xf32>, vector<16xf32>)
      %jit3A_822 = arith.constant 0.000000e+00 : f32
      %broadcast_in_dim3A_823 = vector.broadcast %jit3A_822 : f32 to vector<16xf32>
      %select_n3A_824 = arith.select %lt3A_4, %sort3A_820, %broadcast_in_dim3A_823 : vector<16xi1>, vector<16xf32>
      %reduce_sum3A_825 = arith.constant true
      %reduce_sum3A_826 = vector.broadcast %reduce_sum3A_825 : i1 to vector<16xi1>
      %reduce_sum3A_827 = tpu.scan <sum>, %select_n3A_824 masked %reduce_sum3A_826 : vector<16xf32>, vector<16xi1> -> vector<16xf32>
      %reduce_sum3A_828 = vector.extract %reduce_sum3A_827[15] : f32 from vector<16xf32>
      %add3A_829 = arith.addf %add3A_813, %reduce_sum3A_828 : f32
      %add3A_830 = arith.constant 48 : i32
      %add3A_831 = vector.broadcast %add3A_830 : i32 to vector<16xi32>
      %add3A_832 = arith.addi %add3A_831, %iota3A : vector<16xi32>
      %gather3A_833 = tpu.vector_load_idx %arg4[%add3A_832, %broadcast_in_dim3A_780] : memref<64x128xf32, #tpu.memory_space<vmem>>[vector<16xi32>, vector<16xi32>], vector<16xf32>,
      %sort3A_834 = arith.constant dense<true> : vector<16xi1>
      %sort3A_835, %sort3A_836, %sort3A_837 = tpu.sort %gather3A_833, %gather3A_833 masked %sort3A_834 : (vector<16xf32>, vector<16xf32>, vector<16xi1>) -> (vector<16xi1>, vector<16xf32>, vector<16xf32>)
      %jit3A_838 = arith.constant 0.000000e+00 : f32
      %broadcast_in_dim3A_839 = vector.broadcast %jit3A_838 : f32 to vector<16xf32>
      %select_n3A_840 = arith.select %lt3A_4, %sort3A_836, %broadcast_in_dim3A_839 : vector<16xi1>, vector<16xf32>
      %reduce_sum3A_841 = arith.constant true
      %reduce_sum3A_842 = vector.broadcast %reduce_sum3A_841 : i1 to vector<16xi1>
      %reduce_sum3A_843 = tpu.scan <sum>, %select_n3A_840 masked %reduce_sum3A_842 : vector<16xf32>, vector<16xi1> -> vector<16xf32>
      %reduce_sum3A_844 = vector.extract %reduce_sum3A_843[15] : f32 from vector<16xf32>
      %add3A_845 = arith.addf %add3A_829, %reduce_sum3A_844 : f32
      %eq3A_846 = arith.constant 10 : i32
      %eq3A_847 = vector.broadcast %eq3A_846 : i32 to vector<16xi32>
      %eq3A_848 = arith.cmpi eq, %iota3A, %eq3A_847 : vector<16xi32>
      %mul3A_849 = arith.constant 5.000000e-02 : f32
      %mul3A_850 = arith.mulf %add3A_845, %mul3A_849 : f32
      %broadcast_in_dim3A_851 = vector.broadcast %mul3A_850 : f32 to vector<16xf32>
      %select_n3A_852 = arith.select %eq3A_848, %broadcast_in_dim3A_851, %select_n3A_775 : vector<16xi1>, vector<16xf32>
      %mul3A_853 = arith.constant 16 : i32
      %mul3A_854 = arith.muli %scan3A_10, %mul3A_853 : i32
      %add3A_855 = arith.constant 11 : i32
      %add3A_856 = arith.addi %mul3A_854, %add3A_855 : i32
      %broadcast_in_dim3A_857 = vector.broadcast %add3A_856 : i32 to vector<16xi32>
      %add3A_858 = arith.constant 0 : i32
      %add3A_859 = vector.broadcast %add3A_858 : i32 to vector<16xi32>
      %add3A_860 = arith.addi %add3A_859, %iota3A : vector<16xi32>
      %gather3A_861 = tpu.vector_load_idx %arg4[%add3A_860, %broadcast_in_dim3A_857] : memref<64x128xf32, #tpu.memory_space<vmem>>[vector<16xi32>, vector<16xi32>], vector<16xf32>,
      %sort3A_862 = arith.constant dense<true> : vector<16xi1>
      %sort3A_863, %sort3A_864, %sort3A_865 = tpu.sort %gather3A_861, %gather3A_861 masked %sort3A_862 : (vector<16xf32>, vector<16xf32>, vector<16xi1>) -> (vector<16xi1>, vector<16xf32>, vector<16xf32>)
      %jit3A_866 = arith.constant 0.000000e+00 : f32
      %broadcast_in_dim3A_867 = vector.broadcast %jit3A_866 : f32 to vector<16xf32>
      %select_n3A_868 = arith.select %lt3A_4, %sort3A_864, %broadcast_in_dim3A_867 : vector<16xi1>, vector<16xf32>
      %reduce_sum3A_869 = arith.constant true
      %reduce_sum3A_870 = vector.broadcast %reduce_sum3A_869 : i1 to vector<16xi1>
      %reduce_sum3A_871 = tpu.scan <sum>, %select_n3A_868 masked %reduce_sum3A_870 : vector<16xf32>, vector<16xi1> -> vector<16xf32>
      %reduce_sum3A_872 = vector.extract %reduce_sum3A_871[15] : f32 from vector<16xf32>
      %add3A_873 = arith.constant 0.000000e+00 : f32
      %add3A_874 = arith.addf %add3A_873, %reduce_sum3A_872 : f32
      %add3A_875 = arith.constant 16 : i32
      %add3A_876 = vector.broadcast %add3A_875 : i32 to vector<16xi32>
      %add3A_877 = arith.addi %add3A_876, %iota3A : vector<16xi32>
      %gather3A_878 = tpu.vector_load_idx %arg4[%add3A_877, %broadcast_in_dim3A_857] : memref<64x128xf32, #tpu.memory_space<vmem>>[vector<16xi32>, vector<16xi32>], vector<16xf32>,
      %sort3A_879 = arith.constant dense<true> : vector<16xi1>
      %sort3A_880, %sort3A_881, %sort3A_882 = tpu.sort %gather3A_878, %gather3A_878 masked %sort3A_879 : (vector<16xf32>, vector<16xf32>, vector<16xi1>) -> (vector<16xi1>, vector<16xf32>, vector<16xf32>)
      %jit3A_883 = arith.constant 0.000000e+00 : f32
      %broadcast_in_dim3A_884 = vector.broadcast %jit3A_883 : f32 to vector<16xf32>
      %select_n3A_885 = arith.select %lt3A_4, %sort3A_881, %broadcast_in_dim3A_884 : vector<16xi1>, vector<16xf32>
      %reduce_sum3A_886 = arith.constant true
      %reduce_sum3A_887 = vector.broadcast %reduce_sum3A_886 : i1 to vector<16xi1>
      %reduce_sum3A_888 = tpu.scan <sum>, %select_n3A_885 masked %reduce_sum3A_887 : vector<16xf32>, vector<16xi1> -> vector<16xf32>
      %reduce_sum3A_889 = vector.extract %reduce_sum3A_888[15] : f32 from vector<16xf32>
      %add3A_890 = arith.addf %add3A_874, %reduce_sum3A_889 : f32
      %add3A_891 = arith.constant 32 : i32
      %add3A_892 = vector.broadcast %add3A_891 : i32 to vector<16xi32>
      %add3A_893 = arith.addi %add3A_892, %iota3A : vector<16xi32>
      %gather3A_894 = tpu.vector_load_idx %arg4[%add3A_893, %broadcast_in_dim3A_857] : memref<64x128xf32, #tpu.memory_space<vmem>>[vector<16xi32>, vector<16xi32>], vector<16xf32>,
      %sort3A_895 = arith.constant dense<true> : vector<16xi1>
      %sort3A_896, %sort3A_897, %sort3A_898 = tpu.sort %gather3A_894, %gather3A_894 masked %sort3A_895 : (vector<16xf32>, vector<16xf32>, vector<16xi1>) -> (vector<16xi1>, vector<16xf32>, vector<16xf32>)
      %jit3A_899 = arith.constant 0.000000e+00 : f32
      %broadcast_in_dim3A_900 = vector.broadcast %jit3A_899 : f32 to vector<16xf32>
      %select_n3A_901 = arith.select %lt3A_4, %sort3A_897, %broadcast_in_dim3A_900 : vector<16xi1>, vector<16xf32>
      %reduce_sum3A_902 = arith.constant true
      %reduce_sum3A_903 = vector.broadcast %reduce_sum3A_902 : i1 to vector<16xi1>
      %reduce_sum3A_904 = tpu.scan <sum>, %select_n3A_901 masked %reduce_sum3A_903 : vector<16xf32>, vector<16xi1> -> vector<16xf32>
      %reduce_sum3A_905 = vector.extract %reduce_sum3A_904[15] : f32 from vector<16xf32>
      %add3A_906 = arith.addf %add3A_890, %reduce_sum3A_905 : f32
      %add3A_907 = arith.constant 48 : i32
      %add3A_908 = vector.broadcast %add3A_907 : i32 to vector<16xi32>
      %add3A_909 = arith.addi %add3A_908, %iota3A : vector<16xi32>
      %gather3A_910 = tpu.vector_load_idx %arg4[%add3A_909, %broadcast_in_dim3A_857] : memref<64x128xf32, #tpu.memory_space<vmem>>[vector<16xi32>, vector<16xi32>], vector<16xf32>,
      %sort3A_911 = arith.constant dense<true> : vector<16xi1>
      %sort3A_912, %sort3A_913, %sort3A_914 = tpu.sort %gather3A_910, %gather3A_910 masked %sort3A_911 : (vector<16xf32>, vector<16xf32>, vector<16xi1>) -> (vector<16xi1>, vector<16xf32>, vector<16xf32>)
      %jit3A_915 = arith.constant 0.000000e+00 : f32
      %broadcast_in_dim3A_916 = vector.broadcast %jit3A_915 : f32 to vector<16xf32>
      %select_n3A_917 = arith.select %lt3A_4, %sort3A_913, %broadcast_in_dim3A_916 : vector<16xi1>, vector<16xf32>
      %reduce_sum3A_918 = arith.constant true
      %reduce_sum3A_919 = vector.broadcast %reduce_sum3A_918 : i1 to vector<16xi1>
      %reduce_sum3A_920 = tpu.scan <sum>, %select_n3A_917 masked %reduce_sum3A_919 : vector<16xf32>, vector<16xi1> -> vector<16xf32>
      %reduce_sum3A_921 = vector.extract %reduce_sum3A_920[15] : f32 from vector<16xf32>
      %add3A_922 = arith.addf %add3A_906, %reduce_sum3A_921 : f32
      %eq3A_923 = arith.constant 11 : i32
      %eq3A_924 = vector.broadcast %eq3A_923 : i32 to vector<16xi32>
      %eq3A_925 = arith.cmpi eq, %iota3A, %eq3A_924 : vector<16xi32>
      %mul3A_926 = arith.constant 5.000000e-02 : f32
      %mul3A_927 = arith.mulf %add3A_922, %mul3A_926 : f32
      %broadcast_in_dim3A_928 = vector.broadcast %mul3A_927 : f32 to vector<16xf32>
      %select_n3A_929 = arith.select %eq3A_925, %broadcast_in_dim3A_928, %select_n3A_852 : vector<16xi1>, vector<16xf32>
      %mul3A_930 = arith.constant 16 : i32
      %mul3A_931 = arith.muli %scan3A_10, %mul3A_930 : i32
      %add3A_932 = arith.constant 12 : i32
      %add3A_933 = arith.addi %mul3A_931, %add3A_932 : i32
      %broadcast_in_dim3A_934 = vector.broadcast %add3A_933 : i32 to vector<16xi32>
      %add3A_935 = arith.constant 0 : i32
      %add3A_936 = vector.broadcast %add3A_935 : i32 to vector<16xi32>
      %add3A_937 = arith.addi %add3A_936, %iota3A : vector<16xi32>
      %gather3A_938 = tpu.vector_load_idx %arg4[%add3A_937, %broadcast_in_dim3A_934] : memref<64x128xf32, #tpu.memory_space<vmem>>[vector<16xi32>, vector<16xi32>], vector<16xf32>,
      %sort3A_939 = arith.constant dense<true> : vector<16xi1>
      %sort3A_940, %sort3A_941, %sort3A_942 = tpu.sort %gather3A_938, %gather3A_938 masked %sort3A_939 : (vector<16xf32>, vector<16xf32>, vector<16xi1>) -> (vector<16xi1>, vector<16xf32>, vector<16xf32>)
      %jit3A_943 = arith.constant 0.000000e+00 : f32
      %broadcast_in_dim3A_944 = vector.broadcast %jit3A_943 : f32 to vector<16xf32>
      %select_n3A_945 = arith.select %lt3A_4, %sort3A_941, %broadcast_in_dim3A_944 : vector<16xi1>, vector<16xf32>
      %reduce_sum3A_946 = arith.constant true
      %reduce_sum3A_947 = vector.broadcast %reduce_sum3A_946 : i1 to vector<16xi1>
      %reduce_sum3A_948 = tpu.scan <sum>, %select_n3A_945 masked %reduce_sum3A_947 : vector<16xf32>, vector<16xi1> -> vector<16xf32>
      %reduce_sum3A_949 = vector.extract %reduce_sum3A_948[15] : f32 from vector<16xf32>
      %add3A_950 = arith.constant 0.000000e+00 : f32
      %add3A_951 = arith.addf %add3A_950, %reduce_sum3A_949 : f32
      %add3A_952 = arith.constant 16 : i32
      %add3A_953 = vector.broadcast %add3A_952 : i32 to vector<16xi32>
      %add3A_954 = arith.addi %add3A_953, %iota3A : vector<16xi32>
      %gather3A_955 = tpu.vector_load_idx %arg4[%add3A_954, %broadcast_in_dim3A_934] : memref<64x128xf32, #tpu.memory_space<vmem>>[vector<16xi32>, vector<16xi32>], vector<16xf32>,
      %sort3A_956 = arith.constant dense<true> : vector<16xi1>
      %sort3A_957, %sort3A_958, %sort3A_959 = tpu.sort %gather3A_955, %gather3A_955 masked %sort3A_956 : (vector<16xf32>, vector<16xf32>, vector<16xi1>) -> (vector<16xi1>, vector<16xf32>, vector<16xf32>)
      %jit3A_960 = arith.constant 0.000000e+00 : f32
      %broadcast_in_dim3A_961 = vector.broadcast %jit3A_960 : f32 to vector<16xf32>
      %select_n3A_962 = arith.select %lt3A_4, %sort3A_958, %broadcast_in_dim3A_961 : vector<16xi1>, vector<16xf32>
      %reduce_sum3A_963 = arith.constant true
      %reduce_sum3A_964 = vector.broadcast %reduce_sum3A_963 : i1 to vector<16xi1>
      %reduce_sum3A_965 = tpu.scan <sum>, %select_n3A_962 masked %reduce_sum3A_964 : vector<16xf32>, vector<16xi1> -> vector<16xf32>
      %reduce_sum3A_966 = vector.extract %reduce_sum3A_965[15] : f32 from vector<16xf32>
      %add3A_967 = arith.addf %add3A_951, %reduce_sum3A_966 : f32
      %add3A_968 = arith.constant 32 : i32
      %add3A_969 = vector.broadcast %add3A_968 : i32 to vector<16xi32>
      %add3A_970 = arith.addi %add3A_969, %iota3A : vector<16xi32>
      %gather3A_971 = tpu.vector_load_idx %arg4[%add3A_970, %broadcast_in_dim3A_934] : memref<64x128xf32, #tpu.memory_space<vmem>>[vector<16xi32>, vector<16xi32>], vector<16xf32>,
      %sort3A_972 = arith.constant dense<true> : vector<16xi1>
      %sort3A_973, %sort3A_974, %sort3A_975 = tpu.sort %gather3A_971, %gather3A_971 masked %sort3A_972 : (vector<16xf32>, vector<16xf32>, vector<16xi1>) -> (vector<16xi1>, vector<16xf32>, vector<16xf32>)
      %jit3A_976 = arith.constant 0.000000e+00 : f32
      %broadcast_in_dim3A_977 = vector.broadcast %jit3A_976 : f32 to vector<16xf32>
      %select_n3A_978 = arith.select %lt3A_4, %sort3A_974, %broadcast_in_dim3A_977 : vector<16xi1>, vector<16xf32>
      %reduce_sum3A_979 = arith.constant true
      %reduce_sum3A_980 = vector.broadcast %reduce_sum3A_979 : i1 to vector<16xi1>
      %reduce_sum3A_981 = tpu.scan <sum>, %select_n3A_978 masked %reduce_sum3A_980 : vector<16xf32>, vector<16xi1> -> vector<16xf32>
      %reduce_sum3A_982 = vector.extract %reduce_sum3A_981[15] : f32 from vector<16xf32>
      %add3A_983 = arith.addf %add3A_967, %reduce_sum3A_982 : f32
      %add3A_984 = arith.constant 48 : i32
      %add3A_985 = vector.broadcast %add3A_984 : i32 to vector<16xi32>
      %add3A_986 = arith.addi %add3A_985, %iota3A : vector<16xi32>
      %gather3A_987 = tpu.vector_load_idx %arg4[%add3A_986, %broadcast_in_dim3A_934] : memref<64x128xf32, #tpu.memory_space<vmem>>[vector<16xi32>, vector<16xi32>], vector<16xf32>,
      %sort3A_988 = arith.constant dense<true> : vector<16xi1>
      %sort3A_989, %sort3A_990, %sort3A_991 = tpu.sort %gather3A_987, %gather3A_987 masked %sort3A_988 : (vector<16xf32>, vector<16xf32>, vector<16xi1>) -> (vector<16xi1>, vector<16xf32>, vector<16xf32>)
      %jit3A_992 = arith.constant 0.000000e+00 : f32
      %broadcast_in_dim3A_993 = vector.broadcast %jit3A_992 : f32 to vector<16xf32>
      %select_n3A_994 = arith.select %lt3A_4, %sort3A_990, %broadcast_in_dim3A_993 : vector<16xi1>, vector<16xf32>
      %reduce_sum3A_995 = arith.constant true
      %reduce_sum3A_996 = vector.broadcast %reduce_sum3A_995 : i1 to vector<16xi1>
      %reduce_sum3A_997 = tpu.scan <sum>, %select_n3A_994 masked %reduce_sum3A_996 : vector<16xf32>, vector<16xi1> -> vector<16xf32>
      %reduce_sum3A_998 = vector.extract %reduce_sum3A_997[15] : f32 from vector<16xf32>
      %add3A_999 = arith.addf %add3A_983, %reduce_sum3A_998 : f32
      %eq3A_1000 = arith.constant 12 : i32
      %eq3A_1001 = vector.broadcast %eq3A_1000 : i32 to vector<16xi32>
      %eq3A_1002 = arith.cmpi eq, %iota3A, %eq3A_1001 : vector<16xi32>
      %mul3A_1003 = arith.constant 5.000000e-02 : f32
      %mul3A_1004 = arith.mulf %add3A_999, %mul3A_1003 : f32
      %broadcast_in_dim3A_1005 = vector.broadcast %mul3A_1004 : f32 to vector<16xf32>
      %select_n3A_1006 = arith.select %eq3A_1002, %broadcast_in_dim3A_1005, %select_n3A_929 : vector<16xi1>, vector<16xf32>
      %mul3A_1007 = arith.constant 16 : i32
      %mul3A_1008 = arith.muli %scan3A_10, %mul3A_1007 : i32
      %add3A_1009 = arith.constant 13 : i32
      %add3A_1010 = arith.addi %mul3A_1008, %add3A_1009 : i32
      %broadcast_in_dim3A_1011 = vector.broadcast %add3A_1010 : i32 to vector<16xi32>
      %add3A_1012 = arith.constant 0 : i32
      %add3A_1013 = vector.broadcast %add3A_1012 : i32 to vector<16xi32>
      %add3A_1014 = arith.addi %add3A_1013, %iota3A : vector<16xi32>
      %gather3A_1015 = tpu.vector_load_idx %arg4[%add3A_1014, %broadcast_in_dim3A_1011] : memref<64x128xf32, #tpu.memory_space<vmem>>[vector<16xi32>, vector<16xi32>], vector<16xf32>,
      %sort3A_1016 = arith.constant dense<true> : vector<16xi1>
      %sort3A_1017, %sort3A_1018, %sort3A_1019 = tpu.sort %gather3A_1015, %gather3A_1015 masked %sort3A_1016 : (vector<16xf32>, vector<16xf32>, vector<16xi1>) -> (vector<16xi1>, vector<16xf32>, vector<16xf32>)
      %jit3A_1020 = arith.constant 0.000000e+00 : f32
      %broadcast_in_dim3A_1021 = vector.broadcast %jit3A_1020 : f32 to vector<16xf32>
      %select_n3A_1022 = arith.select %lt3A_4, %sort3A_1018, %broadcast_in_dim3A_1021 : vector<16xi1>, vector<16xf32>
      %reduce_sum3A_1023 = arith.constant true
      %reduce_sum3A_1024 = vector.broadcast %reduce_sum3A_1023 : i1 to vector<16xi1>
      %reduce_sum3A_1025 = tpu.scan <sum>, %select_n3A_1022 masked %reduce_sum3A_1024 : vector<16xf32>, vector<16xi1> -> vector<16xf32>
      %reduce_sum3A_1026 = vector.extract %reduce_sum3A_1025[15] : f32 from vector<16xf32>
      %add3A_1027 = arith.constant 0.000000e+00 : f32
      %add3A_1028 = arith.addf %add3A_1027, %reduce_sum3A_1026 : f32
      %add3A_1029 = arith.constant 16 : i32
      %add3A_1030 = vector.broadcast %add3A_1029 : i32 to vector<16xi32>
      %add3A_1031 = arith.addi %add3A_1030, %iota3A : vector<16xi32>
      %gather3A_1032 = tpu.vector_load_idx %arg4[%add3A_1031, %broadcast_in_dim3A_1011] : memref<64x128xf32, #tpu.memory_space<vmem>>[vector<16xi32>, vector<16xi32>], vector<16xf32>,
      %sort3A_1033 = arith.constant dense<true> : vector<16xi1>
      %sort3A_1034, %sort3A_1035, %sort3A_1036 = tpu.sort %gather3A_1032, %gather3A_1032 masked %sort3A_1033 : (vector<16xf32>, vector<16xf32>, vector<16xi1>) -> (vector<16xi1>, vector<16xf32>, vector<16xf32>)
      %jit3A_1037 = arith.constant 0.000000e+00 : f32
      %broadcast_in_dim3A_1038 = vector.broadcast %jit3A_1037 : f32 to vector<16xf32>
      %select_n3A_1039 = arith.select %lt3A_4, %sort3A_1035, %broadcast_in_dim3A_1038 : vector<16xi1>, vector<16xf32>
      %reduce_sum3A_1040 = arith.constant true
      %reduce_sum3A_1041 = vector.broadcast %reduce_sum3A_1040 : i1 to vector<16xi1>
      %reduce_sum3A_1042 = tpu.scan <sum>, %select_n3A_1039 masked %reduce_sum3A_1041 : vector<16xf32>, vector<16xi1> -> vector<16xf32>
      %reduce_sum3A_1043 = vector.extract %reduce_sum3A_1042[15] : f32 from vector<16xf32>
      %add3A_1044 = arith.addf %add3A_1028, %reduce_sum3A_1043 : f32
      %add3A_1045 = arith.constant 32 : i32
      %add3A_1046 = vector.broadcast %add3A_1045 : i32 to vector<16xi32>
      %add3A_1047 = arith.addi %add3A_1046, %iota3A : vector<16xi32>
      %gather3A_1048 = tpu.vector_load_idx %arg4[%add3A_1047, %broadcast_in_dim3A_1011] : memref<64x128xf32, #tpu.memory_space<vmem>>[vector<16xi32>, vector<16xi32>], vector<16xf32>,
      %sort3A_1049 = arith.constant dense<true> : vector<16xi1>
      %sort3A_1050, %sort3A_1051, %sort3A_1052 = tpu.sort %gather3A_1048, %gather3A_1048 masked %sort3A_1049 : (vector<16xf32>, vector<16xf32>, vector<16xi1>) -> (vector<16xi1>, vector<16xf32>, vector<16xf32>)
      %jit3A_1053 = arith.constant 0.000000e+00 : f32
      %broadcast_in_dim3A_1054 = vector.broadcast %jit3A_1053 : f32 to vector<16xf32>
      %select_n3A_1055 = arith.select %lt3A_4, %sort3A_1051, %broadcast_in_dim3A_1054 : vector<16xi1>, vector<16xf32>
      %reduce_sum3A_1056 = arith.constant true
      %reduce_sum3A_1057 = vector.broadcast %reduce_sum3A_1056 : i1 to vector<16xi1>
      %reduce_sum3A_1058 = tpu.scan <sum>, %select_n3A_1055 masked %reduce_sum3A_1057 : vector<16xf32>, vector<16xi1> -> vector<16xf32>
      %reduce_sum3A_1059 = vector.extract %reduce_sum3A_1058[15] : f32 from vector<16xf32>
      %add3A_1060 = arith.addf %add3A_1044, %reduce_sum3A_1059 : f32
      %add3A_1061 = arith.constant 48 : i32
      %add3A_1062 = vector.broadcast %add3A_1061 : i32 to vector<16xi32>
      %add3A_1063 = arith.addi %add3A_1062, %iota3A : vector<16xi32>
      %gather3A_1064 = tpu.vector_load_idx %arg4[%add3A_1063, %broadcast_in_dim3A_1011] : memref<64x128xf32, #tpu.memory_space<vmem>>[vector<16xi32>, vector<16xi32>], vector<16xf32>,
      %sort3A_1065 = arith.constant dense<true> : vector<16xi1>
      %sort3A_1066, %sort3A_1067, %sort3A_1068 = tpu.sort %gather3A_1064, %gather3A_1064 masked %sort3A_1065 : (vector<16xf32>, vector<16xf32>, vector<16xi1>) -> (vector<16xi1>, vector<16xf32>, vector<16xf32>)
      %jit3A_1069 = arith.constant 0.000000e+00 : f32
      %broadcast_in_dim3A_1070 = vector.broadcast %jit3A_1069 : f32 to vector<16xf32>
      %select_n3A_1071 = arith.select %lt3A_4, %sort3A_1067, %broadcast_in_dim3A_1070 : vector<16xi1>, vector<16xf32>
      %reduce_sum3A_1072 = arith.constant true
      %reduce_sum3A_1073 = vector.broadcast %reduce_sum3A_1072 : i1 to vector<16xi1>
      %reduce_sum3A_1074 = tpu.scan <sum>, %select_n3A_1071 masked %reduce_sum3A_1073 : vector<16xf32>, vector<16xi1> -> vector<16xf32>
      %reduce_sum3A_1075 = vector.extract %reduce_sum3A_1074[15] : f32 from vector<16xf32>
      %add3A_1076 = arith.addf %add3A_1060, %reduce_sum3A_1075 : f32
      %eq3A_1077 = arith.constant 13 : i32
      %eq3A_1078 = vector.broadcast %eq3A_1077 : i32 to vector<16xi32>
      %eq3A_1079 = arith.cmpi eq, %iota3A, %eq3A_1078 : vector<16xi32>
      %mul3A_1080 = arith.constant 5.000000e-02 : f32
      %mul3A_1081 = arith.mulf %add3A_1076, %mul3A_1080 : f32
      %broadcast_in_dim3A_1082 = vector.broadcast %mul3A_1081 : f32 to vector<16xf32>
      %select_n3A_1083 = arith.select %eq3A_1079, %broadcast_in_dim3A_1082, %select_n3A_1006 : vector<16xi1>, vector<16xf32>
      %mul3A_1084 = arith.constant 16 : i32
      %mul3A_1085 = arith.muli %scan3A_10, %mul3A_1084 : i32
      %add3A_1086 = arith.constant 14 : i32
      %add3A_1087 = arith.addi %mul3A_1085, %add3A_1086 : i32
      %broadcast_in_dim3A_1088 = vector.broadcast %add3A_1087 : i32 to vector<16xi32>
      %add3A_1089 = arith.constant 0 : i32
      %add3A_1090 = vector.broadcast %add3A_1089 : i32 to vector<16xi32>
      %add3A_1091 = arith.addi %add3A_1090, %iota3A : vector<16xi32>
      %gather3A_1092 = tpu.vector_load_idx %arg4[%add3A_1091, %broadcast_in_dim3A_1088] : memref<64x128xf32, #tpu.memory_space<vmem>>[vector<16xi32>, vector<16xi32>], vector<16xf32>,
      %sort3A_1093 = arith.constant dense<true> : vector<16xi1>
      %sort3A_1094, %sort3A_1095, %sort3A_1096 = tpu.sort %gather3A_1092, %gather3A_1092 masked %sort3A_1093 : (vector<16xf32>, vector<16xf32>, vector<16xi1>) -> (vector<16xi1>, vector<16xf32>, vector<16xf32>)
      %jit3A_1097 = arith.constant 0.000000e+00 : f32
      %broadcast_in_dim3A_1098 = vector.broadcast %jit3A_1097 : f32 to vector<16xf32>
      %select_n3A_1099 = arith.select %lt3A_4, %sort3A_1095, %broadcast_in_dim3A_1098 : vector<16xi1>, vector<16xf32>
      %reduce_sum3A_1100 = arith.constant true
      %reduce_sum3A_1101 = vector.broadcast %reduce_sum3A_1100 : i1 to vector<16xi1>
      %reduce_sum3A_1102 = tpu.scan <sum>, %select_n3A_1099 masked %reduce_sum3A_1101 : vector<16xf32>, vector<16xi1> -> vector<16xf32>
      %reduce_sum3A_1103 = vector.extract %reduce_sum3A_1102[15] : f32 from vector<16xf32>
      %add3A_1104 = arith.constant 0.000000e+00 : f32
      %add3A_1105 = arith.addf %add3A_1104, %reduce_sum3A_1103 : f32
      %add3A_1106 = arith.constant 16 : i32
      %add3A_1107 = vector.broadcast %add3A_1106 : i32 to vector<16xi32>
      %add3A_1108 = arith.addi %add3A_1107, %iota3A : vector<16xi32>
      %gather3A_1109 = tpu.vector_load_idx %arg4[%add3A_1108, %broadcast_in_dim3A_1088] : memref<64x128xf32, #tpu.memory_space<vmem>>[vector<16xi32>, vector<16xi32>], vector<16xf32>,
      %sort3A_1110 = arith.constant dense<true> : vector<16xi1>
      %sort3A_1111, %sort3A_1112, %sort3A_1113 = tpu.sort %gather3A_1109, %gather3A_1109 masked %sort3A_1110 : (vector<16xf32>, vector<16xf32>, vector<16xi1>) -> (vector<16xi1>, vector<16xf32>, vector<16xf32>)
      %jit3A_1114 = arith.constant 0.000000e+00 : f32
      %broadcast_in_dim3A_1115 = vector.broadcast %jit3A_1114 : f32 to vector<16xf32>
      %select_n3A_1116 = arith.select %lt3A_4, %sort3A_1112, %broadcast_in_dim3A_1115 : vector<16xi1>, vector<16xf32>
      %reduce_sum3A_1117 = arith.constant true
      %reduce_sum3A_1118 = vector.broadcast %reduce_sum3A_1117 : i1 to vector<16xi1>
      %reduce_sum3A_1119 = tpu.scan <sum>, %select_n3A_1116 masked %reduce_sum3A_1118 : vector<16xf32>, vector<16xi1> -> vector<16xf32>
      %reduce_sum3A_1120 = vector.extract %reduce_sum3A_1119[15] : f32 from vector<16xf32>
      %add3A_1121 = arith.addf %add3A_1105, %reduce_sum3A_1120 : f32
      %add3A_1122 = arith.constant 32 : i32
      %add3A_1123 = vector.broadcast %add3A_1122 : i32 to vector<16xi32>
      %add3A_1124 = arith.addi %add3A_1123, %iota3A : vector<16xi32>
      %gather3A_1125 = tpu.vector_load_idx %arg4[%add3A_1124, %broadcast_in_dim3A_1088] : memref<64x128xf32, #tpu.memory_space<vmem>>[vector<16xi32>, vector<16xi32>], vector<16xf32>,
      %sort3A_1126 = arith.constant dense<true> : vector<16xi1>
      %sort3A_1127, %sort3A_1128, %sort3A_1129 = tpu.sort %gather3A_1125, %gather3A_1125 masked %sort3A_1126 : (vector<16xf32>, vector<16xf32>, vector<16xi1>) -> (vector<16xi1>, vector<16xf32>, vector<16xf32>)
      %jit3A_1130 = arith.constant 0.000000e+00 : f32
      %broadcast_in_dim3A_1131 = vector.broadcast %jit3A_1130 : f32 to vector<16xf32>
      %select_n3A_1132 = arith.select %lt3A_4, %sort3A_1128, %broadcast_in_dim3A_1131 : vector<16xi1>, vector<16xf32>
      %reduce_sum3A_1133 = arith.constant true
      %reduce_sum3A_1134 = vector.broadcast %reduce_sum3A_1133 : i1 to vector<16xi1>
      %reduce_sum3A_1135 = tpu.scan <sum>, %select_n3A_1132 masked %reduce_sum3A_1134 : vector<16xf32>, vector<16xi1> -> vector<16xf32>
      %reduce_sum3A_1136 = vector.extract %reduce_sum3A_1135[15] : f32 from vector<16xf32>
      %add3A_1137 = arith.addf %add3A_1121, %reduce_sum3A_1136 : f32
      %add3A_1138 = arith.constant 48 : i32
      %add3A_1139 = vector.broadcast %add3A_1138 : i32 to vector<16xi32>
      %add3A_1140 = arith.addi %add3A_1139, %iota3A : vector<16xi32>
      %gather3A_1141 = tpu.vector_load_idx %arg4[%add3A_1140, %broadcast_in_dim3A_1088] : memref<64x128xf32, #tpu.memory_space<vmem>>[vector<16xi32>, vector<16xi32>], vector<16xf32>,
      %sort3A_1142 = arith.constant dense<true> : vector<16xi1>
      %sort3A_1143, %sort3A_1144, %sort3A_1145 = tpu.sort %gather3A_1141, %gather3A_1141 masked %sort3A_1142 : (vector<16xf32>, vector<16xf32>, vector<16xi1>) -> (vector<16xi1>, vector<16xf32>, vector<16xf32>)
      %jit3A_1146 = arith.constant 0.000000e+00 : f32
      %broadcast_in_dim3A_1147 = vector.broadcast %jit3A_1146 : f32 to vector<16xf32>
      %select_n3A_1148 = arith.select %lt3A_4, %sort3A_1144, %broadcast_in_dim3A_1147 : vector<16xi1>, vector<16xf32>
      %reduce_sum3A_1149 = arith.constant true
      %reduce_sum3A_1150 = vector.broadcast %reduce_sum3A_1149 : i1 to vector<16xi1>
      %reduce_sum3A_1151 = tpu.scan <sum>, %select_n3A_1148 masked %reduce_sum3A_1150 : vector<16xf32>, vector<16xi1> -> vector<16xf32>
      %reduce_sum3A_1152 = vector.extract %reduce_sum3A_1151[15] : f32 from vector<16xf32>
      %add3A_1153 = arith.addf %add3A_1137, %reduce_sum3A_1152 : f32
      %eq3A_1154 = arith.constant 14 : i32
      %eq3A_1155 = vector.broadcast %eq3A_1154 : i32 to vector<16xi32>
      %eq3A_1156 = arith.cmpi eq, %iota3A, %eq3A_1155 : vector<16xi32>
      %mul3A_1157 = arith.constant 5.000000e-02 : f32
      %mul3A_1158 = arith.mulf %add3A_1153, %mul3A_1157 : f32
      %broadcast_in_dim3A_1159 = vector.broadcast %mul3A_1158 : f32 to vector<16xf32>
      %select_n3A_1160 = arith.select %eq3A_1156, %broadcast_in_dim3A_1159, %select_n3A_1083 : vector<16xi1>, vector<16xf32>
      %mul3A_1161 = arith.constant 16 : i32
      %mul3A_1162 = arith.muli %scan3A_10, %mul3A_1161 : i32
      %add3A_1163 = arith.constant 15 : i32
      %add3A_1164 = arith.addi %mul3A_1162, %add3A_1163 : i32
      %broadcast_in_dim3A_1165 = vector.broadcast %add3A_1164 : i32 to vector<16xi32>
      %add3A_1166 = arith.constant 0 : i32
      %add3A_1167 = vector.broadcast %add3A_1166 : i32 to vector<16xi32>
      %add3A_1168 = arith.addi %add3A_1167, %iota3A : vector<16xi32>
      %gather3A_1169 = tpu.vector_load_idx %arg4[%add3A_1168, %broadcast_in_dim3A_1165] : memref<64x128xf32, #tpu.memory_space<vmem>>[vector<16xi32>, vector<16xi32>], vector<16xf32>,
      %sort3A_1170 = arith.constant dense<true> : vector<16xi1>
      %sort3A_1171, %sort3A_1172, %sort3A_1173 = tpu.sort %gather3A_1169, %gather3A_1169 masked %sort3A_1170 : (vector<16xf32>, vector<16xf32>, vector<16xi1>) -> (vector<16xi1>, vector<16xf32>, vector<16xf32>)
      %jit3A_1174 = arith.constant 0.000000e+00 : f32
      %broadcast_in_dim3A_1175 = vector.broadcast %jit3A_1174 : f32 to vector<16xf32>
      %select_n3A_1176 = arith.select %lt3A_4, %sort3A_1172, %broadcast_in_dim3A_1175 : vector<16xi1>, vector<16xf32>
      %reduce_sum3A_1177 = arith.constant true
      %reduce_sum3A_1178 = vector.broadcast %reduce_sum3A_1177 : i1 to vector<16xi1>
      %reduce_sum3A_1179 = tpu.scan <sum>, %select_n3A_1176 masked %reduce_sum3A_1178 : vector<16xf32>, vector<16xi1> -> vector<16xf32>
      %reduce_sum3A_1180 = vector.extract %reduce_sum3A_1179[15] : f32 from vector<16xf32>
      %add3A_1181 = arith.constant 0.000000e+00 : f32
      %add3A_1182 = arith.addf %add3A_1181, %reduce_sum3A_1180 : f32
      %add3A_1183 = arith.constant 16 : i32
      %add3A_1184 = vector.broadcast %add3A_1183 : i32 to vector<16xi32>
      %add3A_1185 = arith.addi %add3A_1184, %iota3A : vector<16xi32>
      %gather3A_1186 = tpu.vector_load_idx %arg4[%add3A_1185, %broadcast_in_dim3A_1165] : memref<64x128xf32, #tpu.memory_space<vmem>>[vector<16xi32>, vector<16xi32>], vector<16xf32>,
      %sort3A_1187 = arith.constant dense<true> : vector<16xi1>
      %sort3A_1188, %sort3A_1189, %sort3A_1190 = tpu.sort %gather3A_1186, %gather3A_1186 masked %sort3A_1187 : (vector<16xf32>, vector<16xf32>, vector<16xi1>) -> (vector<16xi1>, vector<16xf32>, vector<16xf32>)
      %jit3A_1191 = arith.constant 0.000000e+00 : f32
      %broadcast_in_dim3A_1192 = vector.broadcast %jit3A_1191 : f32 to vector<16xf32>
      %select_n3A_1193 = arith.select %lt3A_4, %sort3A_1189, %broadcast_in_dim3A_1192 : vector<16xi1>, vector<16xf32>
      %reduce_sum3A_1194 = arith.constant true
      %reduce_sum3A_1195 = vector.broadcast %reduce_sum3A_1194 : i1 to vector<16xi1>
      %reduce_sum3A_1196 = tpu.scan <sum>, %select_n3A_1193 masked %reduce_sum3A_1195 : vector<16xf32>, vector<16xi1> -> vector<16xf32>
      %reduce_sum3A_1197 = vector.extract %reduce_sum3A_1196[15] : f32 from vector<16xf32>
      %add3A_1198 = arith.addf %add3A_1182, %reduce_sum3A_1197 : f32
      %add3A_1199 = arith.constant 32 : i32
      %add3A_1200 = vector.broadcast %add3A_1199 : i32 to vector<16xi32>
      %add3A_1201 = arith.addi %add3A_1200, %iota3A : vector<16xi32>
      %gather3A_1202 = tpu.vector_load_idx %arg4[%add3A_1201, %broadcast_in_dim3A_1165] : memref<64x128xf32, #tpu.memory_space<vmem>>[vector<16xi32>, vector<16xi32>], vector<16xf32>,
      %sort3A_1203 = arith.constant dense<true> : vector<16xi1>
      %sort3A_1204, %sort3A_1205, %sort3A_1206 = tpu.sort %gather3A_1202, %gather3A_1202 masked %sort3A_1203 : (vector<16xf32>, vector<16xf32>, vector<16xi1>) -> (vector<16xi1>, vector<16xf32>, vector<16xf32>)
      %jit3A_1207 = arith.constant 0.000000e+00 : f32
      %broadcast_in_dim3A_1208 = vector.broadcast %jit3A_1207 : f32 to vector<16xf32>
      %select_n3A_1209 = arith.select %lt3A_4, %sort3A_1205, %broadcast_in_dim3A_1208 : vector<16xi1>, vector<16xf32>
      %reduce_sum3A_1210 = arith.constant true
      %reduce_sum3A_1211 = vector.broadcast %reduce_sum3A_1210 : i1 to vector<16xi1>
      %reduce_sum3A_1212 = tpu.scan <sum>, %select_n3A_1209 masked %reduce_sum3A_1211 : vector<16xf32>, vector<16xi1> -> vector<16xf32>
      %reduce_sum3A_1213 = vector.extract %reduce_sum3A_1212[15] : f32 from vector<16xf32>
      %add3A_1214 = arith.addf %add3A_1198, %reduce_sum3A_1213 : f32
      %add3A_1215 = arith.constant 48 : i32
      %add3A_1216 = vector.broadcast %add3A_1215 : i32 to vector<16xi32>
      %add3A_1217 = arith.addi %add3A_1216, %iota3A : vector<16xi32>
      %gather3A_1218 = tpu.vector_load_idx %arg4[%add3A_1217, %broadcast_in_dim3A_1165] : memref<64x128xf32, #tpu.memory_space<vmem>>[vector<16xi32>, vector<16xi32>], vector<16xf32>,
      %sort3A_1219 = arith.constant dense<true> : vector<16xi1>
      %sort3A_1220, %sort3A_1221, %sort3A_1222 = tpu.sort %gather3A_1218, %gather3A_1218 masked %sort3A_1219 : (vector<16xf32>, vector<16xf32>, vector<16xi1>) -> (vector<16xi1>, vector<16xf32>, vector<16xf32>)
      %jit3A_1223 = arith.constant 0.000000e+00 : f32
      %broadcast_in_dim3A_1224 = vector.broadcast %jit3A_1223 : f32 to vector<16xf32>
      %select_n3A_1225 = arith.select %lt3A_4, %sort3A_1221, %broadcast_in_dim3A_1224 : vector<16xi1>, vector<16xf32>
      %reduce_sum3A_1226 = arith.constant true
      %reduce_sum3A_1227 = vector.broadcast %reduce_sum3A_1226 : i1 to vector<16xi1>
      %reduce_sum3A_1228 = tpu.scan <sum>, %select_n3A_1225 masked %reduce_sum3A_1227 : vector<16xf32>, vector<16xi1> -> vector<16xf32>
      %reduce_sum3A_1229 = vector.extract %reduce_sum3A_1228[15] : f32 from vector<16xf32>
      %add3A_1230 = arith.addf %add3A_1214, %reduce_sum3A_1229 : f32
      %eq3A_1231 = arith.constant 15 : i32
      %eq3A_1232 = vector.broadcast %eq3A_1231 : i32 to vector<16xi32>
      %eq3A_1233 = arith.cmpi eq, %iota3A, %eq3A_1232 : vector<16xi32>
      %mul3A_1234 = arith.constant 5.000000e-02 : f32
      %mul3A_1235 = arith.mulf %add3A_1230, %mul3A_1234 : f32
      %broadcast_in_dim3A_1236 = vector.broadcast %mul3A_1235 : f32 to vector<16xf32>
      %select_n3A_1237 = arith.select %eq3A_1233, %broadcast_in_dim3A_1236, %select_n3A_1160 : vector<16xi1>, vector<16xf32>
      %mul3A_1238 = arith.constant 16 : i32
      %mul3A_1239 = arith.muli %scan3A_10, %mul3A_1238 : i32
      %swap3A = arith.index_cast %mul3A_1239 : i32 to index
      %swap3A_1240 = tpu.vector_load %arg5[%swap3A] {strides = array<i32>} : memref<128xf32, #tpu.memory_space<vmem>>, vector<16xf32>,
      tpu.vector_store %arg5[%swap3A], %select_n3A_1237 {strides = array<i32>} : memref<128xf32, #tpu.memory_space<vmem>>, vector<16xf32>,
    }
    %scan3A_9 = arith.constant 8 : i32
    "tpu.region"() ({
      %run_scoped3A = tpu.sem_alloc : memref<!tpu.dma_semaphore, #tpu.memory_space<semaphore_mem>>
      %dma_start3A = tpu.memref_slice %arg3[%mul3A_2] : memref<4096xf32, #tpu.memory_space<hbm>> -> memref<128xf32, #tpu.memory_space<hbm>>
      %dma_start3A_10 = tpu.memref_slice %arg3[%mul3A_2] : memref<4096xf32, #tpu.memory_space<hbm>> -> memref<128xf32, #tpu.memory_space<hbm>>
      tpu.enqueue_dma source(%arg5 : memref<128xf32, #tpu.memory_space<vmem>>) target(%dma_start3A_10 : memref<128xf32, #tpu.memory_space<hbm>>) target_semaphore(%run_scoped3A : memref<!tpu.dma_semaphore, #tpu.memory_space<semaphore_mem>>)
      %dma_wait3A = tpu.memref_slice %arg3[%mul3A_2] : memref<4096xf32, #tpu.memory_space<hbm>> -> memref<128xf32, #tpu.memory_space<hbm>>
      %dma_wait3A_11 = tpu.memref_slice %arg3[%mul3A_2] : memref<4096xf32, #tpu.memory_space<hbm>> -> memref<128xf32, #tpu.memory_space<hbm>>
      tpu.wait_dma2 semaphore(%run_scoped3A : memref<!tpu.dma_semaphore, #tpu.memory_space<semaphore_mem>>) src(%arg5 : memref<128xf32, #tpu.memory_space<vmem>>) dst(%dma_wait3A_11 : memref<128xf32, #tpu.memory_space<hbm>>)
      tpu.yield
    }) : () -> ()
    return
  }
}

module attributes {stable_mosaic.version = 14 : i64} {
  func.func @_embed_body(%arg0: i32, %arg1: memref<512x588xf32, #tpu.memory_space<vmem>>, %arg2: memref<588x1024xf32, #tpu.memory_space<vmem>>, %arg3: memref<1x1024xf32, #tpu.memory_space<vmem>>, %arg4: memref<2x1024x1024xf32, #tpu.memory_space<vmem>>, %arg5: memref<2x1x1024xf32, #tpu.memory_space<vmem>>, %arg6: memref<512x512xf32, #tpu.memory_space<vmem>>, %arg7: memref<4x512x1024xbf16, #tpu.memory_space<vmem>>, %arg8: memref<4x512x1xf32, #tpu.memory_space<vmem>>) attributes {dimension_semantics = [#tpu.dimension_semantics<arbitrary>], iteration_bounds = array<i64: 8>, scalar_prefetch = 0 : i64, scratch_operands = 0 : i64, tpu.core_type = #tpu.core_type<tc>, window_params = [{transform_indices = @transform_0, window_bounds = array<i64: 512, 588>}, {pipeline_mode = #tpu.pipeline_mode<synchronous>, transform_indices = @transform_1, window_bounds = array<i64: 588, 1024>}, {pipeline_mode = #tpu.pipeline_mode<synchronous>, transform_indices = @transform_2, window_bounds = array<i64: 1, 1024>}, {pipeline_mode = #tpu.pipeline_mode<synchronous>, transform_indices = @transform_3, window_bounds = array<i64: 2, 1024, 1024>}, {pipeline_mode = #tpu.pipeline_mode<synchronous>, transform_indices = @transform_4, window_bounds = array<i64: 2, 1, 1024>}, {pipeline_mode = #tpu.pipeline_mode<synchronous>, transform_indices = @transform_5, window_bounds = array<i64: 512, 512>}, {transform_indices = @transform_6, window_bounds = array<i64: 4, 512, 1024>}, {transform_indices = @transform_7, window_bounds = array<i64: 4, 512, 1>}]} {
    %get3A = arith.constant 0 : index
    %get3A_0 = arith.constant 0 : index
    %get3A_1 = vector.load %arg1[%get3A, %get3A_0] : memref<512x588xf32, #tpu.memory_space<vmem>>, vector<512x588xf32>
    %convert_element_type3A = arith.truncf %get3A_1 : vector<512x588xf32> to vector<512x588xbf16>
    %get3A_2 = arith.constant 0 : index
    %get3A_3 = arith.constant 0 : index
    %get3A_4 = vector.load %arg2[%get3A_2, %get3A_3] : memref<588x1024xf32, #tpu.memory_space<vmem>>, vector<588x1024xf32>
    %convert_element_type3A_5 = arith.truncf %get3A_4 : vector<588x1024xf32> to vector<588x1024xbf16>
    %dot_general3A = arith.constant dense<0.000000e+00> : vector<512x1024xf32>
    %dot_general3A_6 = tpu.matmul %convert_element_type3A, %convert_element_type3A_5, %dot_general3A {dimension_numbers = #tpu.dot_dimension_numbers<[1], [0], [0], [1], [0, 0, 1, 1], [], []>, transpose_lhs_hint = false} : vector<512x588xbf16>, vector<588x1024xbf16>, vector<512x1024xf32> -> vector<512x1024xf32>
    %get3A_7 = arith.constant 0 : index
    %get3A_8 = arith.constant 0 : index
    %get3A_9 = vector.load %arg3[%get3A_7, %get3A_8] : memref<1x1024xf32, #tpu.memory_space<vmem>>, vector<1x1024xf32>
    %add3A = vector.broadcast %get3A_9 : vector<1x1024xf32> to vector<512x1024xf32>
    %add3A_10 = arith.addf %dot_general3A_6, %add3A : vector<512x1024xf32>
    %convert_element_type3A_11 = arith.truncf %add3A_10 : vector<512x1024xf32> to vector<512x1024xbf16>
    %get3A_12 = arith.constant 0 : index
    %get3A_13 = arith.constant 0 : index
    %get3A_14 = vector.load %arg6[%get3A_12, %get3A_13] : memref<512x512xf32, #tpu.memory_space<vmem>>, vector<512x512xf32>
    %convert_element_type3A_15 = arith.truncf %get3A_14 : vector<512x512xf32> to vector<512x512xbf16>
    %get3A_16 = arith.constant 0 : index
    %get3A_17 = arith.constant 0 : index
    %get3A_18 = arith.constant 0 : index
    %get3A_19 = vector.load %arg4[%get3A_16, %get3A_17, %get3A_18] : memref<2x1024x1024xf32, #tpu.memory_space<vmem>>, vector<1x1024x1024xf32>
    %get3A_20 = vector.shape_cast %get3A_19 : vector<1x1024x1024xf32> to vector<1024x1024xf32>
    %convert_element_type3A_21 = arith.truncf %get3A_20 : vector<1024x1024xf32> to vector<1024x1024xbf16>
    %dot_general3A_22 = arith.constant dense<0.000000e+00> : vector<512x1024xf32>
    %dot_general3A_23 = tpu.matmul %convert_element_type3A_11, %convert_element_type3A_21, %dot_general3A_22 {dimension_numbers = #tpu.dot_dimension_numbers<[1], [0], [0], [1], [0, 0, 1, 1], [], []>, transpose_lhs_hint = false} : vector<512x1024xbf16>, vector<1024x1024xbf16>, vector<512x1024xf32> -> vector<512x1024xf32>
    %get3A_24 = arith.constant 0 : index
    %get3A_25 = arith.constant 0 : index
    %get3A_26 = arith.constant 0 : index
    %get3A_27 = vector.load %arg5[%get3A_24, %get3A_25, %get3A_26] : memref<2x1x1024xf32, #tpu.memory_space<vmem>>, vector<1x1x1024xf32>
    %get3A_28 = vector.shape_cast %get3A_27 : vector<1x1x1024xf32> to vector<1x1024xf32>
    %add3A_29 = vector.broadcast %get3A_28 : vector<1x1024xf32> to vector<512x1024xf32>
    %add3A_30 = arith.addf %dot_general3A_23, %add3A_29 : vector<512x1024xf32>
    %integer_pow3A = arith.mulf %add3A_30, %add3A_30 : vector<512x1024xf32>
    %integer_pow3A_31 = arith.mulf %add3A_30, %integer_pow3A : vector<512x1024xf32>
    %mul3A = arith.constant 4.471500e-02 : f32
    %mul3A_32 = vector.broadcast %mul3A : f32 to vector<512x1024xf32>
    %mul3A_33 = arith.mulf %mul3A_32, %integer_pow3A_31 : vector<512x1024xf32>
    %add3A_34 = arith.addf %add3A_30, %mul3A_33 : vector<512x1024xf32>
    %mul3A_35 = arith.constant 0.797884583 : f32
    %mul3A_36 = vector.broadcast %mul3A_35 : f32 to vector<512x1024xf32>
    %mul3A_37 = arith.mulf %mul3A_36, %add3A_34 : vector<512x1024xf32>
    %tanh3A = math.tanh %mul3A_37 : vector<512x1024xf32>
    %add3A_38 = arith.constant 1.000000e+00 : f32
    %add3A_39 = vector.broadcast %add3A_38 : f32 to vector<512x1024xf32>
    %add3A_40 = arith.addf %add3A_39, %tanh3A : vector<512x1024xf32>
    %mul3A_41 = arith.constant 5.000000e-01 : f32
    %mul3A_42 = vector.broadcast %mul3A_41 : f32 to vector<512x1024xf32>
    %mul3A_43 = arith.mulf %mul3A_42, %add3A_40 : vector<512x1024xf32>
    %mul3A_44 = arith.mulf %add3A_30, %mul3A_43 : vector<512x1024xf32>
    %convert_element_type3A_45 = arith.truncf %mul3A_44 : vector<512x1024xf32> to vector<512x1024xbf16>
    %dot_general3A_46 = arith.constant dense<0.000000e+00> : vector<512x1024xf32>
    %dot_general3A_47 = tpu.matmul %convert_element_type3A_15, %convert_element_type3A_45, %dot_general3A_46 {dimension_numbers = #tpu.dot_dimension_numbers<[1], [0], [0], [1], [0, 0, 1, 1], [], []>, transpose_lhs_hint = false} : vector<512x512xbf16>, vector<512x1024xbf16>, vector<512x1024xf32> -> vector<512x1024xf32>
    %convert_element_type3A_48 = arith.truncf %dot_general3A_47 : vector<512x1024xf32> to vector<512x1024xbf16>
    %swap3A = arith.constant 0 : index
    %swap3A_49 = arith.constant 0 : index
    %swap3A_50 = arith.constant 0 : index
    %swap3A_51 = vector.load %arg7[%swap3A, %swap3A_49, %swap3A_50] : memref<4x512x1024xbf16, #tpu.memory_space<vmem>>, vector<1x512x1024xbf16>
    %swap3A_52 = vector.shape_cast %swap3A_51 : vector<1x512x1024xbf16> to vector<512x1024xbf16>
    %swap3A_53 = vector.shape_cast %convert_element_type3A_45 : vector<512x1024xbf16> to vector<1x512x1024xbf16>
    tpu.vector_store %arg7[%swap3A, %swap3A_49, %swap3A_50], %swap3A_53 {strides = array<i32>} : memref<4x512x1024xbf16, #tpu.memory_space<vmem>>, vector<1x512x1024xbf16>,
    %convert_element_type3A_54 = arith.extf %convert_element_type3A_45 : vector<512x1024xbf16> to vector<512x1024xf32>
    %mul3A_55 = arith.mulf %convert_element_type3A_54, %convert_element_type3A_54 : vector<512x1024xf32>
    %reduce_sum3A = arith.constant dense<0.000000e+00> : vector<512xf32>
    %reduce_sum3A_56 = vector.multi_reduction <add>, %mul3A_55, %reduce_sum3A [1] : vector<512x1024xf32> to vector<512xf32>
    %broadcast_in_dim3A = vector.shape_cast %reduce_sum3A_56 : vector<512xf32> to vector<512x1xf32>
    %swap3A_57 = arith.constant 0 : index
    %swap3A_58 = arith.constant 0 : index
    %swap3A_59 = arith.constant 0 : index
    %swap3A_60 = vector.load %arg8[%swap3A_57, %swap3A_58, %swap3A_59] : memref<4x512x1xf32, #tpu.memory_space<vmem>>, vector<1x512x1xf32>
    %swap3A_61 = vector.shape_cast %swap3A_60 : vector<1x512x1xf32> to vector<512x1xf32>
    %swap3A_62 = vector.shape_cast %broadcast_in_dim3A : vector<512x1xf32> to vector<1x512x1xf32>
    tpu.vector_store %arg8[%swap3A_57, %swap3A_58, %swap3A_59], %swap3A_62 {strides = array<i32>} : memref<4x512x1xf32, #tpu.memory_space<vmem>>, vector<1x512x1xf32>,
    %swap3A_63 = arith.constant 1 : index
    %swap3A_64 = arith.constant 0 : index
    %swap3A_65 = arith.constant 0 : index
    %swap3A_66 = vector.load %arg7[%swap3A_63, %swap3A_64, %swap3A_65] : memref<4x512x1024xbf16, #tpu.memory_space<vmem>>, vector<1x512x1024xbf16>
    %swap3A_67 = vector.shape_cast %swap3A_66 : vector<1x512x1024xbf16> to vector<512x1024xbf16>
    %swap3A_68 = vector.shape_cast %convert_element_type3A_48 : vector<512x1024xbf16> to vector<1x512x1024xbf16>
    tpu.vector_store %arg7[%swap3A_63, %swap3A_64, %swap3A_65], %swap3A_68 {strides = array<i32>} : memref<4x512x1024xbf16, #tpu.memory_space<vmem>>, vector<1x512x1024xbf16>,
    %convert_element_type3A_69 = arith.extf %convert_element_type3A_48 : vector<512x1024xbf16> to vector<512x1024xf32>
    %mul3A_70 = arith.mulf %convert_element_type3A_69, %convert_element_type3A_69 : vector<512x1024xf32>
    %reduce_sum3A_71 = arith.constant dense<0.000000e+00> : vector<512xf32>
    %reduce_sum3A_72 = vector.multi_reduction <add>, %mul3A_70, %reduce_sum3A_71 [1] : vector<512x1024xf32> to vector<512xf32>
    %broadcast_in_dim3A_73 = vector.shape_cast %reduce_sum3A_72 : vector<512xf32> to vector<512x1xf32>
    %swap3A_74 = arith.constant 1 : index
    %swap3A_75 = arith.constant 0 : index
    %swap3A_76 = arith.constant 0 : index
    %swap3A_77 = vector.load %arg8[%swap3A_74, %swap3A_75, %swap3A_76] : memref<4x512x1xf32, #tpu.memory_space<vmem>>, vector<1x512x1xf32>
    %swap3A_78 = vector.shape_cast %swap3A_77 : vector<1x512x1xf32> to vector<512x1xf32>
    %swap3A_79 = vector.shape_cast %broadcast_in_dim3A_73 : vector<512x1xf32> to vector<1x512x1xf32>
    tpu.vector_store %arg8[%swap3A_74, %swap3A_75, %swap3A_76], %swap3A_79 {strides = array<i32>} : memref<4x512x1xf32, #tpu.memory_space<vmem>>, vector<1x512x1xf32>,
    %get3A_80 = arith.constant 1 : index
    %get3A_81 = arith.constant 0 : index
    %get3A_82 = arith.constant 0 : index
    %get3A_83 = vector.load %arg4[%get3A_80, %get3A_81, %get3A_82] : memref<2x1024x1024xf32, #tpu.memory_space<vmem>>, vector<1x1024x1024xf32>
    %get3A_84 = vector.shape_cast %get3A_83 : vector<1x1024x1024xf32> to vector<1024x1024xf32>
    %convert_element_type3A_85 = arith.truncf %get3A_84 : vector<1024x1024xf32> to vector<1024x1024xbf16>
    %dot_general3A_86 = arith.constant dense<0.000000e+00> : vector<512x1024xf32>
    %dot_general3A_87 = tpu.matmul %convert_element_type3A_11, %convert_element_type3A_85, %dot_general3A_86 {dimension_numbers = #tpu.dot_dimension_numbers<[1], [0], [0], [1], [0, 0, 1, 1], [], []>, transpose_lhs_hint = false} : vector<512x1024xbf16>, vector<1024x1024xbf16>, vector<512x1024xf32> -> vector<512x1024xf32>
    %get3A_88 = arith.constant 1 : index
    %get3A_89 = arith.constant 0 : index
    %get3A_90 = arith.constant 0 : index
    %get3A_91 = vector.load %arg5[%get3A_88, %get3A_89, %get3A_90] : memref<2x1x1024xf32, #tpu.memory_space<vmem>>, vector<1x1x1024xf32>
    %get3A_92 = vector.shape_cast %get3A_91 : vector<1x1x1024xf32> to vector<1x1024xf32>
    %add3A_93 = vector.broadcast %get3A_92 : vector<1x1024xf32> to vector<512x1024xf32>
    %add3A_94 = arith.addf %dot_general3A_87, %add3A_93 : vector<512x1024xf32>
    %integer_pow3A_95 = arith.mulf %add3A_94, %add3A_94 : vector<512x1024xf32>
    %integer_pow3A_96 = arith.mulf %add3A_94, %integer_pow3A_95 : vector<512x1024xf32>
    %mul3A_97 = arith.constant 4.471500e-02 : f32
    %mul3A_98 = vector.broadcast %mul3A_97 : f32 to vector<512x1024xf32>
    %mul3A_99 = arith.mulf %mul3A_98, %integer_pow3A_96 : vector<512x1024xf32>
    %add3A_100 = arith.addf %add3A_94, %mul3A_99 : vector<512x1024xf32>
    %mul3A_101 = arith.constant 0.797884583 : f32
    %mul3A_102 = vector.broadcast %mul3A_101 : f32 to vector<512x1024xf32>
    %mul3A_103 = arith.mulf %mul3A_102, %add3A_100 : vector<512x1024xf32>
    %tanh3A_104 = math.tanh %mul3A_103 : vector<512x1024xf32>
    %add3A_105 = arith.constant 1.000000e+00 : f32
    %add3A_106 = vector.broadcast %add3A_105 : f32 to vector<512x1024xf32>
    %add3A_107 = arith.addf %add3A_106, %tanh3A_104 : vector<512x1024xf32>
    %mul3A_108 = arith.constant 5.000000e-01 : f32
    %mul3A_109 = vector.broadcast %mul3A_108 : f32 to vector<512x1024xf32>
    %mul3A_110 = arith.mulf %mul3A_109, %add3A_107 : vector<512x1024xf32>
    %mul3A_111 = arith.mulf %add3A_94, %mul3A_110 : vector<512x1024xf32>
    %convert_element_type3A_112 = arith.truncf %mul3A_111 : vector<512x1024xf32> to vector<512x1024xbf16>
    %dot_general3A_113 = arith.constant dense<0.000000e+00> : vector<512x1024xf32>
    %dot_general3A_114 = tpu.matmul %convert_element_type3A_15, %convert_element_type3A_112, %dot_general3A_113 {dimension_numbers = #tpu.dot_dimension_numbers<[1], [0], [0], [1], [0, 0, 1, 1], [], []>, transpose_lhs_hint = false} : vector<512x512xbf16>, vector<512x1024xbf16>, vector<512x1024xf32> -> vector<512x1024xf32>
    %convert_element_type3A_115 = arith.truncf %dot_general3A_114 : vector<512x1024xf32> to vector<512x1024xbf16>
    %swap3A_116 = arith.constant 2 : index
    %swap3A_117 = arith.constant 0 : index
    %swap3A_118 = arith.constant 0 : index
    %swap3A_119 = vector.load %arg7[%swap3A_116, %swap3A_117, %swap3A_118] : memref<4x512x1024xbf16, #tpu.memory_space<vmem>>, vector<1x512x1024xbf16>
    %swap3A_120 = vector.shape_cast %swap3A_119 : vector<1x512x1024xbf16> to vector<512x1024xbf16>
    %swap3A_121 = vector.shape_cast %convert_element_type3A_112 : vector<512x1024xbf16> to vector<1x512x1024xbf16>
    tpu.vector_store %arg7[%swap3A_116, %swap3A_117, %swap3A_118], %swap3A_121 {strides = array<i32>} : memref<4x512x1024xbf16, #tpu.memory_space<vmem>>, vector<1x512x1024xbf16>,
    %convert_element_type3A_122 = arith.extf %convert_element_type3A_112 : vector<512x1024xbf16> to vector<512x1024xf32>
    %mul3A_123 = arith.mulf %convert_element_type3A_122, %convert_element_type3A_122 : vector<512x1024xf32>
    %reduce_sum3A_124 = arith.constant dense<0.000000e+00> : vector<512xf32>
    %reduce_sum3A_125 = vector.multi_reduction <add>, %mul3A_123, %reduce_sum3A_124 [1] : vector<512x1024xf32> to vector<512xf32>
    %broadcast_in_dim3A_126 = vector.shape_cast %reduce_sum3A_125 : vector<512xf32> to vector<512x1xf32>
    %swap3A_127 = arith.constant 2 : index
    %swap3A_128 = arith.constant 0 : index
    %swap3A_129 = arith.constant 0 : index
    %swap3A_130 = vector.load %arg8[%swap3A_127, %swap3A_128, %swap3A_129] : memref<4x512x1xf32, #tpu.memory_space<vmem>>, vector<1x512x1xf32>
    %swap3A_131 = vector.shape_cast %swap3A_130 : vector<1x512x1xf32> to vector<512x1xf32>
    %swap3A_132 = vector.shape_cast %broadcast_in_dim3A_126 : vector<512x1xf32> to vector<1x512x1xf32>
    tpu.vector_store %arg8[%swap3A_127, %swap3A_128, %swap3A_129], %swap3A_132 {strides = array<i32>} : memref<4x512x1xf32, #tpu.memory_space<vmem>>, vector<1x512x1xf32>,
    %swap3A_133 = arith.constant 3 : index
    %swap3A_134 = arith.constant 0 : index
    %swap3A_135 = arith.constant 0 : index
    %swap3A_136 = vector.load %arg7[%swap3A_133, %swap3A_134, %swap3A_135] : memref<4x512x1024xbf16, #tpu.memory_space<vmem>>, vector<1x512x1024xbf16>
    %swap3A_137 = vector.shape_cast %swap3A_136 : vector<1x512x1024xbf16> to vector<512x1024xbf16>
    %swap3A_138 = vector.shape_cast %convert_element_type3A_115 : vector<512x1024xbf16> to vector<1x512x1024xbf16>
    tpu.vector_store %arg7[%swap3A_133, %swap3A_134, %swap3A_135], %swap3A_138 {strides = array<i32>} : memref<4x512x1024xbf16, #tpu.memory_space<vmem>>, vector<1x512x1024xbf16>,
    %convert_element_type3A_139 = arith.extf %convert_element_type3A_115 : vector<512x1024xbf16> to vector<512x1024xf32>
    %mul3A_140 = arith.mulf %convert_element_type3A_139, %convert_element_type3A_139 : vector<512x1024xf32>
    %reduce_sum3A_141 = arith.constant dense<0.000000e+00> : vector<512xf32>
    %reduce_sum3A_142 = vector.multi_reduction <add>, %mul3A_140, %reduce_sum3A_141 [1] : vector<512x1024xf32> to vector<512xf32>
    %broadcast_in_dim3A_143 = vector.shape_cast %reduce_sum3A_142 : vector<512xf32> to vector<512x1xf32>
    %swap3A_144 = arith.constant 3 : index
    %swap3A_145 = arith.constant 0 : index
    %swap3A_146 = arith.constant 0 : index
    %swap3A_147 = vector.load %arg8[%swap3A_144, %swap3A_145, %swap3A_146] : memref<4x512x1xf32, #tpu.memory_space<vmem>>, vector<1x512x1xf32>
    %swap3A_148 = vector.shape_cast %swap3A_147 : vector<1x512x1xf32> to vector<512x1xf32>
    %swap3A_149 = vector.shape_cast %broadcast_in_dim3A_143 : vector<512x1xf32> to vector<1x512x1xf32>
    tpu.vector_store %arg8[%swap3A_144, %swap3A_145, %swap3A_146], %swap3A_149 {strides = array<i32>} : memref<4x512x1xf32, #tpu.memory_space<vmem>>, vector<1x512x1xf32>,
    return
  }
  func.func @transform_0(%arg0: i32) -> (i32, i32) {
    %c0_i32 = arith.constant 0 : i32
    %c0_i32_0 = arith.constant 0 : i32
    return %arg0, %c0_i32 : i32, i32
  }
  func.func @transform_1(%arg0: i32) -> (i32, i32) {
    %c0_i32 = arith.constant 0 : i32
    %c0_i32_0 = arith.constant 0 : i32
    %c0_i32_1 = arith.constant 0 : i32
    return %c0_i32, %c0_i32_0 : i32, i32
  }
  func.func @transform_2(%arg0: i32) -> (i32, i32) {
    %c0_i32 = arith.constant 0 : i32
    %c0_i32_0 = arith.constant 0 : i32
    %c0_i32_1 = arith.constant 0 : i32
    return %c0_i32, %c0_i32_0 : i32, i32
  }
  func.func @transform_3(%arg0: i32) -> (i32, i32, i32) {
    %c0_i32 = arith.constant 0 : i32
    %c0_i32_0 = arith.constant 0 : i32
    %c0_i32_1 = arith.constant 0 : i32
    %c0_i32_2 = arith.constant 0 : i32
    return %c0_i32, %c0_i32_0, %c0_i32_1 : i32, i32, i32
  }
  func.func @transform_4(%arg0: i32) -> (i32, i32, i32) {
    %c0_i32 = arith.constant 0 : i32
    %c0_i32_0 = arith.constant 0 : i32
    %c0_i32_1 = arith.constant 0 : i32
    %c0_i32_2 = arith.constant 0 : i32
    return %c0_i32, %c0_i32_0, %c0_i32_1 : i32, i32, i32
  }
  func.func @transform_5(%arg0: i32) -> (i32, i32) {
    %c0_i32 = arith.constant 0 : i32
    %c0_i32_0 = arith.constant 0 : i32
    %c0_i32_1 = arith.constant 0 : i32
    return %c0_i32, %c0_i32_0 : i32, i32
  }
  func.func @transform_6(%arg0: i32) -> (i32, i32, i32) {
    %c0_i32 = arith.constant 0 : i32
    %c0_i32_0 = arith.constant 0 : i32
    %c0_i32_1 = arith.constant 0 : i32
    return %c0_i32, %arg0, %c0_i32_0 : i32, i32, i32
  }
  func.func @transform_7(%arg0: i32) -> (i32, i32, i32) {
    %c0_i32 = arith.constant 0 : i32
    %c0_i32_0 = arith.constant 0 : i32
    %c0_i32_1 = arith.constant 0 : i32
    return %c0_i32, %arg0, %c0_i32_0 : i32, i32, i32
  }
}

module attributes {stable_mosaic.version = 14 : i64} {
  func.func @_dist_body(%arg0: i32, %arg1: i32, %arg2: i32, %arg3: memref<1x2048x1024xbf16, #tpu.memory_space<vmem>>, %arg4: memref<1x1024x1024xbf16, #tpu.memory_space<vmem>>, %arg5: memref<1x2048x1xf32, #tpu.memory_space<vmem>>, %arg6: memref<1x1x1024xf32, #tpu.memory_space<vmem>>, %arg7: memref<4x2048x1xf32, #tpu.memory_space<vmem>>) attributes {dimension_semantics = [#tpu.dimension_semantics<arbitrary>, #tpu.dimension_semantics<arbitrary>, #tpu.dimension_semantics<arbitrary>], iteration_bounds = array<i64: 2, 4, 4>, scalar_prefetch = 0 : i64, scratch_operands = 0 : i64, tpu.core_type = #tpu.core_type<tc>, window_params = [{transform_indices = @transform_0, window_bounds = array<i64: 1, 2048, 1024>}, {transform_indices = @transform_1, window_bounds = array<i64: 1, 1024, 1024>}, {transform_indices = @transform_2, window_bounds = array<i64: 1, 2048, 1>}, {transform_indices = @transform_3, window_bounds = array<i64: 1, 1, 1024>}, {transform_indices = @transform_4, window_bounds = array<i64: 4, 2048, 1>}]} {
    %get3A = arith.constant 0 : index
    %get3A_0 = arith.constant 0 : index
    %get3A_1 = arith.constant 0 : index
    %get3A_2 = vector.load %arg3[%get3A, %get3A_0, %get3A_1] : memref<1x2048x1024xbf16, #tpu.memory_space<vmem>>, vector<1x2048x1024xbf16>
    %get3A_3 = vector.shape_cast %get3A_2 : vector<1x2048x1024xbf16> to vector<2048x1024xbf16>
    %get3A_4 = arith.constant 0 : index
    %get3A_5 = arith.constant 0 : index
    %get3A_6 = arith.constant 0 : index
    %get3A_7 = vector.load %arg4[%get3A_4, %get3A_5, %get3A_6] : memref<1x1024x1024xbf16, #tpu.memory_space<vmem>>, vector<1x1024x1024xbf16>
    %get3A_8 = vector.shape_cast %get3A_7 : vector<1x1024x1024xbf16> to vector<1024x1024xbf16>
    %dot_general3A = arith.constant dense<0.000000e+00> : vector<2048x1024xf32>
    %dot_general3A_9 = tpu.matmul %get3A_3, %get3A_8, %dot_general3A {dimension_numbers = #tpu.dot_dimension_numbers<[1], [1], [0], [0], [0, 0, 1, 0], [], []>, transpose_lhs_hint = false} : vector<2048x1024xbf16>, vector<1024x1024xbf16>, vector<2048x1024xf32> -> vector<2048x1024xf32>
    %get3A_10 = arith.constant 0 : index
    %get3A_11 = arith.constant 0 : index
    %get3A_12 = arith.constant 0 : index
    %get3A_13 = vector.load %arg6[%get3A_10, %get3A_11, %get3A_12] : memref<1x1x1024xf32, #tpu.memory_space<vmem>>, vector<1x1x1024xf32>
    %get3A_14 = vector.shape_cast %get3A_13 : vector<1x1x1024xf32> to vector<1x1024xf32>
    %mul3A = arith.constant 2.000000e+00 : f32
    %mul3A_15 = vector.broadcast %mul3A : f32 to vector<2048x1024xf32>
    %mul3A_16 = arith.mulf %mul3A_15, %dot_general3A_9 : vector<2048x1024xf32>
    %sub3A = vector.broadcast %get3A_14 : vector<1x1024xf32> to vector<2048x1024xf32>
    %sub3A_17 = arith.subf %sub3A, %mul3A_16 : vector<2048x1024xf32>
    %get3A_18 = arith.constant 0 : index
    %get3A_19 = arith.constant 0 : index
    %get3A_20 = arith.constant 0 : index
    %get3A_21 = vector.load %arg5[%get3A_18, %get3A_19, %get3A_20] : memref<1x2048x1xf32, #tpu.memory_space<vmem>>, vector<1x2048x1xf32>
    %get3A_22 = vector.shape_cast %get3A_21 : vector<1x2048x1xf32> to vector<2048x1xf32>
    %iota3A = tpu.iota {dimensions = array<i32: 0>} : vector<2048x1xi32>
    %jit3A = arith.constant 256 : i32
    %div3A = vector.broadcast %jit3A : i32 to vector<2048x1xi32>
    %div3A_23 = arith.divsi %iota3A, %div3A : vector<2048x1xi32>
    %sign3A = arith.constant 0 : i32
    %sign3A_24 = vector.broadcast %sign3A : i32 to vector<2048x1xi32>
    %sign3A_25 = arith.cmpi sgt, %iota3A, %sign3A_24 : vector<2048x1xi32>
    %sign3A_26 = arith.extui %sign3A_25 : vector<2048x1xi1> to vector<2048x1xi32>
    %sign3A_27 = arith.constant 0 : i32
    %sign3A_28 = vector.broadcast %sign3A_27 : i32 to vector<2048x1xi32>
    %sign3A_29 = arith.cmpi slt, %iota3A, %sign3A_28 : vector<2048x1xi32>
    %sign3A_30 = arith.extui %sign3A_29 : vector<2048x1xi1> to vector<2048x1xi32>
    %sign3A_31 = arith.subi %sign3A_26, %sign3A_30 : vector<2048x1xi32>
    %sign3A_32 = arith.constant 0 : i32
    %sign3A_33 = arith.cmpi sgt, %jit3A, %sign3A_32 : i32
    %sign3A_34 = arith.extui %sign3A_33 : i1 to i32
    %sign3A_35 = arith.constant 0 : i32
    %sign3A_36 = arith.cmpi slt, %jit3A, %sign3A_35 : i32
    %sign3A_37 = arith.extui %sign3A_36 : i1 to i32
    %sign3A_38 = arith.subi %sign3A_34, %sign3A_37 : i32
    %ne3A = vector.broadcast %sign3A_38 : i32 to vector<2048x1xi32>
    %ne3A_39 = arith.cmpi ne, %sign3A_31, %ne3A : vector<2048x1xi32>
    %rem3A = vector.broadcast %jit3A : i32 to vector<2048x1xi32>
    %rem3A_40 = arith.remsi %iota3A, %rem3A : vector<2048x1xi32>
    %ne3A_41 = arith.constant 0 : i32
    %ne3A_42 = vector.broadcast %ne3A_41 : i32 to vector<2048x1xi32>
    %ne3A_43 = arith.cmpi ne, %rem3A_40, %ne3A_42 : vector<2048x1xi32>
    %and3A = arith.andi %ne3A_39, %ne3A_43 : vector<2048x1xi1>
    %sub3A_44 = arith.constant 1 : i32
    %sub3A_45 = vector.broadcast %sub3A_44 : i32 to vector<2048x1xi32>
    %sub3A_46 = arith.subi %div3A_23, %sub3A_45 : vector<2048x1xi32>
    %select_n3A = arith.select %and3A, %sub3A_46, %div3A_23 : vector<2048x1xi1>, vector<2048x1xi32>
    %mul3A_47 = arith.constant 8 : i32
    %mul3A_48 = arith.muli %arg0, %mul3A_47 : i32
    %add3A = vector.broadcast %mul3A_48 : i32 to vector<2048x1xi32>
    %add3A_49 = arith.addi %select_n3A, %add3A : vector<2048x1xi32>
    %slice3A = vector.extract_strided_slice %sub3A_17 {offsets = [0, 0], sizes = [2048, 256], strides = [1, 1]} : vector<2048x1024xf32> to vector<2048x256xf32>
    %reduce_min3A = arith.constant dense<0x7F800000> : vector<2048xf32>
    %reduce_min3A_50 = vector.multi_reduction <minimumf>, %slice3A, %reduce_min3A [1] : vector<2048x256xf32> to vector<2048xf32>
    %broadcast_in_dim3A = vector.shape_cast %reduce_min3A_50 : vector<2048xf32> to vector<2048x1xf32>
    %add3A_51 = arith.addf %broadcast_in_dim3A, %get3A_22 : vector<2048x1xf32>
    %max3A = arith.constant 9.99999996E-13 : f32
    %max3A_52 = vector.broadcast %max3A : f32 to vector<2048x1xf32>
    %max3A_53 = arith.maximumf %add3A_51, %max3A_52 : vector<2048x1xf32>
    %sqrt3A = math.sqrt %max3A_53 : vector<2048x1xf32>
    %mul3A_54 = arith.constant 4 : i32
    %mul3A_55 = arith.muli %arg2, %mul3A_54 : i32
    %add3A_56 = arith.constant 0 : i32
    %add3A_57 = arith.addi %mul3A_55, %add3A_56 : i32
    %eq3A = vector.broadcast %add3A_57 : i32 to vector<2048x1xi32>
    %eq3A_58 = arith.cmpi eq, %add3A_49, %eq3A : vector<2048x1xi32>
    %jit3A_59 = arith.constant 3.000000e+38 : f32
    %broadcast_in_dim3A_60 = vector.broadcast %jit3A_59 : f32 to vector<2048x1xf32>
    %select_n3A_61 = arith.select %eq3A_58, %broadcast_in_dim3A_60, %sqrt3A : vector<2048x1xi1>, vector<2048x1xf32>
    %swap3A = arith.constant 0 : index
    %swap3A_62 = arith.constant 0 : index
    %swap3A_63 = arith.constant 0 : index
    %swap3A_64 = vector.load %arg7[%swap3A, %swap3A_62, %swap3A_63] : memref<4x2048x1xf32, #tpu.memory_space<vmem>>, vector<1x2048x1xf32>
    %swap3A_65 = vector.shape_cast %swap3A_64 : vector<1x2048x1xf32> to vector<2048x1xf32>
    %swap3A_66 = vector.shape_cast %select_n3A_61 : vector<2048x1xf32> to vector<1x2048x1xf32>
    tpu.vector_store %arg7[%swap3A, %swap3A_62, %swap3A_63], %swap3A_66 {strides = array<i32>} : memref<4x2048x1xf32, #tpu.memory_space<vmem>>, vector<1x2048x1xf32>,
    %slice3A_67 = vector.extract_strided_slice %sub3A_17 {offsets = [0, 256], sizes = [2048, 256], strides = [1, 1]} : vector<2048x1024xf32> to vector<2048x256xf32>
    %reduce_min3A_68 = arith.constant dense<0x7F800000> : vector<2048xf32>
    %reduce_min3A_69 = vector.multi_reduction <minimumf>, %slice3A_67, %reduce_min3A_68 [1] : vector<2048x256xf32> to vector<2048xf32>
    %broadcast_in_dim3A_70 = vector.shape_cast %reduce_min3A_69 : vector<2048xf32> to vector<2048x1xf32>
    %add3A_71 = arith.addf %broadcast_in_dim3A_70, %get3A_22 : vector<2048x1xf32>
    %max3A_72 = arith.constant 9.99999996E-13 : f32
    %max3A_73 = vector.broadcast %max3A_72 : f32 to vector<2048x1xf32>
    %max3A_74 = arith.maximumf %add3A_71, %max3A_73 : vector<2048x1xf32>
    %sqrt3A_75 = math.sqrt %max3A_74 : vector<2048x1xf32>
    %mul3A_76 = arith.constant 4 : i32
    %mul3A_77 = arith.muli %arg2, %mul3A_76 : i32
    %add3A_78 = arith.constant 1 : i32
    %add3A_79 = arith.addi %mul3A_77, %add3A_78 : i32
    %eq3A_80 = vector.broadcast %add3A_79 : i32 to vector<2048x1xi32>
    %eq3A_81 = arith.cmpi eq, %add3A_49, %eq3A_80 : vector<2048x1xi32>
    %jit3A_82 = arith.constant 3.000000e+38 : f32
    %broadcast_in_dim3A_83 = vector.broadcast %jit3A_82 : f32 to vector<2048x1xf32>
    %select_n3A_84 = arith.select %eq3A_81, %broadcast_in_dim3A_83, %sqrt3A_75 : vector<2048x1xi1>, vector<2048x1xf32>
    %swap3A_85 = arith.constant 1 : index
    %swap3A_86 = arith.constant 0 : index
    %swap3A_87 = arith.constant 0 : index
    %swap3A_88 = vector.load %arg7[%swap3A_85, %swap3A_86, %swap3A_87] : memref<4x2048x1xf32, #tpu.memory_space<vmem>>, vector<1x2048x1xf32>
    %swap3A_89 = vector.shape_cast %swap3A_88 : vector<1x2048x1xf32> to vector<2048x1xf32>
    %swap3A_90 = vector.shape_cast %select_n3A_84 : vector<2048x1xf32> to vector<1x2048x1xf32>
    tpu.vector_store %arg7[%swap3A_85, %swap3A_86, %swap3A_87], %swap3A_90 {strides = array<i32>} : memref<4x2048x1xf32, #tpu.memory_space<vmem>>, vector<1x2048x1xf32>,
    %slice3A_91 = vector.extract_strided_slice %sub3A_17 {offsets = [0, 512], sizes = [2048, 256], strides = [1, 1]} : vector<2048x1024xf32> to vector<2048x256xf32>
    %reduce_min3A_92 = arith.constant dense<0x7F800000> : vector<2048xf32>
    %reduce_min3A_93 = vector.multi_reduction <minimumf>, %slice3A_91, %reduce_min3A_92 [1] : vector<2048x256xf32> to vector<2048xf32>
    %broadcast_in_dim3A_94 = vector.shape_cast %reduce_min3A_93 : vector<2048xf32> to vector<2048x1xf32>
    %add3A_95 = arith.addf %broadcast_in_dim3A_94, %get3A_22 : vector<2048x1xf32>
    %max3A_96 = arith.constant 9.99999996E-13 : f32
    %max3A_97 = vector.broadcast %max3A_96 : f32 to vector<2048x1xf32>
    %max3A_98 = arith.maximumf %add3A_95, %max3A_97 : vector<2048x1xf32>
    %sqrt3A_99 = math.sqrt %max3A_98 : vector<2048x1xf32>
    %mul3A_100 = arith.constant 4 : i32
    %mul3A_101 = arith.muli %arg2, %mul3A_100 : i32
    %add3A_102 = arith.constant 2 : i32
    %add3A_103 = arith.addi %mul3A_101, %add3A_102 : i32
    %eq3A_104 = vector.broadcast %add3A_103 : i32 to vector<2048x1xi32>
    %eq3A_105 = arith.cmpi eq, %add3A_49, %eq3A_104 : vector<2048x1xi32>
    %jit3A_106 = arith.constant 3.000000e+38 : f32
    %broadcast_in_dim3A_107 = vector.broadcast %jit3A_106 : f32 to vector<2048x1xf32>
    %select_n3A_108 = arith.select %eq3A_105, %broadcast_in_dim3A_107, %sqrt3A_99 : vector<2048x1xi1>, vector<2048x1xf32>
    %swap3A_109 = arith.constant 2 : index
    %swap3A_110 = arith.constant 0 : index
    %swap3A_111 = arith.constant 0 : index
    %swap3A_112 = vector.load %arg7[%swap3A_109, %swap3A_110, %swap3A_111] : memref<4x2048x1xf32, #tpu.memory_space<vmem>>, vector<1x2048x1xf32>
    %swap3A_113 = vector.shape_cast %swap3A_112 : vector<1x2048x1xf32> to vector<2048x1xf32>
    %swap3A_114 = vector.shape_cast %select_n3A_108 : vector<2048x1xf32> to vector<1x2048x1xf32>
    tpu.vector_store %arg7[%swap3A_109, %swap3A_110, %swap3A_111], %swap3A_114 {strides = array<i32>} : memref<4x2048x1xf32, #tpu.memory_space<vmem>>, vector<1x2048x1xf32>,
    %slice3A_115 = vector.extract_strided_slice %sub3A_17 {offsets = [0, 768], sizes = [2048, 256], strides = [1, 1]} : vector<2048x1024xf32> to vector<2048x256xf32>
    %reduce_min3A_116 = arith.constant dense<0x7F800000> : vector<2048xf32>
    %reduce_min3A_117 = vector.multi_reduction <minimumf>, %slice3A_115, %reduce_min3A_116 [1] : vector<2048x256xf32> to vector<2048xf32>
    %broadcast_in_dim3A_118 = vector.shape_cast %reduce_min3A_117 : vector<2048xf32> to vector<2048x1xf32>
    %add3A_119 = arith.addf %broadcast_in_dim3A_118, %get3A_22 : vector<2048x1xf32>
    %max3A_120 = arith.constant 9.99999996E-13 : f32
    %max3A_121 = vector.broadcast %max3A_120 : f32 to vector<2048x1xf32>
    %max3A_122 = arith.maximumf %add3A_119, %max3A_121 : vector<2048x1xf32>
    %sqrt3A_123 = math.sqrt %max3A_122 : vector<2048x1xf32>
    %mul3A_124 = arith.constant 4 : i32
    %mul3A_125 = arith.muli %arg2, %mul3A_124 : i32
    %add3A_126 = arith.constant 3 : i32
    %add3A_127 = arith.addi %mul3A_125, %add3A_126 : i32
    %eq3A_128 = vector.broadcast %add3A_127 : i32 to vector<2048x1xi32>
    %eq3A_129 = arith.cmpi eq, %add3A_49, %eq3A_128 : vector<2048x1xi32>
    %jit3A_130 = arith.constant 3.000000e+38 : f32
    %broadcast_in_dim3A_131 = vector.broadcast %jit3A_130 : f32 to vector<2048x1xf32>
    %select_n3A_132 = arith.select %eq3A_129, %broadcast_in_dim3A_131, %sqrt3A_123 : vector<2048x1xi1>, vector<2048x1xf32>
    %swap3A_133 = arith.constant 3 : index
    %swap3A_134 = arith.constant 0 : index
    %swap3A_135 = arith.constant 0 : index
    %swap3A_136 = vector.load %arg7[%swap3A_133, %swap3A_134, %swap3A_135] : memref<4x2048x1xf32, #tpu.memory_space<vmem>>, vector<1x2048x1xf32>
    %swap3A_137 = vector.shape_cast %swap3A_136 : vector<1x2048x1xf32> to vector<2048x1xf32>
    %swap3A_138 = vector.shape_cast %select_n3A_132 : vector<2048x1xf32> to vector<1x2048x1xf32>
    tpu.vector_store %arg7[%swap3A_133, %swap3A_134, %swap3A_135], %swap3A_138 {strides = array<i32>} : memref<4x2048x1xf32, #tpu.memory_space<vmem>>, vector<1x2048x1xf32>,
    return
  }
  func.func @transform_0(%arg0: i32, %arg1: i32, %arg2: i32) -> (i32, i32, i32) {
    %c0_i32 = arith.constant 0 : i32
    %c0_i32_0 = arith.constant 0 : i32
    return %arg1, %arg0, %c0_i32 : i32, i32, i32
  }
  func.func @transform_1(%arg0: i32, %arg1: i32, %arg2: i32) -> (i32, i32, i32) {
    %c0_i32 = arith.constant 0 : i32
    %c0_i32_0 = arith.constant 0 : i32
    return %arg1, %arg2, %c0_i32 : i32, i32, i32
  }
  func.func @transform_2(%arg0: i32, %arg1: i32, %arg2: i32) -> (i32, i32, i32) {
    %c0_i32 = arith.constant 0 : i32
    %c0_i32_0 = arith.constant 0 : i32
    return %arg1, %arg0, %c0_i32 : i32, i32, i32
  }
  func.func @transform_3(%arg0: i32, %arg1: i32, %arg2: i32) -> (i32, i32, i32) {
    %mul3A = arith.constant 4 : i32
    %mul3A_0 = arith.muli %arg1, %mul3A : i32
    %add3A = arith.addi %mul3A_0, %arg2 : i32
    %c0_i32 = arith.constant 0 : i32
    %c0_i32_1 = arith.constant 0 : i32
    %c0_i32_2 = arith.constant 0 : i32
    return %add3A, %c0_i32, %c0_i32_1 : i32, i32, i32
  }
  func.func @transform_4(%arg0: i32, %arg1: i32, %arg2: i32) -> (i32, i32, i32) {
    %mul3A = arith.constant 4 : i32
    %mul3A_0 = arith.muli %arg1, %mul3A : i32
    %add3A = arith.addi %mul3A_0, %arg2 : i32
    %c0_i32 = arith.constant 0 : i32
    %c0_i32_1 = arith.constant 0 : i32
    return %add3A, %arg0, %c0_i32 : i32, i32, i32
  }
}

module attributes {stable_mosaic.version = 14 : i64} {
  func.func @_resize_body(%arg0: i32, %arg1: memref<1x16x16xf32, #tpu.memory_space<vmem>>, %arg2: memref<224x16xf32, #tpu.memory_space<vmem>>, %arg3: memref<16x224xf32, #tpu.memory_space<vmem>>, %arg4: memref<1x224x224xf32, #tpu.memory_space<vmem>>, %arg5: memref<1x1x1xf32, #tpu.memory_space<vmem>>) attributes {dimension_semantics = [#tpu.dimension_semantics<arbitrary>], iteration_bounds = array<i64: 16>, scalar_prefetch = 0 : i64, scratch_operands = 0 : i64, tpu.core_type = #tpu.core_type<tc>, window_params = [{transform_indices = @transform_0, window_bounds = array<i64: 1, 16, 16>}, {pipeline_mode = #tpu.pipeline_mode<synchronous>, transform_indices = @transform_1, window_bounds = array<i64: 224, 16>}, {pipeline_mode = #tpu.pipeline_mode<synchronous>, transform_indices = @transform_2, window_bounds = array<i64: 16, 224>}, {transform_indices = @transform_3, window_bounds = array<i64: 1, 224, 224>}, {transform_indices = @transform_4, window_bounds = array<i64: 1, 1, 1>}]} {
    %get3A = arith.constant 0 : index
    %get3A_0 = arith.constant 0 : index
    %get3A_1 = arith.constant 0 : index
    %get3A_2 = vector.load %arg1[%get3A, %get3A_0, %get3A_1] : memref<1x16x16xf32, #tpu.memory_space<vmem>>, vector<1x16x16xf32>
    %get3A_3 = vector.shape_cast %get3A_2 : vector<1x16x16xf32> to vector<16x16xf32>
    %get3A_4 = arith.constant 0 : index
    %get3A_5 = arith.constant 0 : index
    %get3A_6 = vector.load %arg2[%get3A_4, %get3A_5] : memref<224x16xf32, #tpu.memory_space<vmem>>, vector<224x16xf32>
    %dot_general3A = arith.constant dense<0.000000e+00> : vector<224x16xf32>
    %dot_general3A_7 = tpu.matmul %get3A_6, %get3A_3, %dot_general3A {dimension_numbers = #tpu.dot_dimension_numbers<[1], [0], [0], [1], [0, 0, 1, 1], [], []>, transpose_lhs_hint = false} : vector<224x16xf32>, vector<16x16xf32>, vector<224x16xf32> -> vector<224x16xf32>
    %get3A_8 = arith.constant 0 : index
    %get3A_9 = arith.constant 0 : index
    %get3A_10 = vector.load %arg3[%get3A_8, %get3A_9] : memref<16x224xf32, #tpu.memory_space<vmem>>, vector<16x224xf32>
    %dot_general3A_11 = arith.constant dense<0.000000e+00> : vector<224x224xf32>
    %dot_general3A_12 = tpu.matmul %dot_general3A_7, %get3A_10, %dot_general3A_11 {dimension_numbers = #tpu.dot_dimension_numbers<[1], [0], [0], [1], [0, 0, 1, 1], [], []>, transpose_lhs_hint = false} : vector<224x16xf32>, vector<16x224xf32>, vector<224x224xf32> -> vector<224x224xf32>
    %swap3A = arith.constant 0 : index
    %swap3A_13 = arith.constant 0 : index
    %swap3A_14 = arith.constant 0 : index
    %swap3A_15 = vector.load %arg4[%swap3A, %swap3A_13, %swap3A_14] : memref<1x224x224xf32, #tpu.memory_space<vmem>>, vector<1x224x224xf32>
    %swap3A_16 = vector.shape_cast %swap3A_15 : vector<1x224x224xf32> to vector<224x224xf32>
    %swap3A_17 = vector.shape_cast %dot_general3A_12 : vector<224x224xf32> to vector<1x224x224xf32>
    tpu.vector_store %arg4[%swap3A, %swap3A_13, %swap3A_14], %swap3A_17 {strides = array<i32>} : memref<1x224x224xf32, #tpu.memory_space<vmem>>, vector<1x224x224xf32>,
    %reduce_max3A = vector.shape_cast %get3A_3 : vector<16x16xf32> to vector<1x16x16xf32>
    %reduce_max3A_18 = arith.constant dense<0xFF800000> : vector<1xf32>
    %reduce_max3A_19 = vector.multi_reduction <maximumf>, %reduce_max3A, %reduce_max3A_18 [1, 2] : vector<1x16x16xf32> to vector<1xf32>
    %reduce_max3A_20 = vector.shape_cast %reduce_max3A_19 : vector<1xf32> to vector<1x1x1xf32>
    %reduce_max3A_21 = vector.extract %reduce_max3A_20[0, 0, 0] : f32 from vector<1x1x1xf32>
    %reshape3A = vector.broadcast %reduce_max3A_21 : f32 to vector<1x1x1xf32>
    %swap3A_22 = arith.constant 0 : index
    %swap3A_23 = arith.constant 0 : index
    %swap3A_24 = arith.constant 0 : index
    %swap3A_25 = vector.load %arg5[%swap3A_22, %swap3A_23, %swap3A_24] : memref<1x1x1xf32, #tpu.memory_space<vmem>>, vector<1x1x1xf32>
    tpu.vector_store %arg5[%swap3A_22, %swap3A_23, %swap3A_24], %reshape3A {strides = array<i32>} : memref<1x1x1xf32, #tpu.memory_space<vmem>>, vector<1x1x1xf32>,
    return
  }
  func.func @transform_0(%arg0: i32) -> (i32, i32, i32) {
    %c0_i32 = arith.constant 0 : i32
    %c0_i32_0 = arith.constant 0 : i32
    %c0_i32_1 = arith.constant 0 : i32
    return %arg0, %c0_i32, %c0_i32_0 : i32, i32, i32
  }
  func.func @transform_1(%arg0: i32) -> (i32, i32) {
    %c0_i32 = arith.constant 0 : i32
    %c0_i32_0 = arith.constant 0 : i32
    %c0_i32_1 = arith.constant 0 : i32
    return %c0_i32, %c0_i32_0 : i32, i32
  }
  func.func @transform_2(%arg0: i32) -> (i32, i32) {
    %c0_i32 = arith.constant 0 : i32
    %c0_i32_0 = arith.constant 0 : i32
    %c0_i32_1 = arith.constant 0 : i32
    return %c0_i32, %c0_i32_0 : i32, i32
  }
  func.func @transform_3(%arg0: i32) -> (i32, i32, i32) {
    %c0_i32 = arith.constant 0 : i32
    %c0_i32_0 = arith.constant 0 : i32
    %c0_i32_1 = arith.constant 0 : i32
    return %arg0, %c0_i32, %c0_i32_0 : i32, i32, i32
  }
  func.func @transform_4(%arg0: i32) -> (i32, i32, i32) {
    %c0_i32 = arith.constant 0 : i32
    %c0_i32_0 = arith.constant 0 : i32
    %c0_i32_1 = arith.constant 0 : i32
    return %arg0, %c0_i32, %c0_i32_0 : i32, i32, i32
  }
}

</mosaic_0001>

<sc_bundles>
// kernel: kernel.10.cloned.1.call-start
scs
__scs_entry_jumppad:
0x0: {  	(pc) =	sbr.rel $0x88, $3  }
0x1: {  	(tag) =	ssettag $0x0;
	lr =	simm.s32 $0x1  }
0x2: {  	[smem:$0x3F9C] =	sst lr;
	_ =	strace $0xD0000000  }
0x3: {  	_ = 	snop  }
0x4: {  	_ = 	snop  }
0x5: {  	_ = 	snop  }
0x6: {  	_ = 	snop  }
0x7: {  	_ = 	snop  }
__scs_overlays_trampoline_lowered:
0x8: {  	[smem:$0x3FAB] =	sst s0  }
0x9: {  	[smem:$0x3FAC] =	sst s1  }
0xa: {  	[smem:$0x3FAD] =	sst s2  }
0xb: {  	[smem:$0x3FAE] =	sst s3  }
0xc: {  	[smem:$0x3FAF] =	sst s4  }
0xd: {  	[smem:$0x3FB0] =	sst s5  }
0xe: {  	[smem:$0x3FB1] =	sst s6  }
0xf: {  	[smem:$0x3FB2] =	sst s7  }
0x10: {  	[smem:$0x3FB3] =	sst s8  }
0x11: {  	[smem:$0x3FB4] =	sst s9;
	s0 =	simm.s32 @!p0 $0x0  }
0x12: {  	s1 =	sld [smem:$0x3F9A];
	s0 =	simm.s32 @p0 $0x1  }
0x13: {  	[smem:$0x3FB5] =	sst s0;
	s0 =	simm.s32 @!p1 $0x0  }
0x14: {  	s2 =	sld [smem:$0x3F99];
	s0 =	simm.s32 @p1 $0x1  }
0x15: {  	[smem:$0x3FB6] =	sst s0;
	s0 =	simm.s32 @!p2 $0x0  }
0x16: {  	s3 =	sld [smem:$0x3FDB];
	s0 =	simm.s32 @p2 $0x1  }
0x17: {  	s4 =	simm.s32 $0x1BF5;
	[smem:$0x3FB8] =	sst s0  }
0x18: {  	s0 =	sld [smem:$0x3F9B];
	_ =	swait.ge [sflag:s4], $0x0  }
0x19: {  	s7 =	sld [smem:$0x3F9C]  }
0x1a: {  	s8 =	sadd.s32 $0xFFFFE003, lr  }
0x1b: {  	s9 =	sadd.s32 $0xFFFFFEF7, lr;
	s5 =	simm.s32 $0xFFFFFFFF;
	p2 =	slt.u32 s8, $0xFFFFF086  }
0x1c: {  	p1 =	slt.u32 s9, $0xF7A;
	s5 =	simm.s32 @!p2 $0x0  }
0x1d: {  	s5 =	simm.s32 @p1 $0x1;
	p0 =	seq.s32 s7, s2  }
0x1e: {  	s7 =	smul.u32 @!p0 $0xF7A, s2;
	p2 =	seq.s32 @!p0 s5, $0x0  }
0x1f: {  	s9 =	smul.u32 $0xF7A, s1;
	s8 =	simm.s32 @!p0 $0x1BF5;
	p2 =	por !p2, p0  }
0x20: {  	[sflag:s8] =	ssyncset.s32 @!p0 $0xFFFFF086;
	s6 =	sadd.s32 @!p0 s3, s7;
	s7 =	simm.s32 @!p0 $0x108  }
0x21: {  	s3 =	sadd.s32 s3, s9;
	s6 =	sadd.s32 @!p0 $0x88, s6;
	s7 =	simm.s32 @p2 $0x1082  }
0x22: {  	[simem:s7], [sflag:s8] =	dma.local @!p0 [hbm:s6], $0xF7A  }
0x23: {  	s9 =	sor.u32 $0xD0000000, s2;
	s6 =	simm.s32 $0x108;
	_ =	swait.ge @!p0 [sflag:s8], $0x0  }
0x24: {  	s3 =	sadd.s32 $0x88, s3;
	s6 =	simm.s32 @!p1 $0x1082;
	[sflag:s4] =	ssyncset.s32 $0xFFFFF086  }
0x25: {  	[simem:s6], [sflag:s4] =	dma.local [hbm:s3], $0xF7A  }
0x26: {  	[smem:$0x3F9C] =	sst s1;
	(tag) =	ssettag s2;
	_ =	strace s9  }
0x27: {  	s1 =	sld [smem:$0x3FAC]  }
0x28: {  	s2 =	sld [smem:$0x3FAD]  }
0x29: {  	s4 =	sld [smem:$0x3FAF]  }
0x2a: {  	p0 =	seq.s32 s5, $0x0;
	s5 =	sld [smem:$0x3FB0]  }
0x2b: {  	s6 =	sld [smem:$0x3FB1]  }
0x2c: {  	s7 =	sld [smem:$0x3FB2]  }
0x2d: {  	s3 =	simm.s32 $0x108;
	s8 =	sld [smem:$0x3FB3]  }
0x2e: {  	s3 =	simm.s32 @!p0 $0x1082;
	s9 =	sld [smem:$0x3FB4]  }
0x2f: {  	lr =	sadd.s32 s0, s3;
	s0 =	sld [smem:$0x3FAB]  }
0x30: {  	s3 =	sld [smem:$0x3FAE]  }
0x31: {  	[smem:$0x3FB7] =	sst s10  }
0x32: {  	s10 =	sld [smem:$0x3FB5];
	_ =	sdelay $0x3  }
0x33: {  	p0 =	seq.s32 s10, $0x1;
	s10 =	sld [smem:$0x3FB7];
	_ =	sdelay $0x3  }
0x34: {  	[smem:$0x3FB7] =	sst s10  }
0x35: {  	s10 =	sld [smem:$0x3FB6];
	_ =	sdelay $0x3  }
0x36: {  	p1 =	seq.s32 s10, $0x1;
	s10 =	sld [smem:$0x3FB7];
	_ =	sdelay $0x3  }
0x37: {  	[smem:$0x3FB7] =	sst s10  }
0x38: {  	s10 =	sld [smem:$0x3FB8]  }
0x39: {  	_ = 	snop;
	(pc) =	sbr.ind lr, $3  }
0x3a: {  	_ = 	snop  }
0x3b: {  	_ = 	snop  }
0x3c: {  	p2 =	seq.s32 s10, $0x1;
	s10 =	sld [smem:$0x3FB7]  }
0x3d: {  	_ =	shalt  }
0x3e: {  	_ =	shalt  }
0x3f: {  	_ =	shalt  }
0x40: {  	_ =	shalt  }
0x41: {  	_ =	shalt  }
0x42: {  	_ =	shalt  }
0x43: {  	_ =	shalt  }
0x44: {  	_ =	shalt  }
0x45: {  	_ =	shalt  }
0x46: {  	_ =	shalt  }
0x47: {  	_ =	shalt  }
0x48: {  	_ =	shalt  }
0x49: {  	_ =	shalt  }
0x4a: {  	_ =	shalt  }
0x4b: {  	_ =	shalt  }
0x4c: {  	_ =	shalt  }
0x4d: {  	_ =	shalt  }
0x4e: {  	_ =	shalt  }
0x4f: {  	_ =	shalt  }
0x50: {  	_ =	shalt  }
0x51: {  	_ =	shalt  }
0x52: {  	_ =	shalt  }
0x53: {  	_ =	shalt  }
0x54: {  	_ =	shalt  }
0x55: {  	_ =	shalt  }
0x56: {  	_ =	shalt  }
0x57: {  	_ =	shalt  }
0x58: {  	_ =	shalt  }
0x59: {  	_ =	shalt  }
0x5a: {  	_ =	shalt  }
0x5b: {  	_ =	shalt  }
0x5c: {  	_ =	shalt  }
0x5d: {  	_ =	shalt  }
0x5e: {  	_ =	shalt  }
0x5f: {  	_ =	shalt  }
0x60: {  	_ =	shalt  }
0x61: {  	_ =	shalt  }
0x62: {  	_ =	shalt  }
0x63: {  	_ =	shalt  }
0x64: {  	_ =	shalt  }
0x65: {  	_ =	shalt  }
0x66: {  	_ =	shalt  }
0x67: {  	_ =	shalt  }
0x68: {  	_ =	shalt  }
0x69: {  	_ =	shalt  }
0x6a: {  	_ =	shalt  }
0x6b: {  	_ =	shalt  }
0x6c: {  	_ =	shalt  }
0x6d: {  	_ =	shalt  }
0x6e: {  	_ =	shalt  }
0x6f: {  	_ =	shalt  }
0x70: {  	_ =	shalt  }
0x71: {  	_ =	shalt  }
0x72: {  	_ =	shalt  }
0x73: {  	_ =	shalt  }
0x74: {  	_ =	shalt  }
0x75: {  	_ =	shalt  }
0x76: {  	_ =	shalt  }
0x77: {  	_ =	shalt  }
0x78: {  	_ =	shalt  }
0x79: {  	_ =	shalt  }
0x7a: {  	_ =	shalt  }
0x7b: {  	_ =	shalt  }
0x7c: {  	_ =	shalt  }
0x7d: {  	_ =	shalt  }
0x7e: {  	_ =	shalt  }
0x7f: {  	_ =	shalt  }
0x80: {  	_ =	shalt  }
0x81: {  	_ =	shalt  }
0x82: {  	_ =	shalt  }
0x83: {  	_ =	shalt  }
0x84: {  	_ =	shalt  }
0x85: {  	_ =	shalt  }
0x86: {  	_ =	shalt  }
0x87: {  	_ =	shalt  }
.Lfunc_end0:
.L_simem_size_0:
called_computation.1_lowered:
.L_overlay_start_0:
0x88: {  	s2 =	sld [smem:$0x3FD9]  }
0x89: {  	s3 =	sld [smem:$0x3FFE];
	_ =	sdelay $0x1  }
0x8a: {  	s1 =	srdreg.scid  }
0x8b: {  	s0 =	sand.u32 $0x1, s1  }
0x8c: {  	s14 =	sshll.u32 s0, $0xA;
	s2 =	sadd.s32 s3, s2  }
0x8d: {  	s2 =	sadd.s32 s2, s14  }
0x8e: {  	[smem:$0x3FC3] =	sst s2  }
0x8f: {  	_ = 	snop  }
0x90: {  	s2 =	sld [smem:$0x3FD0];
	_ =	sdelay $0x2  }
0x91: {  	s15 =	simm.s32 $0xA;
	s4 =	simm.s32 $0x10  }
0x92: {  	[smem:s4], [sflag:s15] =	dma.local [hbm:s2], $0x1  }
0x93: {  	_ =	swait.eq [sflag:s15], $0x1  }
0x94: {  	[sflag:s15] =	ssyncset.done $0x0  }
0x95: {  	[sflag:s15] =	ssyncadd.s32 $0xFFFFFFFF  }
0x96: {  	s16 =	sld [smem:$0x11];
	(tm) =	ssettm $0x1  }
0x97: {  	s17 =	sld [smem:$0x3FFB];
	_ =	sdelay $0x3  }
0x98: {  	_ =	strace s17  }
0x99: {  	s3 =	sld [smem:$0x3FFC];
	_ =	sdelay $0x3  }
0x9a: {  	_ =	strace s3  }
0x9b: {  	s3 =	sld [smem:$0x3FFD];
	_ =	sdelay $0x3  }
0x9c: {  	_ =	strace s3  }
0x9d: {  	_ =	strace $0x8FFFFFFF  }
0x9e: {  	s18 =	sld [smem:$0x3FDB];
	_ =	sdelay $0x1  }
0x9f: {  	s19 =	simm.s32 $_scs_section_size  }
0xa0: {  	s5 =	simm.s32 $_size__tile_overlayer_lowered;
	s6 =	simm.s32 $_tile_overlayer_lowered  }
0xa1: {  	s22 =	simm.s32 $0x1BFF;
	s21 =	sshll.u32 s6, $0x1;
	s3 =	sadd.s32 s19, s18  }
0xa2: {  	s7 =	simm.s32 $0x0;
	s20 =	sshll.u32 s5, $0x1;
	s5 =	sadd.s32 s21, s3  }
0xa3: {  	[timem:s7], [sflag:s22] =	dma.local [hbm:s5], s20  }
0xa4: {  	_ =	swait.ge [sflag:s22], s20  }
0xa5: {  	s4 =	ssub.s32 $0x0, s20;
	[sflag:s22] =	ssyncset.done $0x0  }
0xa6: {  	[sflag:s22] =	ssyncadd.s32 s4;
	_ =	sdelay $0x1  }
0xa7: {  	s23 =	simm.s32 $0x1B8B  }
0xa8: {  	_ =	swait.ge [sflag:s23], $0x1  }
0xa9: {  	[sflag:s23] =	ssyncset.done $0x0  }
0xaa: {  	s25 =	simm.s32 $0x1B8E;
	s24 =	sld [smem:$0x3FFE];
	[sflag:s23] =	ssyncadd.s32 $0xFFFFFFFF  }
0xab: {  	s26 =	simm.s32 $execute0_lowered;
	[smem:$0x3FD2] =	sst s25  }
0xac: {  	s5 =	sshll.u32 s26, $0x1;
	_ =	strace $0x80000049;
	[dreg:$0x1] =	wrdreg $0xFFFFFFFF  }
0xad: {  	s28 =	simm.s32 $_size_execute0_lowered;
	s3 =	sadd.s32 s3, s5;
	[dreg:$0x0] =	wrdreg $0x0  }
0xae: {  	s5 =	sshll.u32 s28, $0x1;
	[dreg:$0x2] =	wrdreg s3  }
0xaf: {  	[dreg:$0x3] =	wrdreg s5  }
0xb0: {  	[dreg:$0x4] =	wrdreg $0xC0  }
0xb1: {  	_ =	task [dreg:s7], $0x5FFFF  }
0xb2: {  	[dreg:$0x1] =	wrdreg $0xFFFFFFFF  }
0xb3: {  	[dreg:$0x0] =	wrdreg $0x60  }
0xb4: {  	[dreg:$0x2] =	wrdreg s16  }
0xb5: {  	[dreg:$0x3] =	wrdreg s24  }
0xb6: {  	[dreg:$0x4] =	wrdreg $0x9  }
0xb7: {  	_ =	task.clear_ibuf [dreg:s7], $0x5FFFF;
	_ =	strace $0x90000049  }
0xb8: {  	s29 =	simm.s32 $0x9;
	_ =	strace $0x8000004B  }
0xb9: {  	_ =	swait.ge [sflag:s29], $0x1  }
0xba: {  	[sflag:s29] =	ssyncadd.s32 $0xFFFFFFFF  }
0xbb: {  	_ =	strace $0x9000004B  }
0xbc: {  	_ =	sfence  }
0xbd: {  	s30 =	sld [smem:$0x0];
	_ =	sdelay $0x2  }
0xbe: {  	s31 =	sshll.u32 s1, $0xD;
	s1 =	sshrl.u32 s1, $0x2  }
0xbf: {  	s3 =	sand.u32 $0x4000, s31;
	s1 =	sadd.s32 s1, s30  }
0xc0: {  	s0 =	sor.u32 s3, s0;
	s1 =	sshll.u32 s1, $0x11  }
0xc1: {  	s0 =	sor.u32 s1, s0  }
0xc2: {  	s0 =	sadd.s32 $0x8F2B, s0  }
0xc3: {  	[sflag:s0] =	ssyncadd.remote.s32 $0x1  }
0xc4: {  	_ =	sfence.sel $0xFFFF  }
0xc5: {  	[dreg:$0x0] =	wrdreg $0xFFFFFFFF;
	(pc) =	sbr.abs _section_cstart, $3  }
0xc6: {  	[dreg:$0x1] =	wrdreg $0xFFFFFFFF  }
0xc7: {  	_ =	task.clear_ibuf [dreg:s7], $0x2FFFF;
	_ =	strace $0x9FFFFFFF  }
0xc8: {  	(tm) =	ssettm $0x7FFFFFFF  }
0xc9: {  	_ =	shalt  }
tec
execute0_lowered:
.L_overlay_start_1:
0x0: {  	(tag) =	ssettag $0x1  }
0x1: {  	s0 =	rddreg [dreg:$0x0]  }
0x2: {  	s3 =	srdreg.scid;
	s4 =	stileid.u32;
	s2 =	simm.s32 $0x0  }
0x3: {  	v0 =	vlaneseq.u32;
	vm0 =	vmmov $0x1f;
	vm1 =	vcmask $0x300;
	s3 =	sand.u32 $0x1, s3;
	s4 =	sshll.u32 s4, $0x1;
	[smem:$0x7FF] =	sst s2  }
0x4: {  	s1 =	rddreg [dreg:$0x1];
	vm2 =	vcmask $0x704;
	vm3 =	vcmask $0xB08;
	vm4 =	vcmask $0xF0C;
	s4 =	sor.u32 s3, s4;
	_ =	strace $0x8000004A  }
0x5: {  	vm5 =	vcmask $0x1310;
	vm6 =	vcmask $0x1714;
	vm7 =	vcmask $0x1B18;
	s3 =	ssub.s32 $0x2, s3;
	s5 =	sshll.u32 s4, $0x4;
	s4 =	sshll.u32 s4, $0x7  }
0x6: {  	vm8 =	vcmask $0x1F1C;
	vm9 =	vcmask $0x2320;
	vm10 =	vcmask $0x2724;
	s29 =	sshrl.u32 s3, $0x1;
	s1 =	sadd.s32 s5, s1;
	s0 =	sadd.s32 s0, s4  }
0x7: {  	vm11 =	vcmask $0x2B28;
	vm12 =	vcmask $0x2F2C;
	v0 =	vmul.u32 $0x80, v0;
	s3 =	ssub.s32 s3, s29;
	[dreg:$0x3] =	wrdreg s0;
	s30 =	sadd.s32 $0x1000, s1  }
0x8: {  	vm13 =	vcmask $0x3330;
	vm14 =	vcmask $0x3734;
	vm15 =	vcmask $0x3B38;
	s31 =	smax.u32 s3, $0x1;
	[dreg:$0x4] =	wrdreg s30  }
0x9: {  	v1 =	vor.u32 $0x800, v0;
	v2 =	vor.u32 $0x1000, v0;
	v3 =	vor.u32 $0x1800, v0;
	s4 =	simm.s32 $0x1;
	s1 =	simm.s32 $0x0;
	[dreg:$0x5] =	wrdreg s31  }
.LBB2_1:
0xa: {  	[dreg:$0x6] =	wrdreg s1  }
0xb: {  	s0 =	rddreg [dreg:$0x3];
	s31 =	simm.s32 $0x400;
	s3 =	simm.s32 $0x8000  }
0xc: {  	[tilespmem:s2], [sflag:$0x1] =	stream.strided.gather [hbm4b:s0+s31], $0x2000, s3, s31, $0x38;
	[tilespmem:$0x2080] =	vst v63  }
0xd: {  	_ =	swait.ge [sflag:s4], $0x2000  }
0xe: {  	[sflag:s4] =	ssyncset.done $0x0  }
0xf: {  	s11 =	simm.s32 $0xF;
	s0 =	simm.s32 $0x2000;
	[sflag:s4] =	ssyncadd.s32 $0xFFFFE000  }
.LBB2_2:
0x10: {  	s25 =	sadd.s32 $0xFFFFFFF1, s11  }
0x11: {  	v4 =	vmov s25  }
0x12: {  	v4 =	vand.u32 $0x70, v4  }
0x13: {  	v4 =	vbroadcast v4, $0x0  }
0x14: {  	s26 =	sadd.s32 $0xFFFFFFF2, s11  }
0x15: {  	v6 =	vmov s26;
	v5 =	vor.u32 v0, v4  }
0x16: {  	v6 =	vand.u32 $0x71, v6;
	v7 =	vor.u32 v1, v4  }
0x17: {  	v6 =	vbroadcast v6, $0x0;
	v8 =	vor.u32 v2, v4  }
0x18: {  	s28 =	sadd.s32 $0xFFFFFFF3, s11;
	v4 =	vor.u32 v3, v4  }
0x19: {  	v10 =	vmov s28;
	v9 =	vor.u32 v0, v6  }
0x1a: {  	v10 =	vand.u32 $0x72, v10;
	v11 =	vor.u32 v1, v6;
	v5 =	vld.idx.msk [tilespmem:v5+s2+$0x0], $0xffff  }
0x1b: {  	v10 =	vbroadcast v10, $0x0;
	v12 =	vor.u32 v2, v6;
	v7 =	vld.idx.msk [tilespmem:v7+s2+$0x0], $0xffff  }
0x1c: {  	s29 =	sadd.s32 $0xFFFFFFF4, s11;
	v6 =	vor.u32 v3, v6;
	v8 =	vld.idx.msk [tilespmem:v8+s2+$0x0], $0xffff  }
0x1d: {  	v14 =	vmov s29;
	v13 =	vor.u32 v0, v10;
	v4 =	vld.idx.msk [tilespmem:v4+s2+$0x0], $0xffff  }
0x1e: {  	v14 =	vand.u32 $0x73, v14;
	v15 =	vor.u32 v1, v10;
	v9 =	vld.idx.msk [tilespmem:v9+s2+$0x0], $0xffff  }
0x1f: {  	v14 =	vbroadcast v14, $0x0;
	v37 =	vor.u32 v2, v10;
	(xrf1) =	vsort.ascd.msk.f32 $0xffff, v5, v5;
	v5 =	vld.idx.msk [tilespmem:v11+s2+$0x0], $0xffff  }
0x20: {  	s30 =	sadd.s32 $0xFFFFFFF5, s11;
	v10 =	vor.u32 v3, v10;
	v38 =	vld.idx.msk [tilespmem:v12+s2+$0x0], $0xffff;
	(xrf1) =	vsort.ascd.msk.f32 $0xffff, v7, v7  }
0x21: {  	v40 =	vmov s30;
	v39 =	vor.u32 v0, v14;
	v6 =	vld.idx.msk [tilespmem:v6+s2+$0x0], $0xffff;
	(xrf1) =	vsort.ascd.msk.f32 $0xffff, v8, v8  }
0x22: {  	s31 =	sadd.s32 $0xFFFFFFF6, s11;
	v41 =	vor.u32 v1, v14;
	v12 =	vand.u32 $0x74, v40;
	(xrf1) =	vsort.ascd.msk.f32 $0xffff, v4, v4;
	v4 =	vld.idx.msk [tilespmem:v13+s2+$0x0], $0xffff  }
0x23: {  	v47 =	vmov s31;
	v43 =	vor.u32 v2, v14;
	v42 =	vld.idx.msk [tilespmem:v15+s2+$0x0], $0xffff;
	v12 =	vbroadcast v12, $0x0;
	(xrf1) =	vsort.ascd.msk.f32 $0xffff, v9, v9  }
0x24: {  	s1 =	sadd.s32 $0xFFFFFFF7, s11;
	v44 =	vor.u32 v3, v14;
	v14 =	vand.u32 $0x75, v47;
	(xrf1) =	vsort.ascd.msk.f32 $0xffff, v5, v5;
	v5 =	vld.idx.msk [tilespmem:v37+s2+$0x0], $0xffff  }
0x25: {  	v53 =	vmov s1;
	v14 =	vbroadcast v14, $0x0;
	v45 =	vld.idx.msk [tilespmem:v10+s2+$0x0], $0xffff;
	v46 =	vor.u32 v0, v12;
	(xrf1) =	vsort.ascd.msk.f32 $0xffff, v38, v38  }
0x26: {  	v48 =	vld.idx.msk [tilespmem:v39+s2+$0x0], $0xffff;
	v15 =	vand.u32 $0x76, v53;
	v49 =	vor.u32 v1, v12;
	(xrf1) =	vsort.ascd.msk.f32 $0xffff, v6, v6  }
0x27: {  	v52 =	vor.u32 v0, v14;
	v15 =	vbroadcast v15, $0x0;
	(xrf1) =	vsort.ascd.msk.f32 $0xffff, v4, v4;
	v4 =	vld.idx.msk [tilespmem:v41+s2+$0x0], $0xffff  }
0x28: {  	v55 =	vor.u32 v1, v14;
	v51 =	vld.idx.msk [tilespmem:v43+s2+$0x0], $0xffff;
	v50 =	vor.u32 v2, v12;
	(xrf1) =	vsort.ascd.msk.f32 $0xffff, v42, v42  }
0x29: {  	s4 =	sadd.s32 $0xFFFFFFF9, s11;
	v12 =	vor.u32 v3, v12;
	v60 =	vor.u32 v0, v15;
	(xrf1) =	vsort.ascd.msk.f32 $0xffff, v5, v5;
	v5 =	vld.idx.msk [tilespmem:v44+s2+$0x0], $0xffff  }
0x2a: {  	v23 =	vmov s4;
	v61 =	vor.u32 v1, v15;
	v63 =	vor.u32 v2, v15;
	v54 =	vld.idx.msk [tilespmem:v46+s2+$0x0], $0xffff;
	(xrf1) =	vsort.ascd.msk.f32 $0xffff, v45, v45  }
0x2b: {  	s3 =	sadd.s32 $0xFFFFFFF8, s11;
	v21 =	vor.u32 v3, v15;
	v15 =	vand.u32 $0x78, v23;
	v56 =	vld.idx.msk [tilespmem:v49+s2+$0x0], $0xffff;
	(xrf1) =	vsort.ascd.msk.f32 $0xffff, v48, v48  }
0x2c: {  	v16 =	vmov s3;
	v57 =	vor.u32 v2, v14;
	v15 =	vbroadcast v15, $0x0;
	(xrf1) =	vsort.ascd.msk.f32 $0xffff, v4, v4  }
0x2d: {  	v16 =	vand.u32 $0x77, v16;
	v58 =	vor.u32 v3, v14;
	v4 =	vld.idx.msk [tilespmem:v50+s2+$0x0], $0xffff;
	v14, _, _ =	vpop (xrf1);
	(xrf1) =	vsort.ascd.msk.f32 $0xffff, v51, v51  }
0x2e: {  	s6 =	sadd.s32 $0xFFFFFFFB, s11;
	v16 =	vbroadcast v16, $0x0;
	v30 =	vor.u32 v0, v15;
	v59 =	vld.idx.msk [tilespmem:v12+s2+$0x0], $0xffff;
	v18, _, _ =	vpop (xrf1);
	(xrf1) =	vsort.ascd.msk.f32 $0xffff, v5, v5  }
0x2f: {  	v32 =	vor.u32 v1, v15;
	v49 =	vor.u32 v3, v15;
	v5 =	vld.idx.msk [tilespmem:v52+s2+$0x0], $0xffff;
	v52 =	vmov s6;
	v34, _, _ =	vpop (xrf1);
	(xrf1) =	vsort.ascd.msk.f32 $0xffff, v54, v54  }
0x30: {  	v62 =	vld.idx.msk [tilespmem:v55+s2+$0x0], $0xffff;
	v48 =	vor.u32 v2, v15;
	v15 =	vand.u32 $0x7A, v52;
	v52 =	vnsel vm0, $0x0, v14;
	v35, _, _ =	vpop (xrf1);
	(xrf1) =	vsort.ascd.msk.f32 $0xffff, v56, v56  }
0x31: {  	v20 =	vld.idx.msk [tilespmem:v57+s2+$0x0], $0xffff;
	(xrf2) =	vadd.scan.msk.f32 $0xffff, v52  }
0x32: {  	v22 =	vor.u32 v0, v16;
	v36, _, _ =	vpop (xrf1);
	(xrf1) =	vsort.ascd.msk.f32 $0xffff, v4, v4;
	v4 =	vld.idx.msk [tilespmem:v58+s2+$0x0], $0xffff  }
0x33: {  	v25 =	vor.u32 v1, v16;
	v24 =	vld.idx.msk [tilespmem:v60+s2+$0x0], $0xffff;
	v37, _, _ =	vpop (xrf1);
	(xrf1) =	vsort.ascd.msk.f32 $0xffff, v59, v59  }
0x34: {  	v26 =	vor.u32 v2, v16;
	v38, _, _ =	vpop (xrf1);
	(xrf1) =	vsort.ascd.msk.f32 $0xffff, v5, v5;
	v5 =	vld.idx.msk [tilespmem:v61+s2+$0x0], $0xffff  }
0x35: {  	s5 =	sadd.s32 $0xFFFFFFFA, s11;
	v28 =	vor.u32 v3, v16;
	v27 =	vld.idx.msk [tilespmem:v63+s2+$0x0], $0xffff;
	v39, _, _ =	vpop (xrf1);
	(xrf1) =	vsort.ascd.msk.f32 $0xffff, v62, v62  }
0x36: {  	v31 =	vmov s5;
	v29 =	vld.idx.msk [tilespmem:v21+s2+$0x0], $0xffff;
	v40, _, _ =	vpop (xrf1);
	(xrf1) =	vsort.ascd.msk.f32 $0xffff, v20, v20  }
0x37: {  	v16 =	vand.u32 $0x79, v31;
	v41, _, _ =	vpop (xrf1);
	(xrf1) =	vsort.ascd.msk.f32 $0xffff, v4, v4;
	v4 =	vld.idx.msk [tilespmem:v22+s2+$0x0], $0xffff  }
0x38: {  	v16 =	vbroadcast v16, $0x0;
	v33 =	vld.idx.msk [tilespmem:v25+s2+$0x0], $0xffff;
	v42, _, _ =	vpop (xrf1);
	(xrf1) =	vsort.ascd.msk.f32 $0xffff, v24, v24  }
0x39: {  	v43, _, _ =	vpop (xrf1);
	(xrf1) =	vsort.ascd.msk.f32 $0xffff, v5, v5;
	v5 =	vld.idx.msk [tilespmem:v26+s2+$0x0], $0xffff  }
0x3a: {  	v50 =	vld.idx.msk [tilespmem:v28+s2+$0x0], $0xffff;
	v51 =	vor.u32 v0, v16;
	v44, _, _ =	vpop (xrf1);
	(xrf1) =	vsort.ascd.msk.f32 $0xffff, v27, v27  }
0x3b: {  	v53 =	vld.idx.msk [tilespmem:v30+s2+$0x0], $0xffff;
	v54 =	vor.u32 v1, v16;
	v45, _, _ =	vpop (xrf1);
	(xrf1) =	vsort.ascd.msk.f32 $0xffff, v29, v29  }
0x3c: {  	v55 =	vor.u32 v2, v16;
	v15 =	vbroadcast v15, $0x0;
	v46, _, _ =	vpop (xrf1);
	(xrf1) =	vsort.ascd.msk.f32 $0xffff, v4, v4;
	v4 =	vld.idx.msk [tilespmem:v32+s2+$0x0], $0xffff  }
0x3d: {  	v57 =	vor.u32 v3, v16;
	v56 =	vld.idx.msk [tilespmem:v48+s2+$0x0], $0xffff;
	v47, _, _ =	vpop (xrf1);
	(xrf1) =	vsort.ascd.msk.f32 $0xffff, v33, v33  }
0x3e: {  	v58 =	vor.u32 v0, v15;
	v30, _, _ =	vpop (xrf1);
	(xrf1) =	vsort.ascd.msk.f32 $0xffff, v5, v5;
	v5 =	vld.idx.msk [tilespmem:v49+s2+$0x0], $0xffff  }
0x3f: {  	v59 =	vld.idx.msk [tilespmem:v51+s2+$0x0], $0xffff;
	v31, _, _ =	vpop (xrf1);
	(xrf1) =	vsort.ascd.msk.f32 $0xffff, v50, v50  }
0x40: {  	v61 =	vld.idx.msk [tilespmem:v54+s2+$0x0], $0xffff;
	v32, _, _ =	vpop (xrf1);
	(xrf1) =	vsort.ascd.msk.f32 $0xffff, v53, v53  }
0x41: {  	v60 =	vor.u32 v1, v15;
	v33, _, _ =	vpop (xrf1);
	(xrf1) =	vsort.ascd.msk.f32 $0xffff, v4, v4;
	v4 =	vld.idx.msk [tilespmem:v55+s2+$0x0], $0xffff  }
0x42: {  	s7 =	sadd.s32 $0xFFFFFFFC, s11;
	v62 =	vld.idx.msk [tilespmem:v57+s2+$0x0], $0xffff;
	v29, _, _ =	vpop (xrf1);
	(xrf1) =	vsort.ascd.msk.f32 $0xffff, v56, v56  }
0x43: {  	v12 =	vmov s7;
	v63 =	vor.u32 v2, v15;
	v16, _, _ =	vpop (xrf1);
	(xrf1) =	vsort.ascd.msk.f32 $0xffff, v5, v5;
	v5 =	vld.idx.msk [tilespmem:v58+s2+$0x0], $0xffff  }
0x44: {  	v48 =	vand.u32 $0x7B, v12;
	v19, _, _ =	vpop (xrf1);
	(xrf1) =	vsort.ascd.msk.f32 $0xffff, v59, v59  }
0x45: {  	v49 =	vbroadcast v48, $0x0;
	v17, _, _ =	vpop (xrf1);
	(xrf1) =	vsort.ascd.msk.f32 $0xffff, v61, v61  }
0x46: {  	v13 =	vld.idx.msk [tilespmem:v60+s2+$0x0], $0xffff;
	v22, _, _ =	vpop (xrf1);
	(xrf1) =	vsort.ascd.msk.f32 $0xffff, v4, v4;
	v4 =	vor.u32 v3, v15  }
0x47: {  	v50 =	vor.u32 v0, v49;
	v28, _, _ =	vpop (xrf1);
	(xrf1) =	vsort.ascd.msk.f32 $0xffff, v62, v62  }
0x48: {  	v27, _, _ =	vpop (xrf1);
	(xrf1) =	vsort.ascd.msk.f32 $0xffff, v5, v5;
	v5 =	vld.idx.msk [tilespmem:v63+s2+$0x0], $0xffff  }
0x49: {  	v53 =	vnsel vm0, $0x0, v18;
	v26, _, _ =	vpop (xrf1)  }
0x4a: {  	(xrf2) =	vadd.scan.msk.f32 $0xffff, v53;
	v25, _, _ =	vpop (xrf1)  }
0x4b: {  	v51 =	vor.u32 v1, v49;
	(xrf1) =	vsort.ascd.msk.f32 $0xffff, v13, v13;
	v24, _, _ =	vpop (xrf1);
	v4 =	vld.idx.msk [tilespmem:v4+s2+$0x0], $0xffff  }
0x4c: {  	v8 =	vld.idx.msk [tilespmem:v50+s2+$0x0], $0xffff;
	v23, _, _ =	vpop (xrf1)  }
0x4d: {  	v21, _, _ =	vpop (xrf1);
	(xrf1) =	vsort.ascd.msk.f32 $0xffff, v5, v5  }
0x4e: {  	v5 =	vnsel vm0, $0x0, v34;
	v20, _, _ =	vpop (xrf1)  }
0x4f: {  	(xrf2) =	vadd.scan.msk.f32 $0xffff, v5;
	v18, _, _ =	vpop (xrf1)  }
0x50: {  	v5 =	vld.idx.msk [tilespmem:v51+s2+$0x0], $0xffff;
	v15, _, _ =	vpop (xrf1);
	(xrf1) =	vsort.ascd.msk.f32 $0xffff, v4, v4  }
0x51: {  	v54 =	vor.u32 v2, v49;
	v4 =	vnsel vm0, $0x0, v35;
	v35, _, _ =	vpop (xrf2);
	(xrf1) =	vsort.ascd.msk.f32 $0xffff, v8, v8  }
0x52: {  	s8 =	sadd.s32 $0xFFFFFFFD, s11;
	v14, _, _ =	vpop (xrf1);
	(xrf2) =	vadd.scan.msk.f32 $0xffff, v4;
	v4 =	vnsel vm0, $0x0, v36  }
0x53: {  	v55 =	vmov s8;
	v13, _, _ =	vpop (xrf1);
	(xrf2) =	vadd.scan.msk.f32 $0xffff, v4;
	v4 =	vnsel vm0, $0x0, v37  }
0x54: {  	v8 =	vand.u32 $0x7C, v55;
	v37, _, _ =	vpop (xrf2);
	(xrf2) =	vadd.scan.msk.f32 $0xffff, v4  }
0x55: {  	v56 =	vbroadcast v8, $0x0;
	v12, _, _ =	vpop (xrf1);
	(xrf1) =	vsort.ascd.msk.f32 $0xffff, v5, v5;
	v5 =	vor.u32 v3, v49;
	v4 =	vnsel vm0, $0x0, v38  }
0x56: {  	v58 =	vnsel vm0, $0x0, v39;
	v7 =	vld.idx.msk [tilespmem:v54+s2+$0x0], $0xffff;
	v11, _, _ =	vpop (xrf1);
	(xrf2) =	vadd.scan.msk.f32 $0xffff, v4  }
0x57: {  	v59 =	vnsel vm0, $0x0, v40;
	v57 =	vor.u32 v0, v56;
	v9, _, _ =	vpop (xrf1);
	(xrf2) =	vadd.scan.msk.f32 $0xffff, v58  }
0x58: {  	v60 =	vnsel vm0, $0x0, v41;
	v61 =	vor.u32 v1, v56;
	v8, _, _ =	vpop (xrf1);
	(xrf2) =	vadd.scan.msk.f32 $0xffff, v59  }
0x59: {  	v62 =	vnsel vm0, $0x0, v42;
	v4, _, _ =	vpop (xrf1);
	(xrf2) =	vadd.scan.msk.f32 $0xffff, v60  }
0x5a: {  	v5 =	vld.idx.msk [tilespmem:v5+s2+$0x0], $0xffff;
	v38, _, _ =	vpop (xrf2);
	(xrf2) =	vadd.scan.msk.f32 $0xffff, v62  }
0x5b: {  	v63 =	vnsel vm0, $0x0, v43;
	v10, _, _ =	vpop (xrf1);
	(xrf1) =	vsort.ascd.msk.f32 $0xffff, v7, v7  }
0x5c: {  	v44 =	vnsel vm0, $0x0, v44;
	v6 =	vld.idx.msk [tilespmem:v57+s2+$0x0], $0xffff;
	v40, _, _ =	vpop (xrf2);
	(xrf2) =	vadd.scan.msk.f32 $0xffff, v63  }
0x5d: {  	v48 =	vnsel vm0, $0x0, v45;
	v49 =	vor.u32 v2, v56;
	v36 =	vld.idx.msk [tilespmem:v61+s2+$0x0], $0xffff;
	v39, _, _ =	vpop (xrf2);
	(xrf2) =	vadd.scan.msk.f32 $0xffff, v44  }
0x5e: {  	v43, _, _ =	vpop (xrf2);
	(xrf2) =	vadd.scan.msk.f32 $0xffff, v48  }
0x5f: {  	v51 =	vnsel vm0, $0x0, v46;
	v7, _, _ =	vpop (xrf1);
	(xrf1) =	vsort.ascd.msk.f32 $0xffff, v5, v5  }
0x60: {  	s9 =	sadd.s32 $0xFFFFFFFE, s11;
	v44, _, _ =	vpop (xrf2);
	(xrf2) =	vadd.scan.msk.f32 $0xffff, v51  }
0x61: {  	v50 =	vmov s9;
	(xrf1) =	vsort.ascd.msk.f32 $0xffff, v6, v6  }
0x62: {  	v52 =	vnsel vm0, $0x0, v47;
	v55 =	vld.idx.msk [tilespmem:v49+s2+$0x0], $0xffff;
	v5, _, _ =	vpop (xrf1);
	v6 =	vand.u32 $0x7D, v50;
	(xrf1) =	vsort.ascd.msk.f32 $0xffff, v36, v36  }
0x63: {  	v30 =	vnsel vm0, $0x0, v30;
	v34 =	vor.u32 v3, v56;
	v36, _, _ =	vpop (xrf2);
	(xrf2) =	vadd.scan.msk.f32 $0xffff, v52  }
0x64: {  	v41 =	vbroadcast v6, $0x0;
	v46, _, _ =	vpop (xrf2);
	(xrf2) =	vadd.scan.msk.f32 $0xffff, v30  }
0x65: {  	v54 =	vnsel vm0, $0x0, v31;
	v6, _, _ =	vpop (xrf1)  }
0x66: {  	v53 =	vor.u32 v0, v41;
	v42, _, _ =	vpop (xrf2);
	(xrf2) =	vadd.scan.msk.f32 $0xffff, v54  }
0x67: {  	v56 =	vnsel vm0, $0x0, v32;
	(xrf1) =	vsort.ascd.msk.f32 $0xffff, v55, v55;
	v32, _, _ =	vpop (xrf2)  }
0x68: {  	v57 =	vnsel vm0, $0x0, v33;
	v59 =	vld.idx.msk [tilespmem:v34+s2+$0x0], $0xffff;
	(xrf2) =	vadd.scan.msk.f32 $0xffff, v56;
	v47, _, _ =	vpop (xrf2)  }
0x69: {  	v29 =	vnsel vm0, $0x0, v29;
	v58 =	vor.u32 v1, v41;
	(xrf2) =	vadd.scan.msk.f32 $0xffff, v57;
	v34, _, _ =	vpop (xrf2)  }
0x6a: {  	v61 =	vnsel vm0, $0x0, v16;
	(xrf2) =	vadd.scan.msk.f32 $0xffff, v29;
	v31, _, _ =	vpop (xrf2)  }
0x6b: {  	v19 =	vnsel vm0, $0x0, v19;
	v60 =	vld.idx.msk [tilespmem:v53+s2+$0x0], $0xffff;
	(xrf2) =	vadd.scan.msk.f32 $0xffff, v61;
	v45, _, _ =	vpop (xrf2)  }
0x6c: {  	v63 =	vor.u32 v2, v41;
	(xrf2) =	vadd.scan.msk.f32 $0xffff, v19;
	v16, _, _ =	vpop (xrf1)  }
0x6d: {  	v62 =	vnsel vm0, $0x0, v17;
	(xrf1) =	vsort.ascd.msk.f32 $0xffff, v59, v59;
	v51, _, _ =	vpop (xrf2)  }
0x6e: {  	v22 =	vnsel vm0, $0x0, v22;
	v33 =	vld.idx.msk [tilespmem:v58+s2+$0x0], $0xffff;
	(xrf2) =	vadd.scan.msk.f32 $0xffff, v62;
	v53, _, _ =	vpop (xrf2)  }
0x6f: {  	(xrf2) =	vadd.scan.msk.f32 $0xffff, v22;
	v19, _, _ =	vpop (xrf1)  }
0x70: {  	s10 =	sadd.s32 $0xFFFFFFFF, s11;
	v28 =	vnsel vm0, $0x0, v28;
	(v2sf) =	vpush v35, $0xF;
	(xrf1) =	vsort.ascd.msk.f32 $0xffff, v60, v60;
	v55, _, _ =	vpop (xrf2)  }
0x71: {  	v27 =	vnsel vm0, $0x0, v27;
	(v2sf) =	vpush v37, $0xF;
	v48 =	vmov s10;
	v58 =	vld.idx.msk [tilespmem:v63+s2+$0x0], $0xffff;
	(xrf2) =	vadd.scan.msk.f32 $0xffff, v28;
	v17, _, _ =	vpop (xrf1)  }
0x72: {  	(v2sf) =	vpush v38, $0xF;
	v52 =	vand.u32 $0x7E, v48;
	v54 =	vor.u32 v3, v41;
	v57, _, _ =	vpop (xrf2);
	(xrf2) =	vadd.scan.msk.f32 $0xffff, v27  }
0x73: {  	v26 =	vnsel vm0, $0x0, v26;
	(v2sf) =	vpush v40, $0xF;
	v30 =	vbroadcast v52, $0x0;
	v22, _, _ =	vpop (xrf1);
	(xrf1) =	vsort.ascd.msk.f32 $0xffff, v33, v33  }
0x74: {  	v25 =	vnsel vm0, $0x0, v25;
	(v2sf) =	vpush v39, $0xF;
	(xrf2) =	vadd.scan.msk.f32 $0xffff, v26;
	v59, _, _ =	vpop (xrf2)  }
0x75: {  	v23 =	vnsel vm0, $0x0, v23;
	(v2sf) =	vpush v43, $0xF;
	v56 =	vor.u32 v0, v30;
	(xrf2) =	vadd.scan.msk.f32 $0xffff, v25;
	v60, _, _ =	vpop (xrf2)  }
0x76: {  	v24 =	vnsel vm0, $0x0, v24;
	(v2sf) =	vpush v44, $0xF;
	v61 =	vor.u32 v1, v30;
	(xrf1) =	vsort.ascd.msk.f32 $0xffff, v58, v58;
	v62, _, _ =	vpop (xrf2)  }
0x77: {  	(v2sf) =	vpush v36, $0xF;
	v63 =	vld.idx.msk [tilespmem:v54+s2+$0x0], $0xffff;
	(xrf2) =	vadd.scan.msk.f32 $0xffff, v24;
	v40, _, _ =	vpop (xrf2)  }
0x78: {  	v21 =	vnsel vm0, $0x0, v21;
	(v2sf) =	vpush v46, $0xF;
	(xrf2) =	vadd.scan.msk.f32 $0xffff, v23;
	v23, _, _ =	vpop (xrf1)  }
0x79: {  	v20 =	vnsel vm0, $0x0, v20;
	(v2sf) =	vpush v42, $0xF;
	(xrf2) =	vadd.scan.msk.f32 $0xffff, v21;
	v41, _, _ =	vpop (xrf2)  }
0x7a: {  	v43 =	vnsel vm0, $0x0, v18;
	(v2sf) =	vpush v32, $0xF;
	v28 =	vld.idx.msk [tilespmem:v56+s2+$0x0], $0xffff;
	(xrf2) =	vadd.scan.msk.f32 $0xffff, v20;
	v42, _, _ =	vpop (xrf2)  }
0x7b: {  	(v2sf) =	vpush v47, $0xF;
	v25 =	vld.idx.msk [tilespmem:v61+s2+$0x0], $0xffff;
	(xrf2) =	vadd.scan.msk.f32 $0xffff, v43;
	v47, _, _ =	vpop (xrf2)  }
0x7c: {  	v15 =	vnsel vm0, $0x0, v15;
	v44 =	vor.u32 v2, v30;
	(v2sf) =	vpush v34, $0xF;
	v20, _, _ =	vpop (xrf1);
	(xrf1) =	vsort.ascd.msk.f32 $0xffff, v63, v63  }
0x7d: {  	v14 =	vnsel vm0, $0x0, v14;
	(v2sf) =	vpush v31, $0xF;
	(xrf2) =	vadd.scan.msk.f32 $0xffff, v15;
	v49, _, _ =	vpop (xrf2)  }
0x7e: {  	v46 =	vmov s11;
	(v2sf) =	vpush v45, $0xF;
	(xrf2) =	vadd.scan.msk.f32 $0xffff, v14;
	v52, _, _ =	vpop (xrf2)  }
0x7f: {  	v13 =	vnsel vm0, $0x0, v13;
	v48 =	vand.u32 $0x7F, v46;
	(v2sf) =	vpush v51, $0xF;
	(xrf1) =	vsort.ascd.msk.f32 $0xffff, v28, v28;
	v54, _, _ =	vpop (xrf2)  }
0x80: {  	s24 =	spop (v2sf);
	v51 =	vor.u32 v3, v30;
	(v2sf) =	vpush v53, $0xF;
	v24 =	vbroadcast v48, $0x0;
	v18, _, _ =	vpop (xrf1);
	(xrf1) =	vsort.ascd.msk.f32 $0xffff, v25, v25  }
0x81: {  	v12 =	vnsel vm0, $0x0, v12;
	s14 =	spop (v2sf);
	(v2sf) =	vpush v55, $0xF;
	v55 =	vld.idx.msk [tilespmem:v44+s2+$0x0], $0xffff;
	(xrf2) =	vadd.scan.msk.f32 $0xffff, v13;
	v56, _, _ =	vpop (xrf2)  }
0x82: {  	v11 =	vnsel vm0, $0x0, v11;
	v53 =	vor.u32 v0, v24;
	(xrf2) =	vadd.scan.msk.f32 $0xffff, v12;
	v50, _, _ =	vpop (xrf1)  }
0x83: {  	v9 =	vnsel vm0, $0x0, v9;
	s19 =	spop (v2sf);
	(v2sf) =	vpush v57, $0xF;
	(xrf2) =	vadd.scan.msk.f32 $0xffff, v11;
	v57, _, _ =	vpop (xrf2)  }
0x84: {  	v8 =	vnsel vm0, $0x0, v8;
	s13 =	spop (v2sf);
	(v2sf) =	vpush v59, $0xF;
	v58 =	vor.u32 v1, v24;
	(xrf2) =	vadd.scan.msk.f32 $0xffff, v9;
	v59, _, _ =	vpop (xrf2)  }
0x85: {  	s12 =	spop (v2sf);
	(v2sf) =	vpush v60, $0xF;
	v60 =	vld.idx.msk [tilespmem:v51+s2+$0x0], $0xffff;
	(xrf2) =	vadd.scan.msk.f32 $0xffff, v8;
	v63, _, _ =	vpop (xrf1)  }
0x86: {  	v4 =	vnsel vm0, $0x0, v4;
	s30 =	spop (v2sf);
	(v2sf) =	vpush v62, $0xF;
	v33 =	vor.u32 v2, v24;
	(xrf1) =	vsort.ascd.msk.f32 $0xffff, v55, v55;
	v61, _, _ =	vpop (xrf2)  }
0x87: {  	s29 =	spop (v2sf);
	(v2sf) =	vpush v40, $0xF;
	v62 =	vld.idx.msk [tilespmem:v53+s2+$0x0], $0xffff;
	v27, _, _ =	vpop (xrf2);
	(xrf2) =	vadd.scan.msk.f32 $0xffff, v4;
	v4 =	vnsel vm0, $0x0, v10  }
0x88: {  	v7 =	vnsel vm0, $0x0, v7;
	s28 =	spop (v2sf);
	(v2sf) =	vpush v41, $0xF;
	v29, _, _ =	vpop (xrf2);
	(xrf2) =	vadd.scan.msk.f32 $0xffff, v4  }
0x89: {  	s26 =	spop (v2sf);
	(v2sf) =	vpush v42, $0xF;
	v4 =	vld.idx.msk [tilespmem:v58+s2+$0x0], $0xffff;
	v35, _, _ =	vpop (xrf2);
	(xrf2) =	vadd.scan.msk.f32 $0xffff, v7  }
0x8a: {  	v5 =	vnsel vm0, $0x0, v5;
	s20 =	spop (v2sf);
	(v2sf) =	vpush v47, $0xF;
	v31, _, _ =	vpop (xrf1);
	(xrf1) =	vsort.ascd.msk.f32 $0xffff, v60, v60  }
0x8b: {  	s17 =	spop (v2sf);
	(v2sf) =	vpush v49, $0xF;
	v8 =	vld.idx.msk [tilespmem:v33+s2+$0x0], $0xffff;
	(xrf2) =	vadd.scan.msk.f32 $0xffff, v5  }
0x8c: {  	s15 =	spop (v2sf);
	(v2sf) =	vpush v52, $0xF;
	v36, _, _ =	vpop (xrf2);
	(xrf1) =	vsort.ascd.msk.f32 $0xffff, v62, v62  }
0x8d: {  	s7 =	spop (v2sf);
	(v2sf) =	vpush v54, $0xF;
	v32, _, _ =	vpop (xrf1)  }
0x8e: {  	s3 =	sadd.f32 $0.0e+00, s24;
	s1 =	spop (v2sf);
	(v2sf) =	vpush v56, $0xF;
	v5, _, _ =	vpop (xrf1);
	(xrf1) =	vsort.ascd.msk.f32 $0xffff, v4, v4;
	v4 =	vnsel vm0, $0x0, v6  }
0x8f: {  	v37 =	vor.u32 v3, v24;
	s25 =	spop (v2sf);
	(v2sf) =	vpush v57, $0xF;
	v38, _, _ =	vpop (xrf2);
	(xrf2) =	vadd.scan.msk.f32 $0xffff, v4  }
0x90: {  	s3 =	sadd.f32 s14, s3;
	s23 =	spop (v2sf);
	(v2sf) =	vpush v59, $0xF;
	v39, _, _ =	vpop (xrf2);
	v4 =	vnsel vm0, $0x0, v16;
	(xrf1) =	vsort.ascd.msk.f32 $0xffff, v8, v8  }
0x91: {  	[dreg:$0x7] =	wrdreg s0;
	s22 =	spop (v2sf);
	(v2sf) =	vpush v61, $0xF;
	v40, _, _ =	vpop (xrf2);
	(xrf2) =	vadd.scan.msk.f32 $0xffff, v4;
	v4 =	vnsel vm0, $0x0, v19  }
0x92: {  	s3 =	sadd.f32 s19, s3;
	s21 =	spop (v2sf);
	(v2sf) =	vpush v27, $0xF;
	v41, _, _ =	vpop (xrf2);
	(xrf2) =	vadd.scan.msk.f32 $0xffff, v4;
	v4 =	vnsel vm0, $0x0, v17  }
0x93: {  	s31 =	sadd.f32 $0.0e+00, s12;
	s18 =	spop (v2sf);
	(v2sf) =	vpush v29, $0xF;
	v42, _, _ =	vpop (xrf2);
	(xrf2) =	vadd.scan.msk.f32 $0xffff, v4;
	v4 =	vnsel vm0, $0x0, v22  }
0x94: {  	s3 =	sadd.f32 s13, s3;
	s16 =	spop (v2sf);
	(v2sf) =	vpush v35, $0xF;
	v6 =	vld.idx.msk [tilespmem:v37+s2+$0x0], $0xffff;
	v43, _, _ =	vpop (xrf2);
	(xrf2) =	vadd.scan.msk.f32 $0xffff, v4;
	v4 =	vnsel vm0, $0x0, v23  }
0x95: {  	s4 =	sadd.f32 s30, s31;
	v44 =	vnsel vm0, $0x0, v20;
	s9 =	spop (v2sf);
	(v2sf) =	vpush v36, $0xF;
	v45, _, _ =	vpop (xrf2);
	(xrf2) =	vadd.scan.msk.f32 $0xffff, v4  }
0x96: {  	[dreg:$0x8] =	wrdreg s3;
	s6 =	spop (v2sf);
	(v2sf) =	vpush v38, $0xF;
	v47, _, _ =	vpop (xrf2);
	(xrf2) =	vadd.scan.msk.f32 $0xffff, v44  }
0x97: {  	s14 =	sadd.f32 s29, s4;
	v46 =	vnsel vm0, $0x0, v18;
	s0 =	spop (v2sf);
	(v2sf) =	vpush v39, $0xF;
	v4, _, _ =	vpop (xrf1)  }
0x98: {  	s8 =	sadd.f32 $0.0e+00, s26;
	s31 =	spop (v2sf);
	(v2sf) =	vpush v40, $0xF;
	(xrf2) =	vadd.scan.msk.f32 $0xffff, v46;
	v48, _, _ =	vpop (xrf1)  }
0x99: {  	s5 =	sadd.f32 s28, s14;
	v50 =	vnsel vm0, $0x0, v50;
	s24 =	spop (v2sf);
	(v2sf) =	vpush v41, $0xF;
	(xrf1) =	vsort.ascd.msk.f32 $0xffff, v6, v6;
	v51, _, _ =	vpop (xrf2)  }
0x9a: {  	s3 =	sadd.f32 s20, s8;
	v52 =	vnsel vm0, $0x0, v63;
	s29 =	spop (v2sf);
	(v2sf) =	vpush v42, $0xF;
	(xrf2) =	vadd.scan.msk.f32 $0xffff, v50;
	v49, _, _ =	vpop (xrf1)  }
0x9b: {  	[dreg:$0x9] =	wrdreg s5;
	v55 =	vnsel vm0, $0x0, v31;
	s30 =	spop (v2sf);
	(v2sf) =	vpush v43, $0xF;
	v53, _, _ =	vpop (xrf2);
	(xrf2) =	vadd.scan.msk.f32 $0xffff, v52  }
0x9c: {  	s10 =	sadd.f32 $0.0e+00, s7;
	v57 =	vnsel vm0, $0x0, v32;
	s19 =	spop (v2sf);
	v5 =	vnsel vm0, $0x0, v5;
	(v2sf) =	vpush v45, $0xF;
	v56, _, _ =	vpop (xrf2);
	(xrf2) =	vadd.scan.msk.f32 $0xffff, v55  }
0x9d: {  	s17 =	sadd.f32 s17, s3;
	s26 =	spop (v2sf);
	(v2sf) =	vpush v47, $0xF;
	v58, _, _ =	vpop (xrf2);
	(xrf2) =	vadd.scan.msk.f32 $0xffff, v57  }
0x9e: {  	s4 =	sadd.f32 s1, s10;
	s7 =	spop (v2sf);
	v4 =	vnsel vm0, $0x0, v4;
	(v2sf) =	vpush v51, $0xF;
	v59, _, _ =	vpop (xrf2);
	(xrf2) =	vadd.scan.msk.f32 $0xffff, v5  }
0x9f: {  	s15 =	sadd.f32 s15, s17;
	s20 =	spop (v2sf);
	(v2sf) =	vpush v53, $0xF;
	v5, _, _ =	vpop (xrf2);
	(xrf2) =	vadd.scan.msk.f32 $0xffff, v4;
	v4 =	vnsel vm0, $0x0, v48  }
0xa0: {  	s4 =	sadd.f32 s25, s4;
	s1 =	spop (v2sf);
	(v2sf) =	vpush v56, $0xF;
	v60, _, _ =	vpop (xrf2);
	(xrf2) =	vadd.scan.msk.f32 $0xffff, v4;
	v4 =	vnsel vm0, $0x0, v49  }
0xa1: {  	s12 =	sadd.f32 $0.0e+00, s22;
	s28 =	spop (v2sf);
	v54, _, _ =	vpop (xrf1);
	(v2sf) =	vpush v58, $0xF  }
0xa2: {  	s17 =	sadd.f32 s23, s4;
	s13 =	spop (v2sf);
	(v2sf) =	vpush v59, $0xF;
	v61, _, _ =	vpop (xrf2)  }
0xa3: {  	s4 =	sadd.f32 s21, s12;
	s25 =	spop (v2sf);
	(v2sf) =	vpush v5, $0xF;
	v5 =	vnsel vm0, $0x0, v54;
	(xrf2) =	vadd.scan.msk.f32 $0xffff, v4;
	v4, _, _ =	vpop (xrf1)  }
0xa4: {  	s9 =	sadd.f32 $0.0e+00, s9;
	v4 =	vnsel vm0, $0x0, v4  }
0xa5: {  	s4 =	sadd.f32 s18, s4;
	s23 =	spop (v2sf);
	v62, _, _ =	vpop (xrf2)  }
0xa6: {  	s6 =	sadd.f32 s6, s9;
	s22 =	spop (v2sf);
	(v2sf) =	vpush v60, $0xF;
	(xrf2) =	vadd.scan.msk.f32 $0xffff, v5;
	v5, _, _ =	vpop (xrf2)  }
0xa7: {  	s3 =	sadd.f32 s16, s4;
	s5 =	spop (v2sf);
	(v2sf) =	vpush v61, $0xF;
	(xrf2) =	vadd.scan.msk.f32 $0xffff, v4;
	v4, _, _ =	vpop (xrf1)  }
0xa8: {  	s6 =	sadd.f32 s0, s6;
	s21 =	spop (v2sf);
	(v2sf) =	vpush v62, $0xF;
	v4 =	vnsel vm0, $0x0, v4  }
0xa9: {  	s24 =	sadd.f32 $0.0e+00, s24;
	s9 =	spop (v2sf);
	v63, _, _ =	vpop (xrf2);
	(v2sf) =	vpush v5, $0xF  }
0xaa: {  	s6 =	sadd.f32 s31, s6;
	s14 =	spop (v2sf);
	(v2sf) =	vpush v63, $0xF;
	v5, _, _ =	vpop (xrf2);
	(xrf2) =	vadd.scan.msk.f32 $0xffff, v4  }
0xab: {  	s24 =	sadd.f32 s29, s24;
	s8 =	spop (v2sf);
	(v2sf) =	vpush v5, $0xF;
	v4, _, _ =	vpop (xrf2)  }
0xac: {  	s26 =	sadd.f32 $0.0e+00, s26;
	s4 =	spop (v2sf);
	v5, _, _ =	vpop (xrf2);
	(v2sf) =	vpush v4, $0xF  }
0xad: {  	s24 =	sadd.f32 s30, s24;
	s16 =	spop (v2sf);
	v4, _, _ =	vpop (xrf2);
	(v2sf) =	vpush v5, $0xF  }
0xae: {  	s7 =	sadd.f32 s7, s26;
	s31 =	spop (v2sf);
	v5, _, _ =	vpop (xrf2);
	(v2sf) =	vpush v4, $0xF  }
0xaf: {  	s19 =	sadd.f32 s19, s24;
	s10 =	spop (v2sf);
	(v2sf) =	vpush v5, $0xF  }
0xb0: {  	s7 =	sadd.f32 s20, s7;
	s29 =	spop (v2sf);
	v4, _, _ =	vpop (xrf2)  }
0xb1: {  	s28 =	sadd.f32 $0.0e+00, s28;
	s26 =	spop (v2sf);
	(v2sf) =	vpush v4, $0xF  }
0xb2: {  	s1 =	sadd.f32 s1, s7;
	s30 =	spop (v2sf);
	v4, _, _ =	vpop (xrf2)  }
0xb3: {  	s13 =	sadd.f32 s13, s28;
	s20 =	spop (v2sf);
	(v2sf) =	vpush v4, $0xF  }
0xb4: {  	s22 =	sadd.f32 $0.0e+00, s22;
	s24 =	spop (v2sf);
	v4, _, _ =	vpop (xrf2)  }
0xb5: {  	s13 =	sadd.f32 s25, s13;
	s7 =	spop (v2sf);
	(v2sf) =	vpush v4, $0xF  }
0xb6: {  	s5 =	sadd.f32 s5, s22;
	s12 =	spop (v2sf)  }
0xb7: {  	s18 =	sadd.f32 $0.0e+00, s14;
	s0 =	spop (v2sf)  }
0xb8: {  	s13 =	sadd.f32 s23, s13;
	s28 =	spop (v2sf)  }
0xb9: {  	s8 =	sadd.f32 s8, s18;
	s22 =	spop (v2sf)  }
0xba: {  	s5 =	sadd.f32 s21, s5;
	s25 =	spop (v2sf)  }
0xbb: {  	s4 =	sadd.f32 s4, s8;
	s21 =	spop (v2sf)  }
0xbc: {  	s5 =	sadd.f32 s9, s5;
	s23 =	spop (v2sf)  }
0xbd: {  	s4 =	sadd.f32 s16, s4;
	s9 =	spop (v2sf)  }
0xbe: {  	s16 =	sadd.f32 $0.0e+00, s31;
	s14 =	spop (v2sf)  }
0xbf: {  	s14 =	sadd.f32 $0.0e+00, s14  }
0xc0: {  	s31 =	rddreg [dreg:$0x9];
	s18 =	spop (v2sf)  }
0xc1: {  	s14 =	sadd.f32 s18, s14  }
0xc2: {  	s10 =	sadd.f32 s10, s16;
	s18 =	spop (v2sf)  }
0xc3: {  	s8 =	sadd.f32 s18, s14  }
0xc4: {  	s10 =	sadd.f32 s29, s10;
	s18 =	spop (v2sf)  }
0xc5: {  	s8 =	sadd.f32 s18, s8  }
0xc6: {  	s15 =	smul.f32 $5.000000070e-02, s15;
	s18 =	sadd.f32 $0.0e+00, s30  }
0xc7: {  	s30 =	rddreg [dreg:$0x8];
	s8 =	smul.f32 $5.000000070e-02, s8  }
0xc8: {  	s10 =	sadd.f32 s26, s10;
	s16 =	smul.f32 $5.000000070e-02, s30  }
0xc9: {  	s20 =	sadd.f32 s20, s18;
	v4 =	vmov s8;
	s8 =	smul.f32 $5.000000070e-02, s31  }
0xca: {  	s18 =	smul.f32 $5.000000070e-02, s19;
	s19 =	sadd.f32 $0.0e+00, s25;
	v4 =	vsel vm1, s16, v4  }
0xcb: {  	s14 =	sadd.f32 s24, s20;
	s16 =	smul.f32 $5.000000070e-02, s17;
	v4 =	vsel vm2, s8, v4  }
0xcc: {  	s3 =	smul.f32 $5.000000070e-02, s3;
	s17 =	sadd.f32 $0.0e+00, s12;
	v4 =	vsel vm3, s15, v4  }
0xcd: {  	s6 =	smul.f32 $5.000000070e-02, s6;
	s24 =	sadd.f32 s21, s19;
	v4 =	vsel vm4, s16, v4  }
0xce: {  	s1 =	smul.f32 $5.000000070e-02, s1;
	s0 =	sadd.f32 s0, s17;
	v4 =	vsel vm5, s3, v4  }
0xcf: {  	s5 =	smul.f32 $5.000000070e-02, s5;
	s7 =	sadd.f32 s7, s14;
	v4 =	vsel vm6, s6, v4  }
0xd0: {  	s20 =	smul.f32 $5.000000070e-02, s13;
	s0 =	sadd.f32 s28, s0;
	v4 =	vsel vm7, s18, v4  }
0xd1: {  	s25 =	smul.f32 $5.000000070e-02, s4;
	s26 =	sadd.f32 s23, s24;
	v4 =	vsel vm8, s1, v4  }
0xd2: {  	s29 =	smul.f32 $5.000000070e-02, s7;
	s0 =	sadd.f32 s22, s0;
	v4 =	vsel vm9, s20, v4  }
0xd3: {  	s28 =	smul.f32 $5.000000070e-02, s10;
	v4 =	vsel vm10, s5, v4  }
0xd4: {  	p0 =	sne.s32 s11, $0x7F;
	s4 =	sadd.f32 s9, s26;
	s0 =	smul.f32 $5.000000070e-02, s0;
	v4 =	vsel vm11, s25, v4  }
.Ltmp0:
0xd5: {  	v4 =	vsel vm12, s28, v4;
	(pc) =	sbr.rel @p0 .LBB2_2-.Ltmp0, $4  }
0xd6: {  	s30 =	smul.f32 $5.000000070e-02, s4;
	v4 =	vsel vm13, s29, v4  }
0xd7: {  	v4 =	vsel vm14, s0, v4  }
0xd8: {  	s31 =	rddreg [dreg:$0x7];
	v4 =	vsel vm15, s30, v4  }
0xd9: {  	s11 =	sadd.s32 $0x10, s11;
	s0 =	sadd.s32 $0x10, s31;
	[tilespmem:s31+$0x0] =	vst v4  }
0xda: {  	s0 =	rddreg [dreg:$0x4];
	s1 =	simm.s32 $0x2000;
	s4 =	simm.s32 $0x1  }
0xdb: {  	[hbm4b:s0+s2] =	stream.linear.scatter [tilespmem:s1], [sflag:$0x1], $0x80, $0x38;
	[tilespmem:$0x2080] =	vst v63  }
0xdc: {  	_ =	swait.ge [sflag:s4], $0x80  }
0xdd: {  	s30 =	rddreg [dreg:$0x6]  }
0xde: {  	s31 =	rddreg [dreg:$0x5];
	s1 =	sadd.s32 $0x1, s30  }
0xdf: {  	p0 =	sne.s32 s1, s31  }
.Ltmp1:
0xe0: {  	_ = 	snop;
	(pc) =	sbr.rel @p0 .LBB2_1-.Ltmp1, $3  }
0xe1: {  	_ =	sdelay $0x1  }
0xe2: {  	[sflag:s4] =	ssyncset.done $0x0  }
0xe3: {  	[sflag:s4] =	ssyncadd.s32 $0xFFFFFF80  }
0xe4: {  	_ =	sfence.sel $0x180000  }
0xe5: {  	[bflag:$0x0] =	sbarrier.arrive $0xFFFF  }
0xe6: {  	_ =	strace $0x9000004A  }
0xe7: {  	s0 =	stileid.u32;
	[bflag:$0x2] =	sbarrier.arrive $0xFFFF  }
0xe8: {  	p0 =	sne.s32 s0, $0x0;
	s0 =	rddreg [dreg:$0x2]  }
0xe9: {  	s0 =	sadd.s32 @!p0 $0x100000, s0  }
0xea: {  	[sflag:s0] =	ssyncadd.tile.s32 @!p0 $0x1;
	_ =	shalt  }
.Lfunc_end2:
_tile_overlayer_lowered:
.L_overlay_start_2:
0xeb: {  	(tag) =	ssettag $0x2  }
0xec: {  	s0 =	rddreg [dreg:$0x0];
	s2 =	stileid.u32  }
0xed: {  	s1 =	rddreg [dreg:$0x1];
	p0 =	sne.s32 s2, $0x0  }
0xee: {  	s3 =	rddreg [dreg:$0x2];
	[bflag:$0x3] =	sbarrier.arrive $0xFFFF;
	s2 =	simm.s32 @!p0 $0x1C01  }
0xef: {  	[timem:s3], [sflag:s2] =	dma.local @!p0 [hbm:s0], s1  }
0xf0: {  	s0 =	simm.s32 @!p0 $0x1  }
0xf1: {  	_ =	swait.ge @!p0 [sflag:s0], s1  }
0xf2: {  	s1 =	ssub.s32 @!p0 $0x0, s1;
	[sflag:s0] =	ssyncset.done @!p0 $0x0  }
0xf3: {  	[sflag:s0] =	ssyncadd.s32 @!p0 s1  }
0xf4: {  	[bflag:$0x3] =	sbarrier.arrive $0xFFFF  }
0xf5: {  	_ =	shalt  }

// kernel: kernel.7.cloned.1.call-start
scs
__scs_entry_jumppad:
0x0: {  	(pc) =	sbr.rel $0x88, $3  }
0x1: {  	(tag) =	ssettag $0x0;
	lr =	simm.s32 $0x1  }
0x2: {  	[smem:$0x3F9C] =	sst lr;
	_ =	strace $0xD0000000  }
0x3: {  	_ = 	snop  }
0x4: {  	_ = 	snop  }
0x5: {  	_ = 	snop  }
0x6: {  	_ = 	snop  }
0x7: {  	_ = 	snop  }
__scs_overlays_trampoline_lowered:
0x8: {  	[smem:$0x3FAB] =	sst s0  }
0x9: {  	[smem:$0x3FAC] =	sst s1  }
0xa: {  	[smem:$0x3FAD] =	sst s2  }
0xb: {  	[smem:$0x3FAE] =	sst s3  }
0xc: {  	[smem:$0x3FAF] =	sst s4  }
0xd: {  	[smem:$0x3FB0] =	sst s5  }
0xe: {  	[smem:$0x3FB1] =	sst s6  }
0xf: {  	[smem:$0x3FB2] =	sst s7  }
0x10: {  	[smem:$0x3FB3] =	sst s8  }
0x11: {  	[smem:$0x3FB4] =	sst s9;
	s0 =	simm.s32 @!p0 $0x0  }
0x12: {  	s1 =	sld [smem:$0x3F9A];
	s0 =	simm.s32 @p0 $0x1  }
0x13: {  	[smem:$0x3FB5] =	sst s0;
	s0 =	simm.s32 @!p1 $0x0  }
0x14: {  	s2 =	sld [smem:$0x3F99];
	s0 =	simm.s32 @p1 $0x1  }
0x15: {  	[smem:$0x3FB6] =	sst s0;
	s0 =	simm.s32 @!p2 $0x0  }
0x16: {  	s3 =	sld [smem:$0x3FDB];
	s0 =	simm.s32 @p2 $0x1  }
0x17: {  	s4 =	simm.s32 $0x1BF5;
	[smem:$0x3FB8] =	sst s0  }
0x18: {  	s0 =	sld [smem:$0x3F9B];
	_ =	swait.ge [sflag:s4], $0x0  }
0x19: {  	s7 =	sld [smem:$0x3F9C]  }
0x1a: {  	s8 =	sadd.s32 $0xFFFFE003, lr  }
0x1b: {  	s9 =	sadd.s32 $0xFFFFFEF7, lr;
	s5 =	simm.s32 $0xFFFFFFFF;
	p2 =	slt.u32 s8, $0xFFFFF086  }
0x1c: {  	p1 =	slt.u32 s9, $0xF7A;
	s5 =	simm.s32 @!p2 $0x0  }
0x1d: {  	s5 =	simm.s32 @p1 $0x1;
	p0 =	seq.s32 s7, s2  }
0x1e: {  	s7 =	smul.u32 @!p0 $0xF7A, s2;
	p2 =	seq.s32 @!p0 s5, $0x0  }
0x1f: {  	s9 =	smul.u32 $0xF7A, s1;
	s8 =	simm.s32 @!p0 $0x1BF5;
	p2 =	por !p2, p0  }
0x20: {  	[sflag:s8] =	ssyncset.s32 @!p0 $0xFFFFF086;
	s6 =	sadd.s32 @!p0 s3, s7;
	s7 =	simm.s32 @!p0 $0x108  }
0x21: {  	s3 =	sadd.s32 s3, s9;
	s6 =	sadd.s32 @!p0 $0x88, s6;
	s7 =	simm.s32 @p2 $0x1082  }
0x22: {  	[simem:s7], [sflag:s8] =	dma.local @!p0 [hbm:s6], $0xF7A  }
0x23: {  	s9 =	sor.u32 $0xD0000000, s2;
	s6 =	simm.s32 $0x108;
	_ =	swait.ge @!p0 [sflag:s8], $0x0  }
0x24: {  	s3 =	sadd.s32 $0x88, s3;
	s6 =	simm.s32 @!p1 $0x1082;
	[sflag:s4] =	ssyncset.s32 $0xFFFFF086  }
0x25: {  	[simem:s6], [sflag:s4] =	dma.local [hbm:s3], $0xF7A  }
0x26: {  	[smem:$0x3F9C] =	sst s1;
	(tag) =	ssettag s2;
	_ =	strace s9  }
0x27: {  	s1 =	sld [smem:$0x3FAC]  }
0x28: {  	s2 =	sld [smem:$0x3FAD]  }
0x29: {  	s4 =	sld [smem:$0x3FAF]  }
0x2a: {  	p0 =	seq.s32 s5, $0x0;
	s5 =	sld [smem:$0x3FB0]  }
0x2b: {  	s6 =	sld [smem:$0x3FB1]  }
0x2c: {  	s7 =	sld [smem:$0x3FB2]  }
0x2d: {  	s3 =	simm.s32 $0x108;
	s8 =	sld [smem:$0x3FB3]  }
0x2e: {  	s3 =	simm.s32 @!p0 $0x1082;
	s9 =	sld [smem:$0x3FB4]  }
0x2f: {  	lr =	sadd.s32 s0, s3;
	s0 =	sld [smem:$0x3FAB]  }
0x30: {  	s3 =	sld [smem:$0x3FAE]  }
0x31: {  	[smem:$0x3FB7] =	sst s10  }
0x32: {  	s10 =	sld [smem:$0x3FB5];
	_ =	sdelay $0x3  }
0x33: {  	p0 =	seq.s32 s10, $0x1;
	s10 =	sld [smem:$0x3FB7];
	_ =	sdelay $0x3  }
0x34: {  	[smem:$0x3FB7] =	sst s10  }
0x35: {  	s10 =	sld [smem:$0x3FB6];
	_ =	sdelay $0x3  }
0x36: {  	p1 =	seq.s32 s10, $0x1;
	s10 =	sld [smem:$0x3FB7];
	_ =	sdelay $0x3  }
0x37: {  	[smem:$0x3FB7] =	sst s10  }
0x38: {  	s10 =	sld [smem:$0x3FB8]  }
0x39: {  	_ = 	snop;
	(pc) =	sbr.ind lr, $3  }
0x3a: {  	_ = 	snop  }
0x3b: {  	_ = 	snop  }
0x3c: {  	p2 =	seq.s32 s10, $0x1;
	s10 =	sld [smem:$0x3FB7]  }
0x3d: {  	_ =	shalt  }
0x3e: {  	_ =	shalt  }
0x3f: {  	_ =	shalt  }
0x40: {  	_ =	shalt  }
0x41: {  	_ =	shalt  }
0x42: {  	_ =	shalt  }
0x43: {  	_ =	shalt  }
0x44: {  	_ =	shalt  }
0x45: {  	_ =	shalt  }
0x46: {  	_ =	shalt  }
0x47: {  	_ =	shalt  }
0x48: {  	_ =	shalt  }
0x49: {  	_ =	shalt  }
0x4a: {  	_ =	shalt  }
0x4b: {  	_ =	shalt  }
0x4c: {  	_ =	shalt  }
0x4d: {  	_ =	shalt  }
0x4e: {  	_ =	shalt  }
0x4f: {  	_ =	shalt  }
0x50: {  	_ =	shalt  }
0x51: {  	_ =	shalt  }
0x52: {  	_ =	shalt  }
0x53: {  	_ =	shalt  }
0x54: {  	_ =	shalt  }
0x55: {  	_ =	shalt  }
0x56: {  	_ =	shalt  }
0x57: {  	_ =	shalt  }
0x58: {  	_ =	shalt  }
0x59: {  	_ =	shalt  }
0x5a: {  	_ =	shalt  }
0x5b: {  	_ =	shalt  }
0x5c: {  	_ =	shalt  }
0x5d: {  	_ =	shalt  }
0x5e: {  	_ =	shalt  }
0x5f: {  	_ =	shalt  }
0x60: {  	_ =	shalt  }
0x61: {  	_ =	shalt  }
0x62: {  	_ =	shalt  }
0x63: {  	_ =	shalt  }
0x64: {  	_ =	shalt  }
0x65: {  	_ =	shalt  }
0x66: {  	_ =	shalt  }
0x67: {  	_ =	shalt  }
0x68: {  	_ =	shalt  }
0x69: {  	_ =	shalt  }
0x6a: {  	_ =	shalt  }
0x6b: {  	_ =	shalt  }
0x6c: {  	_ =	shalt  }
0x6d: {  	_ =	shalt  }
0x6e: {  	_ =	shalt  }
0x6f: {  	_ =	shalt  }
0x70: {  	_ =	shalt  }
0x71: {  	_ =	shalt  }
0x72: {  	_ =	shalt  }
0x73: {  	_ =	shalt  }
0x74: {  	_ =	shalt  }
0x75: {  	_ =	shalt  }
0x76: {  	_ =	shalt  }
0x77: {  	_ =	shalt  }
0x78: {  	_ =	shalt  }
0x79: {  	_ =	shalt  }
0x7a: {  	_ =	shalt  }
0x7b: {  	_ =	shalt  }
0x7c: {  	_ =	shalt  }
0x7d: {  	_ =	shalt  }
0x7e: {  	_ =	shalt  }
0x7f: {  	_ =	shalt  }
0x80: {  	_ =	shalt  }
0x81: {  	_ =	shalt  }
0x82: {  	_ =	shalt  }
0x83: {  	_ =	shalt  }
0x84: {  	_ =	shalt  }
0x85: {  	_ =	shalt  }
0x86: {  	_ =	shalt  }
0x87: {  	_ =	shalt  }
.Lfunc_end0:
.L_simem_size_0:
called_computation_lowered:
.L_overlay_start_0:
0x88: {  	s2 =	sld [smem:$0x3FD9]  }
0x89: {  	s3 =	sld [smem:$0x3FFE];
	_ =	sdelay $0x1  }
0x8a: {  	s1 =	srdreg.scid  }
0x8b: {  	s0 =	sand.u32 $0x1, s1  }
0x8c: {  	s16 =	sshll.u32 s0, $0xA;
	s2 =	sadd.s32 s3, s2  }
0x8d: {  	s2 =	sadd.s32 s2, s16  }
0x8e: {  	[smem:$0x3FC3] =	sst s2  }
0x8f: {  	_ = 	snop  }
0x90: {  	(tm) =	ssettm $0x1  }
0x91: {  	s17 =	sld [smem:$0x3FFB];
	_ =	sdelay $0x3  }
0x92: {  	_ =	strace s17  }
0x93: {  	s2 =	sld [smem:$0x3FFC];
	_ =	sdelay $0x3  }
0x94: {  	_ =	strace s2  }
0x95: {  	s2 =	sld [smem:$0x3FFD];
	_ =	sdelay $0x3  }
0x96: {  	_ =	strace s2  }
0x97: {  	_ =	strace $0x8FFFFFFF  }
0x98: {  	s18 =	sld [smem:$0x3FDB];
	_ =	sdelay $0x1  }
0x99: {  	s19 =	simm.s32 $_scs_section_size  }
0x9a: {  	s4 =	simm.s32 $_size__tile_overlayer_lowered;
	s5 =	simm.s32 $_tile_overlayer_lowered  }
0x9b: {  	s22 =	simm.s32 $0x1BFF;
	s21 =	sshll.u32 s5, $0x1;
	s2 =	sadd.s32 s19, s18  }
0x9c: {  	s6 =	simm.s32 $0x0;
	s20 =	sshll.u32 s4, $0x1;
	s4 =	sadd.s32 s21, s2  }
0x9d: {  	[timem:s6], [sflag:s22] =	dma.local [hbm:s4], s20  }
0x9e: {  	_ =	swait.ge [sflag:s22], s20  }
0x9f: {  	s3 =	ssub.s32 $0x0, s20;
	[sflag:s22] =	ssyncset.done $0x0  }
0xa0: {  	[sflag:s22] =	ssyncadd.s32 s3;
	_ =	sdelay $0x1  }
0xa1: {  	s23 =	simm.s32 $0x1B8B  }
0xa2: {  	_ =	swait.ge [sflag:s23], $0x1  }
0xa3: {  	[sflag:s23] =	ssyncset.done $0x0  }
0xa4: {  	s25 =	simm.s32 $0x1B8E;
	s24 =	sld [smem:$0x3FFE];
	[sflag:s23] =	ssyncadd.s32 $0xFFFFFFFF  }
0xa5: {  	s26 =	simm.s32 $execute0_lowered;
	[smem:$0x3FD2] =	sst s25  }
0xa6: {  	s4 =	sshll.u32 s26, $0x1;
	_ =	strace $0x80000046;
	[dreg:$0x1] =	wrdreg $0xFFFFFFFF  }
0xa7: {  	s28 =	simm.s32 $_size_execute0_lowered;
	s2 =	sadd.s32 s2, s4;
	[dreg:$0x0] =	wrdreg $0x0  }
0xa8: {  	s4 =	sshll.u32 s28, $0x1;
	[dreg:$0x2] =	wrdreg s2  }
0xa9: {  	[dreg:$0x3] =	wrdreg s4  }
0xaa: {  	[dreg:$0x4] =	wrdreg $0xC0  }
0xab: {  	_ =	task [dreg:s6], $0x5FFFF  }
0xac: {  	[dreg:$0x1] =	wrdreg $0xFFFFFFFF  }
0xad: {  	[dreg:$0x0] =	wrdreg $0x60  }
0xae: {  	[dreg:$0x2] =	wrdreg s24  }
0xaf: {  	[dreg:$0x3] =	wrdreg $0x9  }
0xb0: {  	_ =	task.clear_ibuf [dreg:s6], $0x4FFFF;
	_ =	strace $0x90000046  }
0xb1: {  	s29 =	simm.s32 $0x9;
	_ =	strace $0x80000048  }
0xb2: {  	_ =	swait.ge [sflag:s29], $0x1  }
0xb3: {  	[sflag:s29] =	ssyncadd.s32 $0xFFFFFFFF  }
0xb4: {  	_ =	strace $0x90000048  }
0xb5: {  	_ =	sfence  }
0xb6: {  	s30 =	sld [smem:$0x0];
	_ =	sdelay $0x2  }
0xb7: {  	s31 =	sshll.u32 s1, $0xD;
	s1 =	sshrl.u32 s1, $0x2  }
0xb8: {  	s3 =	sand.u32 $0x4000, s31;
	s1 =	sadd.s32 s1, s30  }
0xb9: {  	s0 =	sor.u32 s3, s0;
	s1 =	sshll.u32 s1, $0x11  }
0xba: {  	s0 =	sor.u32 s1, s0  }
0xbb: {  	s0 =	sadd.s32 $0x8F2B, s0  }
0xbc: {  	[sflag:s0] =	ssyncadd.remote.s32 $0x1  }
0xbd: {  	_ =	sfence.sel $0xFFFF  }
0xbe: {  	[dreg:$0x0] =	wrdreg $0xFFFFFFFF;
	(pc) =	sbr.abs _section_cstart, $3  }
0xbf: {  	[dreg:$0x1] =	wrdreg $0xFFFFFFFF  }
0xc0: {  	_ =	task.clear_ibuf [dreg:s6], $0x2FFFF;
	_ =	strace $0x9FFFFFFF  }
0xc1: {  	(tm) =	ssettm $0x7FFFFFFF  }
tec
execute0_lowered:
.L_overlay_start_1:
0x0: {  	(tag) =	ssettag $0x1  }
0x1: {  	s4 =	rddreg [dreg:$0x0]  }
0x2: {  	s0 =	rddreg [dreg:$0x1];
	s1 =	simm.s32 $0x0;
	s5 =	srdreg.scid  }
0x3: {  	s2 =	stileid.u32;
	s11 =	simm.s32 $0x3140;
	s12 =	simm.s32 $0x3D80  }
0x4: {  	s13 =	simm.s32 $0x1;
	s14 =	simm.s32 $0x4A00;
	s15 =	simm.s32 $0x2  }
0x5: {  	s16 =	simm.s32 $0x0;
	[smem:$0x7FF] =	sst s1;
	s3 =	sadd.s32 $0x1000, s4  }
.Ltmp0:
0x6: {  	s6 =	sand.u32 $0x1, s5;
	s4 =	sadd.s32 $0x4A800, s4;
	(pc) =	sbr.rel .LBB2_1-.Ltmp0, $4  }
0x7: {  	s5 =	smul.u32 $0x2A0, s2;
	s9 =	sshll.u32 s2, $0x4;
	s7 =	ssub.s32 $0x2, s6  }
0x8: {  	_ =	strace $0x80000047;
	s6 =	sshll.u32 s6, $0x3;
	s8 =	sshrl.u32 s7, $0x1  }
0x9: {  	s6 =	sor.u32 s6, s9;
	s10 =	ssub.s32 s7, s8;
	s7 =	sadd.s32 $0xE0, s5  }
0xa: {  	v0 =	vlaneseq.u32;
	v1 =	vimm.s32 $0x0;
	s8 =	sadd.s32 $0x1C0, s5;
	s9 =	smax.u32 s10, $0x1;
	s10 =	simm.s32 $0x2500  }
.LBB2_9:
0xb: {  	s16 =	sadd.s32 $0x1, s16  }
0xc: {  	p0 =	sne.s32 s16, s9  }
.Ltmp1:
0xd: {  	_ = 	snop;
	(pc) =	sbr.rel @!p0 .LBB2_10-.Ltmp1, $1  }
0xe: {  	_ =	sdelay $0x3  }
.LBB2_1:
0xf: {  	v2 =	vor.u32 s1, v0  }
0x10: {  	v3 =	vmulhi.u32 $0xDEE95C4D, v2;
	_ =	sdelay $0x1  }
0x11: {  	v3 =	vshrl.u32 v3, $0x9  }
0x12: {  	v4 =	vmul.u32 $0xFFFFFDB4, v3;
	_ =	sdelay $0x1  }
0x13: {  	v4 =	vadd.s32 v2, v4  }
0x14: {  	v2 =	vand.u32 $0xFFFF, v4  }
0x15: {  	s17 =	simm.s32 $0x10;
	v5 =	vmov s1;
	v2 =	vmulhi.u32 $0x14E5E0B, v2  }
0x16: {  	v6 =	vor.u32 s17, v0;
	vm1 =	veq.s32 v5, v0  }
0x17: {  	v5 =	vmulhi.u32 $0xDEE95C4D, v6;
	vm0 =	vne.s32 v4, $0x0;
	v7 =	vmul.u32 $0x3C, v2  }
0x18: {  	vm0 =	vmand vm1, vm0  }
0x19: {  	v8 =	vmul.u32 $0xC40, v2;
	v2 =	vshrl.u32 v5, $0x9;
	v5 =	vadd.s32 v4, v7  }
0x1a: {  	v4 =	vmul.u32 $0xFFFFFDB4, v2;
	v7 =	vsel vm0, $0xFFFFFFFF, v1;
	v9 =	vand.u32 $0xFF, v5  }
0x1b: {  	v60 =	vmov s17;
	v3 =	vadd.s32 v7, v3;
	v7 =	vmulhi.u32 $0x12492493, v9  }
0x1c: {  	vm1 =	veq.s32 v60, v0;
	v6 =	vadd.s32 v6, v4;
	v3 =	vmul.u32 $0xE, v3  }
0x1d: {  	v8 =	vand.u32 $0xFFFF, v8;
	v4 =	vand.u32 $0xFFFF, v6;
	v10 =	vmul.u32 $0xF2, v7  }
0x1e: {  	s18 =	simm.s32 $0x20;
	vm0 =	vne.s32 v6, $0x0;
	v61 =	vmulhi.u32 $0x14E5E0B, v4;
	v3 =	vadd.s32 v8, v3  }
0x1f: {  	v4 =	vor.u32 s18, v0;
	v8 =	vmul.u32 $0xE0, v7;
	v5 =	vadd.s32 v5, v10  }
0x20: {  	v62 =	vmulhi.u32 $0xDEE95C4D, v4;
	v11 =	vmul.u32 $0x3C, v61;
	v5 =	vand.u32 $0xFF, v5  }
0x21: {  	vm0 =	vmand vm1, vm0;
	v7 =	vmul.u32 $0xC40, v61;
	v63 =	vadd.s32 v5, v3  }
0x22: {  	s19 =	simm.s32 $0x30;
	s17 =	simm.s32 $0x0;
	v5 =	vshrl.u32 v62, $0x9;
	v3 =	vadd.s32 v6, v11;
	v6 =	vadd.s32 v8, v63  }
.LBB2_2:
0x23: {  	p0 =	sne.s32 s19, $0x24B0  }
0x24: {  	v8 =	vmul.u32 $0xFFFFFDB4, v5;
	v9 =	vsel vm0, $0xFFFFFFFF, v1;
	v10 =	vand.u32 $0xFF, v3;
	[tilespmem:s17+$0x0] =	vst v6;
	s17 =	sadd.s32 $0x10, s17;
	s20 =	smov.u32 s19;
	s19 =	sadd.s32 $0x10, s19  }
0x25: {  	v7 =	vand.u32 $0xFFFF, v7;
	v6 =	vadd.s32 v9, v2;
	v9 =	vmulhi.u32 $0x12492493, v10;
	v2 =	vmovc v5  }
0x26: {  	v5 =	vmov s18;
	s18 =	smov.u32 s20;
	v8 =	vadd.s32 v4, v8;
	v4 =	vmul.u32 $0xE, v6  }
0x27: {  	vm0 =	vne.s32 v8, $0x0;
	v6 =	vand.u32 $0xFFFF, v8;
	v10 =	vmul.u32 $0xF2, v9  }
.Ltmp2:
0x28: {  	vm1 =	veq.s32 v5, v0;
	v5 =	vmulhi.u32 $0x14E5E0B, v6;
	v6 =	vadd.s32 v7, v4;
	(pc) =	sbr.rel @p0 .LBB2_2-.Ltmp2, $4  }
0x29: {  	v9 =	vmul.u32 $0xE0, v9;
	v4 =	vor.u32 s18, v0;
	v3 =	vadd.s32 v3, v10  }
0x2a: {  	v10 =	vmulhi.u32 $0xDEE95C4D, v4;
	v11 =	vmul.u32 $0x3C, v5;
	v3 =	vand.u32 $0xFF, v3  }
0x2b: {  	vm0 =	vmand vm1, vm0;
	v7 =	vmul.u32 $0xC40, v5;
	v6 =	vadd.s32 v3, v6  }
0x2c: {  	v5 =	vshrl.u32 v10, $0x9;
	v3 =	vadd.s32 v8, v11;
	v6 =	vadd.s32 v9, v6  }
0x2d: {  	v8 =	vmul.u32 $0xFFFFFDB4, v5;
	_ =	sdelay $0x1  }
0x2e: {  	v4 =	vadd.s32 v4, v8  }
0x2f: {  	v8 =	vand.u32 $0xFFFF, v4  }
0x30: {  	v8 =	vmulhi.u32 $0x14E5E0B, v8;
	_ =	sdelay $0x1  }
0x31: {  	v9 =	vsel vm0, $0xFFFFFFFF, v1;
	v10 =	vand.u32 $0xFF, v3;
	v11 =	vmul.u32 $0x3C, v8  }
0x32: {  	v57 =	vmov s18;
	v7 =	vand.u32 $0xFFFF, v7;
	v56 =	vmulhi.u32 $0x12492493, v10  }
0x33: {  	v2 =	vadd.s32 v9, v2;
	vm15 =	vne.s32 v4, $0x0;
	v4 =	vadd.s32 v4, v11  }
0x34: {  	vm1 =	veq.s32 v57, v0;
	v58 =	vmul.u32 $0xF2, v56;
	v59 =	vand.u32 $0xFF, v4  }
0x35: {  	v2 =	vmul.u32 $0xE, v2;
	vm0 =	vmand vm1, vm15;
	v10 =	vmulhi.u32 $0x12492493, v59  }
0x36: {  	v9 =	vmul.u32 $0xE0, v56;
	v3 =	vadd.s32 v3, v58;
	v60 =	vsel vm0, $0xFFFFFFFF, v1  }
0x37: {  	v8 =	vmul.u32 $0xC40, v8;
	v61 =	vadd.s32 v60, v5;
	v62 =	vmul.u32 $0xF2, v10  }
0x38: {  	v2 =	vadd.s32 v7, v2;
	v3 =	vand.u32 $0xFF, v3;
	v5 =	vmul.u32 $0xE, v61  }
0x39: {  	v2 =	vadd.s32 v3, v2;
	v3 =	vand.u32 $0xFFFF, v8;
	v4 =	vadd.s32 v4, v62  }
0x3a: {  	v3 =	vadd.s32 v3, v5;
	v63 =	vmul.u32 $0xE0, v10;
	v4 =	vand.u32 $0xFF, v4  }
0x3b: {  	[tilespmem:s17+$0x0] =	vst v6;
	s30 =	sadd.s32 $0x10, s17;
	v2 =	vadd.s32 v9, v2;
	v3 =	vadd.s32 v4, v3  }
0x3c: {  	s31 =	sadd.s32 $0x10, s30;
	[tilespmem:s30+$0x0] =	vst v2;
	v2 =	vadd.s32 v63, v3  }
0x3d: {  	s17 =	simm.s32 $0x0;
	s18 =	simm.s32 $0x0;
	[tilespmem:s31+$0x0] =	vst v2  }
.LBB2_4:
0x3e: {  	s19 =	sadd.s32 s6, s18  }
0x3f: {  	s20 =	sand.u32 $0xF, s19  }
0x40: {  	s20 =	smul.u32 $0xE, s20;
	_ =	sdelay $0x1  }
0x41: {  	s21 =	sadd.s32 s5, s20  }
0x42: {  	s21 =	smul.u32 $0x1C, s21;
	_ =	sdelay $0x1  }
0x43: {  	s31 =	sadd.s32 s7, s20;
	s21 =	sadd.s32 s3, s21  }
0x44: {  	[tilespmem:s10], [sflag:$0x1] =	stream.linear.gather [hbm4b:s21+s17], $0xC40, $0x38;
	[tilespmem:$0x6F00] =	vst v63  }
0x45: {  	s21 =	smul.u32 $0x1C, s31  }
0x46: {  	s20 =	sadd.s32 s8, s20  }
0x47: {  	s20 =	smul.u32 $0x1C, s20;
	s21 =	sadd.s32 s3, s21  }
0x48: {  	[tilespmem:s11], [sflag:$0x1] =	stream.linear.gather [hbm4b:s21+s17], $0xC40, $0x38;
	[tilespmem:$0x6F00] =	vst v63  }
0x49: {  	s20 =	sadd.s32 s3, s20  }
0x4a: {  	[tilespmem:s12], [sflag:$0x1] =	stream.linear.gather [hbm4b:s20+s17], $0xC40, $0x38;
	[tilespmem:$0x6F00] =	vst v63  }
0x4b: {  	_ =	swait.ge [sflag:s13], $0xC40  }
0x4c: {  	[sflag:s13] =	ssyncset.done $0x0  }
0x4d: {  	[sflag:s13] =	ssyncadd.s32 $0xFFFFF3C0  }
0x4e: {  	p1 =	por $0x1, $0x1;
	_ =	swait.ge [sflag:s13], $0xC40  }
.Ltmp3:
0x4f: {  	[sflag:s13] =	ssyncset.done $0x0;
	(pc) =	sbr.rel @!p1 .LBB2_5-.Ltmp3, $4  }
0x50: {  	[sflag:s13] =	ssyncadd.s32 $0xFFFFF3C0  }
0x51: {  	_ =	swait.ge [sflag:s13], $0xC40  }
0x52: {  	[sflag:s13] =	ssyncset.done $0x0  }
0x53: {  	p0 =	por $0x0, $0x0;
	s20 =	simm.s32 $0x0;
	[sflag:s13] =	ssyncadd.s32 $0xFFFFF3C0  }
0x54: {  	v2 =	vld [tilespmem:s20+$0x0];
	_ =	sdelay $0x2  }
0x55: {  	p1 =	por $0x1, $0x1  }
.Ltmp4:
0x56: {  	_ = 	snop;
	(pc) =	sbr.rel @!p1 .LBB2_8-.Ltmp4, $2  }
0x57: {  	_ =	sdelay $0x2  }
0x58: {  	s21 =	simm.s32 $0x10;
	s22 =	simm.s32 $0x80;
	p0 =	por $0x1, $0x1;
	v2 =	vld.idx.msk [tilespmem:v2+s10+$0x0], $0xffff  }
.LBB2_7:
0x59: {  	p1 =	sne.s32 s22, $0x92C0;
	v3 =	vld [tilespmem:s21+$0x0];
	_ =	sdelay $0x3  }
.Ltmp5:
0x5a: {  	(pc) =	sbr.rel @p1 .LBB2_7-.Ltmp5, $2  }
0x5b: {  	[tilespmem:s20+$0x4A00] =	vst v2;
	s20 =	smov.u32 s21;
	_ =	sdelay $0x2  }
0x5c: {  	s21 =	sshra.s32 s22, $0x2;
	s22 =	sadd.s32 $0x40, s22;
	v2 =	vld.idx.msk [tilespmem:v3+s10+$0x0], $0xffff  }
.LBB2_8:
0x5d: {  	v3 =	vld [tilespmem:s21+$0x0];
	_ =	sdelay $0x6  }
0x5e: {  	[tilespmem:s20+$0x4A00] =	vst @p0 v2  }
0x5f: {  	v2 =	vld.idx.msk [tilespmem:v3+s10+$0x0], $0xffff;
	_ =	sdelay $0x2  }
0x60: {  	s19 =	smul.u32 $0x498, s19  }
0x61: {  	s18 =	sadd.s32 $0x1, s18  }
0x62: {  	s19 =	sadd.s32 s4, s19;
	p0 =	sne.s32 s18, $0x8;
	[tilespmem:s21+$0x4A00] =	vst v2  }
0x63: {  	[hbm4b:s19+s1] =	stream.linear.scatter [tilespmem:s14], [sflag:$0x2], $0x24C0, $0x38;
	[tilespmem:$0x6F00] =	vst v63  }
.Ltmp6:
0x64: {  	_ = 	snop;
	(pc) =	sbr.rel @p0 .LBB2_4-.Ltmp6, $4  }
.Ltmp7:
0x65: {  	_ = 	snop;
	(pc) =	sbr.rel @!p0 .LBB2_9-.Ltmp7, $4  }
0x66: {  	_ =	swait.ge [sflag:s15], $0x24C0  }
0x67: {  	[sflag:s15] =	ssyncset.done $0x0  }
0x68: {  	[sflag:s15] =	ssyncadd.s32 $0xFFFFDB40  }
0x69: {  	_ = 	snop  }
.LBB2_5:
.Ltmp8:
0x6a: {  	(pc) =	sbr.rel .LBB2_8-.Ltmp8, $2  }
0x6b: {  	_ =	sdelay $0x2  }
0x6c: {  	s21 =	simm.s32 $0x0  }
.LBB2_10:
0x6d: {  	_ =	sfence.sel $0x180000  }
0x6e: {  	[bflag:$0x0] =	sbarrier.arrive $0xFFFF  }
0x6f: {  	p0 =	sne.s32 s2, $0x0;
	_ =	strace $0x90000047  }
0x70: {  	s0 =	sadd.s32 @!p0 $0x100000, s0;
	[bflag:$0x2] =	sbarrier.arrive $0xFFFF  }
0x71: {  	[sflag:s0] =	ssyncadd.tile.s32 @!p0 $0x1;
	_ =	shalt  }
.Lfunc_end2:
_tile_overlayer_lowered:
.L_overlay_start_2:
0x72: {  	(tag) =	ssettag $0x2  }
0x73: {  	s0 =	rddreg [dreg:$0x0];
	s2 =	stileid.u32  }
0x74: {  	s1 =	rddreg [dreg:$0x1];
	p0 =	sne.s32 s2, $0x0  }
0x75: {  	s3 =	rddreg [dreg:$0x2];
	[bflag:$0x3] =	sbarrier.arrive $0xFFFF;
	s2 =	simm.s32 @!p0 $0x1C02  }
0x76: {  	[timem:s3], [sflag:s2] =	dma.local @!p0 [hbm:s0], s1  }
0x77: {  	s0 =	simm.s32 @!p0 $0x2  }
0x78: {  	_ =	swait.ge @!p0 [sflag:s0], s1  }
0x79: {  	s1 =	ssub.s32 @!p0 $0x0, s1;
	[sflag:s0] =	ssyncset.done @!p0 $0x0  }
0x7a: {  	[sflag:s0] =	ssyncadd.s32 @!p0 s1  }
0x7b: {  	[bflag:$0x3] =	sbarrier.arrive $0xFFFF  }
0x7c: {  	_ =	shalt  }

</sc_bundles>
